<compile_context>
chip_gen: v7x
topology: tpu7x:2x2x1
jax: 0.10.2.dev20260603
libtpu: 0.0.44.dev20260713+nightly
codegen_flags: <defaults>
</compile_context>

<pallas_src>
import functools

import jax
import jax.numpy as jnp
from jax import lax
from jax.experimental import pallas as pl
from jax.experimental.pallas import tpu as pltpu
from jax.experimental.pallas import tpu_sc as plsc

_F = 26
_D = 50
_B = 16384
_L = 16
_NC = 2
_NS = 16
_NW = _NC * _NS
_COLS = _B // _NW
_CSTEPS = _COLS // _L
_TAB = _F * _D
_TPAD = ((_TAB + _L - 1) // _L) * _L
_DS = 56
_TAB56 = _F * _DS + _L
_PKLEN = _TAB + 2 * _F
_PK = _PKLEN + _L
_SLAB = _F * _COLS


def _make_sc_kernel():
    mesh = plsc.VectorSubcoreMesh(core_axis_name="c", subcore_axis_name="s")

    @functools.partial(
        pl.kernel,
        mesh=mesh,
        out_type=jax.ShapeDtypeStruct((_F, _B), jnp.float32),
        compiler_params=pltpu.CompilerParams(needs_layout_passes=False,
                                             skip_device_barrier=True),
        scratch_types=[
            pltpu.VMEM((_SLAB,), jnp.int32),
            pltpu.VMEM((_SLAB,), jnp.float32),
            pltpu.VMEM((_PK,), jnp.float32),
            pltpu.VMEM((_TAB56,), jnp.float32),
            pltpu.SemaphoreType.DMA,
            pltpu.SemaphoreType.DMA,
            pltpu.SemaphoreType.DMA,
        ],
    )
    def sc_kernel(idx_hbm, pk_hbm, out_hbm,
                  idx_v, out_v, pk_v, tab56_v,
                  isem, osem, bsem):
        wid = lax.axis_index("s") * _NC + lax.axis_index("c")
        col0 = wid * _COLS

        idx_h = [
            pltpu.async_copy(idx_hbm.at[f, pl.ds(col0, _COLS)],
                             idx_v.at[pl.ds(f * _COLS, _COLS)], isem)
            for f in range(_F)
        ]
        pltpu.sync_copy(pk_hbm, pk_v.at[pl.ds(0, _PKLEN)])

        lane = lax.iota(jnp.int32, _L)

        @plsc.parallel_loop(0, _TPAD // _L, unroll=2)
        def prescale(t):
            flat = lane + t * _L
            fidx = flat // _D
            m = plsc.load_gather(pk_v, [fidx + _TAB])
            nrm = plsc.load_gather(pk_v, [fidx + _TAB + _F])
            val = (pk_v[pl.ds(t * _L, _L)] - m) / nrm
            plsc.store_scatter(tab56_v, [flat + fidx * (_DS - _D)], val)

        for h in idx_h:
            h.wait()

        tab_f = [tab56_v.at[pl.ds(f * _DS, _DS)] for f in range(_F)]

        @plsc.parallel_loop(0, _CSTEPS, unroll=2)
        def gather_loop(c):
            for f in range(_F):
                sl = pl.ds(f * _COLS + c * _L, _L)
                out_v[sl] = plsc.load_gather(tab_f[f], [idx_v[sl]])

        out_h = [
            pltpu.async_copy(out_v.at[pl.ds(f * _COLS, _COLS)],
                             out_hbm.at[f, pl.ds(col0, _COLS)], osem)
            for f in range(_F)
        ]
        for h in out_h:
            h.wait()

    return sc_kernel


_make_sc_kernel = functools.cache(_make_sc_kernel)


def kernel(inputs, categ_bias, moving_mean, moving_norm):
    idx_t = jnp.transpose(inputs)
    packed = jnp.concatenate([
        jnp.reshape(categ_bias, (_TAB,)),
        jnp.reshape(moving_mean, (_F,)),
        jnp.reshape(moving_norm, (_F,)),
    ])
    out_t = _make_sc_kernel()(idx_t, packed)
    return jnp.transpose(out_t)

# --- scband reference (transcript-rebuilt; emitter-appended) ---
"""Pipeline reference for scband-categ-net-block-28458453303583 (READ-ONLY COPY).

The authoritative reference and input builder live on the scoring server;
editing this copy changes nothing except your own understanding.
"""

import jax, jax.numpy as jnp
import numpy as np

N_FIELDS = 26
DEPTH = 50
BATCH = 16384


def setup_inputs(seed: int = 0):
    key = jax.random.key(seed)
    k1, k2 = jax.random.split(key)
    inputs = jax.random.randint(k1, (BATCH, N_FIELDS), 0, DEPTH, dtype=jnp.int32)
    # learned per-field category biases: CategNet.categ_bias, shape [depth, 1] each
    categ_bias = jax.random.normal(k2, (N_FIELDS, DEPTH, 1), dtype=jnp.float32) * 0.1
    # non-trainable moving stats (eval mode, training=False): mean init 0, norm init 1
    moving_mean = jnp.zeros((N_FIELDS, 1), dtype=jnp.float32)
    moving_norm = jnp.ones((N_FIELDS, 1), dtype=jnp.float32)
    return {"inputs": inputs, "categ_bias": categ_bias,
            "moving_mean": moving_mean, "moving_norm": moving_norm}


def reference(inputs, categ_bias, moving_mean, moving_norm):
    # CategNetBlock.call with training=False, bn_flag=True.
    # Per field: one_hot(idx, depth) @ categ_bias == embedding gather of a scalar bias.
    outs = []
    for i in range(N_FIELDS):
        idx = inputs[:, i].astype(jnp.int32)
        dummy = jax.nn.one_hot(idx, DEPTH, dtype=jnp.float32)
        out_original = jnp.matmul(dummy, categ_bias[i])        # [B, 1]
        out = (out_original - moving_mean[i]) / moving_norm[i]  # BN with moving stats
        outs.append(out)
    stacked = jnp.stack(outs, 1)                                # [B, F, 1]
    return jnp.reshape(jnp.squeeze(stacked), (-1, N_FIELDS))    # [B, F]

if __name__ == "__main__":
    import jax
    _d = setup_inputs()
    print(jax.jit(kernel)(*tuple(_d.values())))

</pallas_src>

<mosaic_0001>
#map = affine_map<(d0, d1) -> (0, 0)>
#map1 = affine_map<(d0, d1) -> (0)>
module attributes {stable_mosaic.version = 14 : i64} {
  func.func @sc_kernel(%arg0: i32, %arg1: i32, %arg2: memref<26x16384xi32, #tpu.memory_space<hbm>>, %arg3: memref<1352xf32, #tpu.memory_space<hbm>>, %arg4: memref<26x16384xf32, #tpu.memory_space<hbm>>, %arg5: memref<13312xi32, #tpu.memory_space<vmem>>, %arg6: memref<13312xf32, #tpu.memory_space<vmem>>, %arg7: memref<1368xf32, #tpu.memory_space<vmem>>, %arg8: memref<1472xf32, #tpu.memory_space<vmem>>, %arg9: memref<!tpu.dma_semaphore, #tpu.memory_space<semaphore_mem>>, %arg10: memref<!tpu.dma_semaphore, #tpu.memory_space<semaphore_mem>>, %arg11: memref<!tpu.dma_semaphore, #tpu.memory_space<semaphore_mem>>) attributes {dimension_semantics = [#tpu.dimension_semantics<core_parallel>, #tpu.dimension_semantics<subcore_parallel>], iteration_bounds = array<i64: 2, 16>, scalar_prefetch = 0 : i64, scratch_operands = 7 : i64, tpu.core_type = #tpu.core_type<sc_vector_subcore>, window_params = [{transform_indices = #map}, {transform_indices = #map1}, {transform_indices = #map}]} {
    %mul3A = arith.constant 2 : i32
    %mul3A_0 = arith.muli %arg1, %mul3A : i32
    %add3A = arith.addi %mul3A_0, %arg0 : i32
    %mul3A_1 = arith.constant 512 : i32
    %mul3A_2 = arith.muli %add3A, %mul3A_1 : i32
    %dma_start3A = arith.constant 0 : i32
    %dma_start3A_3 = arith.constant 0 : i32
    %dma_start3A_4 = tpu.memref_slice %arg5[%dma_start3A_3] : memref<13312xi32, #tpu.memory_space<vmem>> -> memref<512xi32, #tpu.memory_space<vmem>>
    %dma_start3A_5 = tpu.memref_slice %arg2[%dma_start3A, %mul3A_2] : memref<26x16384xi32, #tpu.memory_space<hbm>> -> memref<1x512xi32, #tpu.memory_space<hbm>>
    %dma_start3A_6 = tpu.memref_squeeze %dma_start3A_5 : memref<1x512xi32, #tpu.memory_space<hbm>> -> memref<512xi32, #tpu.memory_space<hbm>>
    %dma_start3A_7 = arith.constant 0 : i32
    %dma_start3A_8 = tpu.memref_slice %arg5[%dma_start3A_7] : memref<13312xi32, #tpu.memory_space<vmem>> -> memref<512xi32, #tpu.memory_space<vmem>>
    %dma_start3A_9 = tpu.memref_slice %arg2[%dma_start3A, %mul3A_2] : memref<26x16384xi32, #tpu.memory_space<hbm>> -> memref<1x512xi32, #tpu.memory_space<hbm>>
    %dma_start3A_10 = tpu.memref_squeeze %dma_start3A_9 : memref<1x512xi32, #tpu.memory_space<hbm>> -> memref<512xi32, #tpu.memory_space<hbm>>
    tpu.enqueue_dma source(%dma_start3A_10 : memref<512xi32, #tpu.memory_space<hbm>>) target(%dma_start3A_8 : memref<512xi32, #tpu.memory_space<vmem>>) target_semaphore(%arg9 : memref<!tpu.dma_semaphore, #tpu.memory_space<semaphore_mem>>)
    %dma_start3A_11 = arith.constant 1 : i32
    %dma_start3A_12 = arith.constant 512 : i32
    %dma_start3A_13 = tpu.memref_slice %arg5[%dma_start3A_12] : memref<13312xi32, #tpu.memory_space<vmem>> -> memref<512xi32, #tpu.memory_space<vmem>>
    %dma_start3A_14 = tpu.memref_slice %arg2[%dma_start3A_11, %mul3A_2] : memref<26x16384xi32, #tpu.memory_space<hbm>> -> memref<1x512xi32, #tpu.memory_space<hbm>>
    %dma_start3A_15 = tpu.memref_squeeze %dma_start3A_14 : memref<1x512xi32, #tpu.memory_space<hbm>> -> memref<512xi32, #tpu.memory_space<hbm>>
    %dma_start3A_16 = arith.constant 512 : i32
    %dma_start3A_17 = tpu.memref_slice %arg5[%dma_start3A_16] : memref<13312xi32, #tpu.memory_space<vmem>> -> memref<512xi32, #tpu.memory_space<vmem>>
    %dma_start3A_18 = tpu.memref_slice %arg2[%dma_start3A_11, %mul3A_2] : memref<26x16384xi32, #tpu.memory_space<hbm>> -> memref<1x512xi32, #tpu.memory_space<hbm>>
    %dma_start3A_19 = tpu.memref_squeeze %dma_start3A_18 : memref<1x512xi32, #tpu.memory_space<hbm>> -> memref<512xi32, #tpu.memory_space<hbm>>
    tpu.enqueue_dma source(%dma_start3A_19 : memref<512xi32, #tpu.memory_space<hbm>>) target(%dma_start3A_17 : memref<512xi32, #tpu.memory_space<vmem>>) target_semaphore(%arg9 : memref<!tpu.dma_semaphore, #tpu.memory_space<semaphore_mem>>)
    %dma_start3A_20 = arith.constant 2 : i32
    %dma_start3A_21 = arith.constant 1024 : i32
    %dma_start3A_22 = tpu.memref_slice %arg5[%dma_start3A_21] : memref<13312xi32, #tpu.memory_space<vmem>> -> memref<512xi32, #tpu.memory_space<vmem>>
    %dma_start3A_23 = tpu.memref_slice %arg2[%dma_start3A_20, %mul3A_2] : memref<26x16384xi32, #tpu.memory_space<hbm>> -> memref<1x512xi32, #tpu.memory_space<hbm>>
    %dma_start3A_24 = tpu.memref_squeeze %dma_start3A_23 : memref<1x512xi32, #tpu.memory_space<hbm>> -> memref<512xi32, #tpu.memory_space<hbm>>
    %dma_start3A_25 = arith.constant 1024 : i32
    %dma_start3A_26 = tpu.memref_slice %arg5[%dma_start3A_25] : memref<13312xi32, #tpu.memory_space<vmem>> -> memref<512xi32, #tpu.memory_space<vmem>>
    %dma_start3A_27 = tpu.memref_slice %arg2[%dma_start3A_20, %mul3A_2] : memref<26x16384xi32, #tpu.memory_space<hbm>> -> memref<1x512xi32, #tpu.memory_space<hbm>>
    %dma_start3A_28 = tpu.memref_squeeze %dma_start3A_27 : memref<1x512xi32, #tpu.memory_space<hbm>> -> memref<512xi32, #tpu.memory_space<hbm>>
    tpu.enqueue_dma source(%dma_start3A_28 : memref<512xi32, #tpu.memory_space<hbm>>) target(%dma_start3A_26 : memref<512xi32, #tpu.memory_space<vmem>>) target_semaphore(%arg9 : memref<!tpu.dma_semaphore, #tpu.memory_space<semaphore_mem>>)
    %dma_start3A_29 = arith.constant 3 : i32
    %dma_start3A_30 = arith.constant 1536 : i32
    %dma_start3A_31 = tpu.memref_slice %arg5[%dma_start3A_30] : memref<13312xi32, #tpu.memory_space<vmem>> -> memref<512xi32, #tpu.memory_space<vmem>>
    %dma_start3A_32 = tpu.memref_slice %arg2[%dma_start3A_29, %mul3A_2] : memref<26x16384xi32, #tpu.memory_space<hbm>> -> memref<1x512xi32, #tpu.memory_space<hbm>>
    %dma_start3A_33 = tpu.memref_squeeze %dma_start3A_32 : memref<1x512xi32, #tpu.memory_space<hbm>> -> memref<512xi32, #tpu.memory_space<hbm>>
    %dma_start3A_34 = arith.constant 1536 : i32
    %dma_start3A_35 = tpu.memref_slice %arg5[%dma_start3A_34] : memref<13312xi32, #tpu.memory_space<vmem>> -> memref<512xi32, #tpu.memory_space<vmem>>
    %dma_start3A_36 = tpu.memref_slice %arg2[%dma_start3A_29, %mul3A_2] : memref<26x16384xi32, #tpu.memory_space<hbm>> -> memref<1x512xi32, #tpu.memory_space<hbm>>
    %dma_start3A_37 = tpu.memref_squeeze %dma_start3A_36 : memref<1x512xi32, #tpu.memory_space<hbm>> -> memref<512xi32, #tpu.memory_space<hbm>>
    tpu.enqueue_dma source(%dma_start3A_37 : memref<512xi32, #tpu.memory_space<hbm>>) target(%dma_start3A_35 : memref<512xi32, #tpu.memory_space<vmem>>) target_semaphore(%arg9 : memref<!tpu.dma_semaphore, #tpu.memory_space<semaphore_mem>>)
    %dma_start3A_38 = arith.constant 4 : i32
    %dma_start3A_39 = arith.constant 2048 : i32
    %dma_start3A_40 = tpu.memref_slice %arg5[%dma_start3A_39] : memref<13312xi32, #tpu.memory_space<vmem>> -> memref<512xi32, #tpu.memory_space<vmem>>
    %dma_start3A_41 = tpu.memref_slice %arg2[%dma_start3A_38, %mul3A_2] : memref<26x16384xi32, #tpu.memory_space<hbm>> -> memref<1x512xi32, #tpu.memory_space<hbm>>
    %dma_start3A_42 = tpu.memref_squeeze %dma_start3A_41 : memref<1x512xi32, #tpu.memory_space<hbm>> -> memref<512xi32, #tpu.memory_space<hbm>>
    %dma_start3A_43 = arith.constant 2048 : i32
    %dma_start3A_44 = tpu.memref_slice %arg5[%dma_start3A_43] : memref<13312xi32, #tpu.memory_space<vmem>> -> memref<512xi32, #tpu.memory_space<vmem>>
    %dma_start3A_45 = tpu.memref_slice %arg2[%dma_start3A_38, %mul3A_2] : memref<26x16384xi32, #tpu.memory_space<hbm>> -> memref<1x512xi32, #tpu.memory_space<hbm>>
    %dma_start3A_46 = tpu.memref_squeeze %dma_start3A_45 : memref<1x512xi32, #tpu.memory_space<hbm>> -> memref<512xi32, #tpu.memory_space<hbm>>
    tpu.enqueue_dma source(%dma_start3A_46 : memref<512xi32, #tpu.memory_space<hbm>>) target(%dma_start3A_44 : memref<512xi32, #tpu.memory_space<vmem>>) target_semaphore(%arg9 : memref<!tpu.dma_semaphore, #tpu.memory_space<semaphore_mem>>)
    %dma_start3A_47 = arith.constant 5 : i32
    %dma_start3A_48 = arith.constant 2560 : i32
    %dma_start3A_49 = tpu.memref_slice %arg5[%dma_start3A_48] : memref<13312xi32, #tpu.memory_space<vmem>> -> memref<512xi32, #tpu.memory_space<vmem>>
    %dma_start3A_50 = tpu.memref_slice %arg2[%dma_start3A_47, %mul3A_2] : memref<26x16384xi32, #tpu.memory_space<hbm>> -> memref<1x512xi32, #tpu.memory_space<hbm>>
    %dma_start3A_51 = tpu.memref_squeeze %dma_start3A_50 : memref<1x512xi32, #tpu.memory_space<hbm>> -> memref<512xi32, #tpu.memory_space<hbm>>
    %dma_start3A_52 = arith.constant 2560 : i32
    %dma_start3A_53 = tpu.memref_slice %arg5[%dma_start3A_52] : memref<13312xi32, #tpu.memory_space<vmem>> -> memref<512xi32, #tpu.memory_space<vmem>>
    %dma_start3A_54 = tpu.memref_slice %arg2[%dma_start3A_47, %mul3A_2] : memref<26x16384xi32, #tpu.memory_space<hbm>> -> memref<1x512xi32, #tpu.memory_space<hbm>>
    %dma_start3A_55 = tpu.memref_squeeze %dma_start3A_54 : memref<1x512xi32, #tpu.memory_space<hbm>> -> memref<512xi32, #tpu.memory_space<hbm>>
    tpu.enqueue_dma source(%dma_start3A_55 : memref<512xi32, #tpu.memory_space<hbm>>) target(%dma_start3A_53 : memref<512xi32, #tpu.memory_space<vmem>>) target_semaphore(%arg9 : memref<!tpu.dma_semaphore, #tpu.memory_space<semaphore_mem>>)
    %dma_start3A_56 = arith.constant 6 : i32
    %dma_start3A_57 = arith.constant 3072 : i32
    %dma_start3A_58 = tpu.memref_slice %arg5[%dma_start3A_57] : memref<13312xi32, #tpu.memory_space<vmem>> -> memref<512xi32, #tpu.memory_space<vmem>>
    %dma_start3A_59 = tpu.memref_slice %arg2[%dma_start3A_56, %mul3A_2] : memref<26x16384xi32, #tpu.memory_space<hbm>> -> memref<1x512xi32, #tpu.memory_space<hbm>>
    %dma_start3A_60 = tpu.memref_squeeze %dma_start3A_59 : memref<1x512xi32, #tpu.memory_space<hbm>> -> memref<512xi32, #tpu.memory_space<hbm>>
    %dma_start3A_61 = arith.constant 3072 : i32
    %dma_start3A_62 = tpu.memref_slice %arg5[%dma_start3A_61] : memref<13312xi32, #tpu.memory_space<vmem>> -> memref<512xi32, #tpu.memory_space<vmem>>
    %dma_start3A_63 = tpu.memref_slice %arg2[%dma_start3A_56, %mul3A_2] : memref<26x16384xi32, #tpu.memory_space<hbm>> -> memref<1x512xi32, #tpu.memory_space<hbm>>
    %dma_start3A_64 = tpu.memref_squeeze %dma_start3A_63 : memref<1x512xi32, #tpu.memory_space<hbm>> -> memref<512xi32, #tpu.memory_space<hbm>>
    tpu.enqueue_dma source(%dma_start3A_64 : memref<512xi32, #tpu.memory_space<hbm>>) target(%dma_start3A_62 : memref<512xi32, #tpu.memory_space<vmem>>) target_semaphore(%arg9 : memref<!tpu.dma_semaphore, #tpu.memory_space<semaphore_mem>>)
    %dma_start3A_65 = arith.constant 7 : i32
    %dma_start3A_66 = arith.constant 3584 : i32
    %dma_start3A_67 = tpu.memref_slice %arg5[%dma_start3A_66] : memref<13312xi32, #tpu.memory_space<vmem>> -> memref<512xi32, #tpu.memory_space<vmem>>
    %dma_start3A_68 = tpu.memref_slice %arg2[%dma_start3A_65, %mul3A_2] : memref<26x16384xi32, #tpu.memory_space<hbm>> -> memref<1x512xi32, #tpu.memory_space<hbm>>
    %dma_start3A_69 = tpu.memref_squeeze %dma_start3A_68 : memref<1x512xi32, #tpu.memory_space<hbm>> -> memref<512xi32, #tpu.memory_space<hbm>>
    %dma_start3A_70 = arith.constant 3584 : i32
    %dma_start3A_71 = tpu.memref_slice %arg5[%dma_start3A_70] : memref<13312xi32, #tpu.memory_space<vmem>> -> memref<512xi32, #tpu.memory_space<vmem>>
    %dma_start3A_72 = tpu.memref_slice %arg2[%dma_start3A_65, %mul3A_2] : memref<26x16384xi32, #tpu.memory_space<hbm>> -> memref<1x512xi32, #tpu.memory_space<hbm>>
    %dma_start3A_73 = tpu.memref_squeeze %dma_start3A_72 : memref<1x512xi32, #tpu.memory_space<hbm>> -> memref<512xi32, #tpu.memory_space<hbm>>
    tpu.enqueue_dma source(%dma_start3A_73 : memref<512xi32, #tpu.memory_space<hbm>>) target(%dma_start3A_71 : memref<512xi32, #tpu.memory_space<vmem>>) target_semaphore(%arg9 : memref<!tpu.dma_semaphore, #tpu.memory_space<semaphore_mem>>)
    %dma_start3A_74 = arith.constant 8 : i32
    %dma_start3A_75 = arith.constant 4096 : i32
    %dma_start3A_76 = tpu.memref_slice %arg5[%dma_start3A_75] : memref<13312xi32, #tpu.memory_space<vmem>> -> memref<512xi32, #tpu.memory_space<vmem>>
    %dma_start3A_77 = tpu.memref_slice %arg2[%dma_start3A_74, %mul3A_2] : memref<26x16384xi32, #tpu.memory_space<hbm>> -> memref<1x512xi32, #tpu.memory_space<hbm>>
    %dma_start3A_78 = tpu.memref_squeeze %dma_start3A_77 : memref<1x512xi32, #tpu.memory_space<hbm>> -> memref<512xi32, #tpu.memory_space<hbm>>
    %dma_start3A_79 = arith.constant 4096 : i32
    %dma_start3A_80 = tpu.memref_slice %arg5[%dma_start3A_79] : memref<13312xi32, #tpu.memory_space<vmem>> -> memref<512xi32, #tpu.memory_space<vmem>>
    %dma_start3A_81 = tpu.memref_slice %arg2[%dma_start3A_74, %mul3A_2] : memref<26x16384xi32, #tpu.memory_space<hbm>> -> memref<1x512xi32, #tpu.memory_space<hbm>>
    %dma_start3A_82 = tpu.memref_squeeze %dma_start3A_81 : memref<1x512xi32, #tpu.memory_space<hbm>> -> memref<512xi32, #tpu.memory_space<hbm>>
    tpu.enqueue_dma source(%dma_start3A_82 : memref<512xi32, #tpu.memory_space<hbm>>) target(%dma_start3A_80 : memref<512xi32, #tpu.memory_space<vmem>>) target_semaphore(%arg9 : memref<!tpu.dma_semaphore, #tpu.memory_space<semaphore_mem>>)
    %dma_start3A_83 = arith.constant 9 : i32
    %dma_start3A_84 = arith.constant 4608 : i32
    %dma_start3A_85 = tpu.memref_slice %arg5[%dma_start3A_84] : memref<13312xi32, #tpu.memory_space<vmem>> -> memref<512xi32, #tpu.memory_space<vmem>>
    %dma_start3A_86 = tpu.memref_slice %arg2[%dma_start3A_83, %mul3A_2] : memref<26x16384xi32, #tpu.memory_space<hbm>> -> memref<1x512xi32, #tpu.memory_space<hbm>>
    %dma_start3A_87 = tpu.memref_squeeze %dma_start3A_86 : memref<1x512xi32, #tpu.memory_space<hbm>> -> memref<512xi32, #tpu.memory_space<hbm>>
    %dma_start3A_88 = arith.constant 4608 : i32
    %dma_start3A_89 = tpu.memref_slice %arg5[%dma_start3A_88] : memref<13312xi32, #tpu.memory_space<vmem>> -> memref<512xi32, #tpu.memory_space<vmem>>
    %dma_start3A_90 = tpu.memref_slice %arg2[%dma_start3A_83, %mul3A_2] : memref<26x16384xi32, #tpu.memory_space<hbm>> -> memref<1x512xi32, #tpu.memory_space<hbm>>
    %dma_start3A_91 = tpu.memref_squeeze %dma_start3A_90 : memref<1x512xi32, #tpu.memory_space<hbm>> -> memref<512xi32, #tpu.memory_space<hbm>>
    tpu.enqueue_dma source(%dma_start3A_91 : memref<512xi32, #tpu.memory_space<hbm>>) target(%dma_start3A_89 : memref<512xi32, #tpu.memory_space<vmem>>) target_semaphore(%arg9 : memref<!tpu.dma_semaphore, #tpu.memory_space<semaphore_mem>>)
    %dma_start3A_92 = arith.constant 10 : i32
    %dma_start3A_93 = arith.constant 5120 : i32
    %dma_start3A_94 = tpu.memref_slice %arg5[%dma_start3A_93] : memref<13312xi32, #tpu.memory_space<vmem>> -> memref<512xi32, #tpu.memory_space<vmem>>
    %dma_start3A_95 = tpu.memref_slice %arg2[%dma_start3A_92, %mul3A_2] : memref<26x16384xi32, #tpu.memory_space<hbm>> -> memref<1x512xi32, #tpu.memory_space<hbm>>
    %dma_start3A_96 = tpu.memref_squeeze %dma_start3A_95 : memref<1x512xi32, #tpu.memory_space<hbm>> -> memref<512xi32, #tpu.memory_space<hbm>>
    %dma_start3A_97 = arith.constant 5120 : i32
    %dma_start3A_98 = tpu.memref_slice %arg5[%dma_start3A_97] : memref<13312xi32, #tpu.memory_space<vmem>> -> memref<512xi32, #tpu.memory_space<vmem>>
    %dma_start3A_99 = tpu.memref_slice %arg2[%dma_start3A_92, %mul3A_2] : memref<26x16384xi32, #tpu.memory_space<hbm>> -> memref<1x512xi32, #tpu.memory_space<hbm>>
    %dma_start3A_100 = tpu.memref_squeeze %dma_start3A_99 : memref<1x512xi32, #tpu.memory_space<hbm>> -> memref<512xi32, #tpu.memory_space<hbm>>
    tpu.enqueue_dma source(%dma_start3A_100 : memref<512xi32, #tpu.memory_space<hbm>>) target(%dma_start3A_98 : memref<512xi32, #tpu.memory_space<vmem>>) target_semaphore(%arg9 : memref<!tpu.dma_semaphore, #tpu.memory_space<semaphore_mem>>)
    %dma_start3A_101 = arith.constant 11 : i32
    %dma_start3A_102 = arith.constant 5632 : i32
    %dma_start3A_103 = tpu.memref_slice %arg5[%dma_start3A_102] : memref<13312xi32, #tpu.memory_space<vmem>> -> memref<512xi32, #tpu.memory_space<vmem>>
    %dma_start3A_104 = tpu.memref_slice %arg2[%dma_start3A_101, %mul3A_2] : memref<26x16384xi32, #tpu.memory_space<hbm>> -> memref<1x512xi32, #tpu.memory_space<hbm>>
    %dma_start3A_105 = tpu.memref_squeeze %dma_start3A_104 : memref<1x512xi32, #tpu.memory_space<hbm>> -> memref<512xi32, #tpu.memory_space<hbm>>
    %dma_start3A_106 = arith.constant 5632 : i32
    %dma_start3A_107 = tpu.memref_slice %arg5[%dma_start3A_106] : memref<13312xi32, #tpu.memory_space<vmem>> -> memref<512xi32, #tpu.memory_space<vmem>>
    %dma_start3A_108 = tpu.memref_slice %arg2[%dma_start3A_101, %mul3A_2] : memref<26x16384xi32, #tpu.memory_space<hbm>> -> memref<1x512xi32, #tpu.memory_space<hbm>>
    %dma_start3A_109 = tpu.memref_squeeze %dma_start3A_108 : memref<1x512xi32, #tpu.memory_space<hbm>> -> memref<512xi32, #tpu.memory_space<hbm>>
    tpu.enqueue_dma source(%dma_start3A_109 : memref<512xi32, #tpu.memory_space<hbm>>) target(%dma_start3A_107 : memref<512xi32, #tpu.memory_space<vmem>>) target_semaphore(%arg9 : memref<!tpu.dma_semaphore, #tpu.memory_space<semaphore_mem>>)
    %dma_start3A_110 = arith.constant 12 : i32
    %dma_start3A_111 = arith.constant 6144 : i32
    %dma_start3A_112 = tpu.memref_slice %arg5[%dma_start3A_111] : memref<13312xi32, #tpu.memory_space<vmem>> -> memref<512xi32, #tpu.memory_space<vmem>>
    %dma_start3A_113 = tpu.memref_slice %arg2[%dma_start3A_110, %mul3A_2] : memref<26x16384xi32, #tpu.memory_space<hbm>> -> memref<1x512xi32, #tpu.memory_space<hbm>>
    %dma_start3A_114 = tpu.memref_squeeze %dma_start3A_113 : memref<1x512xi32, #tpu.memory_space<hbm>> -> memref<512xi32, #tpu.memory_space<hbm>>
    %dma_start3A_115 = arith.constant 6144 : i32
    %dma_start3A_116 = tpu.memref_slice %arg5[%dma_start3A_115] : memref<13312xi32, #tpu.memory_space<vmem>> -> memref<512xi32, #tpu.memory_space<vmem>>
    %dma_start3A_117 = tpu.memref_slice %arg2[%dma_start3A_110, %mul3A_2] : memref<26x16384xi32, #tpu.memory_space<hbm>> -> memref<1x512xi32, #tpu.memory_space<hbm>>
    %dma_start3A_118 = tpu.memref_squeeze %dma_start3A_117 : memref<1x512xi32, #tpu.memory_space<hbm>> -> memref<512xi32, #tpu.memory_space<hbm>>
    tpu.enqueue_dma source(%dma_start3A_118 : memref<512xi32, #tpu.memory_space<hbm>>) target(%dma_start3A_116 : memref<512xi32, #tpu.memory_space<vmem>>) target_semaphore(%arg9 : memref<!tpu.dma_semaphore, #tpu.memory_space<semaphore_mem>>)
    %dma_start3A_119 = arith.constant 13 : i32
    %dma_start3A_120 = arith.constant 6656 : i32
    %dma_start3A_121 = tpu.memref_slice %arg5[%dma_start3A_120] : memref<13312xi32, #tpu.memory_space<vmem>> -> memref<512xi32, #tpu.memory_space<vmem>>
    %dma_start3A_122 = tpu.memref_slice %arg2[%dma_start3A_119, %mul3A_2] : memref<26x16384xi32, #tpu.memory_space<hbm>> -> memref<1x512xi32, #tpu.memory_space<hbm>>
    %dma_start3A_123 = tpu.memref_squeeze %dma_start3A_122 : memref<1x512xi32, #tpu.memory_space<hbm>> -> memref<512xi32, #tpu.memory_space<hbm>>
    %dma_start3A_124 = arith.constant 6656 : i32
    %dma_start3A_125 = tpu.memref_slice %arg5[%dma_start3A_124] : memref<13312xi32, #tpu.memory_space<vmem>> -> memref<512xi32, #tpu.memory_space<vmem>>
    %dma_start3A_126 = tpu.memref_slice %arg2[%dma_start3A_119, %mul3A_2] : memref<26x16384xi32, #tpu.memory_space<hbm>> -> memref<1x512xi32, #tpu.memory_space<hbm>>
    %dma_start3A_127 = tpu.memref_squeeze %dma_start3A_126 : memref<1x512xi32, #tpu.memory_space<hbm>> -> memref<512xi32, #tpu.memory_space<hbm>>
    tpu.enqueue_dma source(%dma_start3A_127 : memref<512xi32, #tpu.memory_space<hbm>>) target(%dma_start3A_125 : memref<512xi32, #tpu.memory_space<vmem>>) target_semaphore(%arg9 : memref<!tpu.dma_semaphore, #tpu.memory_space<semaphore_mem>>)
    %dma_start3A_128 = arith.constant 14 : i32
    %dma_start3A_129 = arith.constant 7168 : i32
    %dma_start3A_130 = tpu.memref_slice %arg5[%dma_start3A_129] : memref<13312xi32, #tpu.memory_space<vmem>> -> memref<512xi32, #tpu.memory_space<vmem>>
    %dma_start3A_131 = tpu.memref_slice %arg2[%dma_start3A_128, %mul3A_2] : memref<26x16384xi32, #tpu.memory_space<hbm>> -> memref<1x512xi32, #tpu.memory_space<hbm>>
    %dma_start3A_132 = tpu.memref_squeeze %dma_start3A_131 : memref<1x512xi32, #tpu.memory_space<hbm>> -> memref<512xi32, #tpu.memory_space<hbm>>
    %dma_start3A_133 = arith.constant 7168 : i32
    %dma_start3A_134 = tpu.memref_slice %arg5[%dma_start3A_133] : memref<13312xi32, #tpu.memory_space<vmem>> -> memref<512xi32, #tpu.memory_space<vmem>>
    %dma_start3A_135 = tpu.memref_slice %arg2[%dma_start3A_128, %mul3A_2] : memref<26x16384xi32, #tpu.memory_space<hbm>> -> memref<1x512xi32, #tpu.memory_space<hbm>>
    %dma_start3A_136 = tpu.memref_squeeze %dma_start3A_135 : memref<1x512xi32, #tpu.memory_space<hbm>> -> memref<512xi32, #tpu.memory_space<hbm>>
    tpu.enqueue_dma source(%dma_start3A_136 : memref<512xi32, #tpu.memory_space<hbm>>) target(%dma_start3A_134 : memref<512xi32, #tpu.memory_space<vmem>>) target_semaphore(%arg9 : memref<!tpu.dma_semaphore, #tpu.memory_space<semaphore_mem>>)
    %dma_start3A_137 = arith.constant 15 : i32
    %dma_start3A_138 = arith.constant 7680 : i32
    %dma_start3A_139 = tpu.memref_slice %arg5[%dma_start3A_138] : memref<13312xi32, #tpu.memory_space<vmem>> -> memref<512xi32, #tpu.memory_space<vmem>>
    %dma_start3A_140 = tpu.memref_slice %arg2[%dma_start3A_137, %mul3A_2] : memref<26x16384xi32, #tpu.memory_space<hbm>> -> memref<1x512xi32, #tpu.memory_space<hbm>>
    %dma_start3A_141 = tpu.memref_squeeze %dma_start3A_140 : memref<1x512xi32, #tpu.memory_space<hbm>> -> memref<512xi32, #tpu.memory_space<hbm>>
    %dma_start3A_142 = arith.constant 7680 : i32
    %dma_start3A_143 = tpu.memref_slice %arg5[%dma_start3A_142] : memref<13312xi32, #tpu.memory_space<vmem>> -> memref<512xi32, #tpu.memory_space<vmem>>
    %dma_start3A_144 = tpu.memref_slice %arg2[%dma_start3A_137, %mul3A_2] : memref<26x16384xi32, #tpu.memory_space<hbm>> -> memref<1x512xi32, #tpu.memory_space<hbm>>
    %dma_start3A_145 = tpu.memref_squeeze %dma_start3A_144 : memref<1x512xi32, #tpu.memory_space<hbm>> -> memref<512xi32, #tpu.memory_space<hbm>>
    tpu.enqueue_dma source(%dma_start3A_145 : memref<512xi32, #tpu.memory_space<hbm>>) target(%dma_start3A_143 : memref<512xi32, #tpu.memory_space<vmem>>) target_semaphore(%arg9 : memref<!tpu.dma_semaphore, #tpu.memory_space<semaphore_mem>>)
    %dma_start3A_146 = arith.constant 16 : i32
    %dma_start3A_147 = arith.constant 8192 : i32
    %dma_start3A_148 = tpu.memref_slice %arg5[%dma_start3A_147] : memref<13312xi32, #tpu.memory_space<vmem>> -> memref<512xi32, #tpu.memory_space<vmem>>
    %dma_start3A_149 = tpu.memref_slice %arg2[%dma_start3A_146, %mul3A_2] : memref<26x16384xi32, #tpu.memory_space<hbm>> -> memref<1x512xi32, #tpu.memory_space<hbm>>
    %dma_start3A_150 = tpu.memref_squeeze %dma_start3A_149 : memref<1x512xi32, #tpu.memory_space<hbm>> -> memref<512xi32, #tpu.memory_space<hbm>>
    %dma_start3A_151 = arith.constant 8192 : i32
    %dma_start3A_152 = tpu.memref_slice %arg5[%dma_start3A_151] : memref<13312xi32, #tpu.memory_space<vmem>> -> memref<512xi32, #tpu.memory_space<vmem>>
    %dma_start3A_153 = tpu.memref_slice %arg2[%dma_start3A_146, %mul3A_2] : memref<26x16384xi32, #tpu.memory_space<hbm>> -> memref<1x512xi32, #tpu.memory_space<hbm>>
    %dma_start3A_154 = tpu.memref_squeeze %dma_start3A_153 : memref<1x512xi32, #tpu.memory_space<hbm>> -> memref<512xi32, #tpu.memory_space<hbm>>
    tpu.enqueue_dma source(%dma_start3A_154 : memref<512xi32, #tpu.memory_space<hbm>>) target(%dma_start3A_152 : memref<512xi32, #tpu.memory_space<vmem>>) target_semaphore(%arg9 : memref<!tpu.dma_semaphore, #tpu.memory_space<semaphore_mem>>)
    %dma_start3A_155 = arith.constant 17 : i32
    %dma_start3A_156 = arith.constant 8704 : i32
    %dma_start3A_157 = tpu.memref_slice %arg5[%dma_start3A_156] : memref<13312xi32, #tpu.memory_space<vmem>> -> memref<512xi32, #tpu.memory_space<vmem>>
    %dma_start3A_158 = tpu.memref_slice %arg2[%dma_start3A_155, %mul3A_2] : memref<26x16384xi32, #tpu.memory_space<hbm>> -> memref<1x512xi32, #tpu.memory_space<hbm>>
    %dma_start3A_159 = tpu.memref_squeeze %dma_start3A_158 : memref<1x512xi32, #tpu.memory_space<hbm>> -> memref<512xi32, #tpu.memory_space<hbm>>
    %dma_start3A_160 = arith.constant 8704 : i32
    %dma_start3A_161 = tpu.memref_slice %arg5[%dma_start3A_160] : memref<13312xi32, #tpu.memory_space<vmem>> -> memref<512xi32, #tpu.memory_space<vmem>>
    %dma_start3A_162 = tpu.memref_slice %arg2[%dma_start3A_155, %mul3A_2] : memref<26x16384xi32, #tpu.memory_space<hbm>> -> memref<1x512xi32, #tpu.memory_space<hbm>>
    %dma_start3A_163 = tpu.memref_squeeze %dma_start3A_162 : memref<1x512xi32, #tpu.memory_space<hbm>> -> memref<512xi32, #tpu.memory_space<hbm>>
    tpu.enqueue_dma source(%dma_start3A_163 : memref<512xi32, #tpu.memory_space<hbm>>) target(%dma_start3A_161 : memref<512xi32, #tpu.memory_space<vmem>>) target_semaphore(%arg9 : memref<!tpu.dma_semaphore, #tpu.memory_space<semaphore_mem>>)
    %dma_start3A_164 = arith.constant 18 : i32
    %dma_start3A_165 = arith.constant 9216 : i32
    %dma_start3A_166 = tpu.memref_slice %arg5[%dma_start3A_165] : memref<13312xi32, #tpu.memory_space<vmem>> -> memref<512xi32, #tpu.memory_space<vmem>>
    %dma_start3A_167 = tpu.memref_slice %arg2[%dma_start3A_164, %mul3A_2] : memref<26x16384xi32, #tpu.memory_space<hbm>> -> memref<1x512xi32, #tpu.memory_space<hbm>>
    %dma_start3A_168 = tpu.memref_squeeze %dma_start3A_167 : memref<1x512xi32, #tpu.memory_space<hbm>> -> memref<512xi32, #tpu.memory_space<hbm>>
    %dma_start3A_169 = arith.constant 9216 : i32
    %dma_start3A_170 = tpu.memref_slice %arg5[%dma_start3A_169] : memref<13312xi32, #tpu.memory_space<vmem>> -> memref<512xi32, #tpu.memory_space<vmem>>
    %dma_start3A_171 = tpu.memref_slice %arg2[%dma_start3A_164, %mul3A_2] : memref<26x16384xi32, #tpu.memory_space<hbm>> -> memref<1x512xi32, #tpu.memory_space<hbm>>
    %dma_start3A_172 = tpu.memref_squeeze %dma_start3A_171 : memref<1x512xi32, #tpu.memory_space<hbm>> -> memref<512xi32, #tpu.memory_space<hbm>>
    tpu.enqueue_dma source(%dma_start3A_172 : memref<512xi32, #tpu.memory_space<hbm>>) target(%dma_start3A_170 : memref<512xi32, #tpu.memory_space<vmem>>) target_semaphore(%arg9 : memref<!tpu.dma_semaphore, #tpu.memory_space<semaphore_mem>>)
    %dma_start3A_173 = arith.constant 19 : i32
    %dma_start3A_174 = arith.constant 9728 : i32
    %dma_start3A_175 = tpu.memref_slice %arg5[%dma_start3A_174] : memref<13312xi32, #tpu.memory_space<vmem>> -> memref<512xi32, #tpu.memory_space<vmem>>
    %dma_start3A_176 = tpu.memref_slice %arg2[%dma_start3A_173, %mul3A_2] : memref<26x16384xi32, #tpu.memory_space<hbm>> -> memref<1x512xi32, #tpu.memory_space<hbm>>
    %dma_start3A_177 = tpu.memref_squeeze %dma_start3A_176 : memref<1x512xi32, #tpu.memory_space<hbm>> -> memref<512xi32, #tpu.memory_space<hbm>>
    %dma_start3A_178 = arith.constant 9728 : i32
    %dma_start3A_179 = tpu.memref_slice %arg5[%dma_start3A_178] : memref<13312xi32, #tpu.memory_space<vmem>> -> memref<512xi32, #tpu.memory_space<vmem>>
    %dma_start3A_180 = tpu.memref_slice %arg2[%dma_start3A_173, %mul3A_2] : memref<26x16384xi32, #tpu.memory_space<hbm>> -> memref<1x512xi32, #tpu.memory_space<hbm>>
    %dma_start3A_181 = tpu.memref_squeeze %dma_start3A_180 : memref<1x512xi32, #tpu.memory_space<hbm>> -> memref<512xi32, #tpu.memory_space<hbm>>
    tpu.enqueue_dma source(%dma_start3A_181 : memref<512xi32, #tpu.memory_space<hbm>>) target(%dma_start3A_179 : memref<512xi32, #tpu.memory_space<vmem>>) target_semaphore(%arg9 : memref<!tpu.dma_semaphore, #tpu.memory_space<semaphore_mem>>)
    %dma_start3A_182 = arith.constant 20 : i32
    %dma_start3A_183 = arith.constant 10240 : i32
    %dma_start3A_184 = tpu.memref_slice %arg5[%dma_start3A_183] : memref<13312xi32, #tpu.memory_space<vmem>> -> memref<512xi32, #tpu.memory_space<vmem>>
    %dma_start3A_185 = tpu.memref_slice %arg2[%dma_start3A_182, %mul3A_2] : memref<26x16384xi32, #tpu.memory_space<hbm>> -> memref<1x512xi32, #tpu.memory_space<hbm>>
    %dma_start3A_186 = tpu.memref_squeeze %dma_start3A_185 : memref<1x512xi32, #tpu.memory_space<hbm>> -> memref<512xi32, #tpu.memory_space<hbm>>
    %dma_start3A_187 = arith.constant 10240 : i32
    %dma_start3A_188 = tpu.memref_slice %arg5[%dma_start3A_187] : memref<13312xi32, #tpu.memory_space<vmem>> -> memref<512xi32, #tpu.memory_space<vmem>>
    %dma_start3A_189 = tpu.memref_slice %arg2[%dma_start3A_182, %mul3A_2] : memref<26x16384xi32, #tpu.memory_space<hbm>> -> memref<1x512xi32, #tpu.memory_space<hbm>>
    %dma_start3A_190 = tpu.memref_squeeze %dma_start3A_189 : memref<1x512xi32, #tpu.memory_space<hbm>> -> memref<512xi32, #tpu.memory_space<hbm>>
    tpu.enqueue_dma source(%dma_start3A_190 : memref<512xi32, #tpu.memory_space<hbm>>) target(%dma_start3A_188 : memref<512xi32, #tpu.memory_space<vmem>>) target_semaphore(%arg9 : memref<!tpu.dma_semaphore, #tpu.memory_space<semaphore_mem>>)
    %dma_start3A_191 = arith.constant 21 : i32
    %dma_start3A_192 = arith.constant 10752 : i32
    %dma_start3A_193 = tpu.memref_slice %arg5[%dma_start3A_192] : memref<13312xi32, #tpu.memory_space<vmem>> -> memref<512xi32, #tpu.memory_space<vmem>>
    %dma_start3A_194 = tpu.memref_slice %arg2[%dma_start3A_191, %mul3A_2] : memref<26x16384xi32, #tpu.memory_space<hbm>> -> memref<1x512xi32, #tpu.memory_space<hbm>>
    %dma_start3A_195 = tpu.memref_squeeze %dma_start3A_194 : memref<1x512xi32, #tpu.memory_space<hbm>> -> memref<512xi32, #tpu.memory_space<hbm>>
    %dma_start3A_196 = arith.constant 10752 : i32
    %dma_start3A_197 = tpu.memref_slice %arg5[%dma_start3A_196] : memref<13312xi32, #tpu.memory_space<vmem>> -> memref<512xi32, #tpu.memory_space<vmem>>
    %dma_start3A_198 = tpu.memref_slice %arg2[%dma_start3A_191, %mul3A_2] : memref<26x16384xi32, #tpu.memory_space<hbm>> -> memref<1x512xi32, #tpu.memory_space<hbm>>
    %dma_start3A_199 = tpu.memref_squeeze %dma_start3A_198 : memref<1x512xi32, #tpu.memory_space<hbm>> -> memref<512xi32, #tpu.memory_space<hbm>>
    tpu.enqueue_dma source(%dma_start3A_199 : memref<512xi32, #tpu.memory_space<hbm>>) target(%dma_start3A_197 : memref<512xi32, #tpu.memory_space<vmem>>) target_semaphore(%arg9 : memref<!tpu.dma_semaphore, #tpu.memory_space<semaphore_mem>>)
    %dma_start3A_200 = arith.constant 22 : i32
    %dma_start3A_201 = arith.constant 11264 : i32
    %dma_start3A_202 = tpu.memref_slice %arg5[%dma_start3A_201] : memref<13312xi32, #tpu.memory_space<vmem>> -> memref<512xi32, #tpu.memory_space<vmem>>
    %dma_start3A_203 = tpu.memref_slice %arg2[%dma_start3A_200, %mul3A_2] : memref<26x16384xi32, #tpu.memory_space<hbm>> -> memref<1x512xi32, #tpu.memory_space<hbm>>
    %dma_start3A_204 = tpu.memref_squeeze %dma_start3A_203 : memref<1x512xi32, #tpu.memory_space<hbm>> -> memref<512xi32, #tpu.memory_space<hbm>>
    %dma_start3A_205 = arith.constant 11264 : i32
    %dma_start3A_206 = tpu.memref_slice %arg5[%dma_start3A_205] : memref<13312xi32, #tpu.memory_space<vmem>> -> memref<512xi32, #tpu.memory_space<vmem>>
    %dma_start3A_207 = tpu.memref_slice %arg2[%dma_start3A_200, %mul3A_2] : memref<26x16384xi32, #tpu.memory_space<hbm>> -> memref<1x512xi32, #tpu.memory_space<hbm>>
    %dma_start3A_208 = tpu.memref_squeeze %dma_start3A_207 : memref<1x512xi32, #tpu.memory_space<hbm>> -> memref<512xi32, #tpu.memory_space<hbm>>
    tpu.enqueue_dma source(%dma_start3A_208 : memref<512xi32, #tpu.memory_space<hbm>>) target(%dma_start3A_206 : memref<512xi32, #tpu.memory_space<vmem>>) target_semaphore(%arg9 : memref<!tpu.dma_semaphore, #tpu.memory_space<semaphore_mem>>)
    %dma_start3A_209 = arith.constant 23 : i32
    %dma_start3A_210 = arith.constant 11776 : i32
    %dma_start3A_211 = tpu.memref_slice %arg5[%dma_start3A_210] : memref<13312xi32, #tpu.memory_space<vmem>> -> memref<512xi32, #tpu.memory_space<vmem>>
    %dma_start3A_212 = tpu.memref_slice %arg2[%dma_start3A_209, %mul3A_2] : memref<26x16384xi32, #tpu.memory_space<hbm>> -> memref<1x512xi32, #tpu.memory_space<hbm>>
    %dma_start3A_213 = tpu.memref_squeeze %dma_start3A_212 : memref<1x512xi32, #tpu.memory_space<hbm>> -> memref<512xi32, #tpu.memory_space<hbm>>
    %dma_start3A_214 = arith.constant 11776 : i32
    %dma_start3A_215 = tpu.memref_slice %arg5[%dma_start3A_214] : memref<13312xi32, #tpu.memory_space<vmem>> -> memref<512xi32, #tpu.memory_space<vmem>>
    %dma_start3A_216 = tpu.memref_slice %arg2[%dma_start3A_209, %mul3A_2] : memref<26x16384xi32, #tpu.memory_space<hbm>> -> memref<1x512xi32, #tpu.memory_space<hbm>>
    %dma_start3A_217 = tpu.memref_squeeze %dma_start3A_216 : memref<1x512xi32, #tpu.memory_space<hbm>> -> memref<512xi32, #tpu.memory_space<hbm>>
    tpu.enqueue_dma source(%dma_start3A_217 : memref<512xi32, #tpu.memory_space<hbm>>) target(%dma_start3A_215 : memref<512xi32, #tpu.memory_space<vmem>>) target_semaphore(%arg9 : memref<!tpu.dma_semaphore, #tpu.memory_space<semaphore_mem>>)
    %dma_start3A_218 = arith.constant 24 : i32
    %dma_start3A_219 = arith.constant 12288 : i32
    %dma_start3A_220 = tpu.memref_slice %arg5[%dma_start3A_219] : memref<13312xi32, #tpu.memory_space<vmem>> -> memref<512xi32, #tpu.memory_space<vmem>>
    %dma_start3A_221 = tpu.memref_slice %arg2[%dma_start3A_218, %mul3A_2] : memref<26x16384xi32, #tpu.memory_space<hbm>> -> memref<1x512xi32, #tpu.memory_space<hbm>>
    %dma_start3A_222 = tpu.memref_squeeze %dma_start3A_221 : memref<1x512xi32, #tpu.memory_space<hbm>> -> memref<512xi32, #tpu.memory_space<hbm>>
    %dma_start3A_223 = arith.constant 12288 : i32
    %dma_start3A_224 = tpu.memref_slice %arg5[%dma_start3A_223] : memref<13312xi32, #tpu.memory_space<vmem>> -> memref<512xi32, #tpu.memory_space<vmem>>
    %dma_start3A_225 = tpu.memref_slice %arg2[%dma_start3A_218, %mul3A_2] : memref<26x16384xi32, #tpu.memory_space<hbm>> -> memref<1x512xi32, #tpu.memory_space<hbm>>
    %dma_start3A_226 = tpu.memref_squeeze %dma_start3A_225 : memref<1x512xi32, #tpu.memory_space<hbm>> -> memref<512xi32, #tpu.memory_space<hbm>>
    tpu.enqueue_dma source(%dma_start3A_226 : memref<512xi32, #tpu.memory_space<hbm>>) target(%dma_start3A_224 : memref<512xi32, #tpu.memory_space<vmem>>) target_semaphore(%arg9 : memref<!tpu.dma_semaphore, #tpu.memory_space<semaphore_mem>>)
    %dma_start3A_227 = arith.constant 25 : i32
    %dma_start3A_228 = arith.constant 12800 : i32
    %dma_start3A_229 = tpu.memref_slice %arg5[%dma_start3A_228] : memref<13312xi32, #tpu.memory_space<vmem>> -> memref<512xi32, #tpu.memory_space<vmem>>
    %dma_start3A_230 = tpu.memref_slice %arg2[%dma_start3A_227, %mul3A_2] : memref<26x16384xi32, #tpu.memory_space<hbm>> -> memref<1x512xi32, #tpu.memory_space<hbm>>
    %dma_start3A_231 = tpu.memref_squeeze %dma_start3A_230 : memref<1x512xi32, #tpu.memory_space<hbm>> -> memref<512xi32, #tpu.memory_space<hbm>>
    %dma_start3A_232 = arith.constant 12800 : i32
    %dma_start3A_233 = tpu.memref_slice %arg5[%dma_start3A_232] : memref<13312xi32, #tpu.memory_space<vmem>> -> memref<512xi32, #tpu.memory_space<vmem>>
    %dma_start3A_234 = tpu.memref_slice %arg2[%dma_start3A_227, %mul3A_2] : memref<26x16384xi32, #tpu.memory_space<hbm>> -> memref<1x512xi32, #tpu.memory_space<hbm>>
    %dma_start3A_235 = tpu.memref_squeeze %dma_start3A_234 : memref<1x512xi32, #tpu.memory_space<hbm>> -> memref<512xi32, #tpu.memory_space<hbm>>
    tpu.enqueue_dma source(%dma_start3A_235 : memref<512xi32, #tpu.memory_space<hbm>>) target(%dma_start3A_233 : memref<512xi32, #tpu.memory_space<vmem>>) target_semaphore(%arg9 : memref<!tpu.dma_semaphore, #tpu.memory_space<semaphore_mem>>)
    "tpu.region"() ({
      %run_scoped3A = tpu.sem_alloc : memref<!tpu.dma_semaphore, #tpu.memory_space<semaphore_mem>>
      %dma_start3A_942 = arith.constant 0 : i32
      %dma_start3A_943 = tpu.memref_slice %arg7[%dma_start3A_942] : memref<1368xf32, #tpu.memory_space<vmem>> -> memref<1352xf32, #tpu.memory_space<vmem>>
      %dma_start3A_944 = arith.constant 0 : i32
      %dma_start3A_945 = tpu.memref_slice %arg7[%dma_start3A_944] : memref<1368xf32, #tpu.memory_space<vmem>> -> memref<1352xf32, #tpu.memory_space<vmem>>
      tpu.enqueue_dma source(%arg3 : memref<1352xf32, #tpu.memory_space<hbm>>) target(%dma_start3A_945 : memref<1352xf32, #tpu.memory_space<vmem>>) target_semaphore(%run_scoped3A : memref<!tpu.dma_semaphore, #tpu.memory_space<semaphore_mem>>)
      %dma_wait3A_946 = arith.constant 0 : i32
      %dma_wait3A_947 = tpu.memref_slice %arg7[%dma_wait3A_946] : memref<1368xf32, #tpu.memory_space<vmem>> -> memref<1352xf32, #tpu.memory_space<vmem>>
      %dma_wait3A_948 = arith.constant 0 : i32
      %dma_wait3A_949 = tpu.memref_slice %arg7[%dma_wait3A_948] : memref<1368xf32, #tpu.memory_space<vmem>> -> memref<1352xf32, #tpu.memory_space<vmem>>
      tpu.wait_dma2 semaphore(%run_scoped3A : memref<!tpu.dma_semaphore, #tpu.memory_space<semaphore_mem>>) src(%arg3 : memref<1352xf32, #tpu.memory_space<hbm>>) dst(%dma_wait3A_949 : memref<1352xf32, #tpu.memory_space<vmem>>)
      tpu.yield
    }) : () -> ()
    %iota3A = tpu.iota {dimensions = array<i32: 0>} : vector<16xi32>
    %parallel_loop3A = arith.constant 0 : i32
    %parallel_loop3A_236 = arith.constant 82 : i32
    %parallel_loop3A_237 = arith.constant 1 : i32
    scf.for %parallel_loop3A_942 = %parallel_loop3A to %parallel_loop3A_236 step %parallel_loop3A_237  : i32 {
      %parallel_loop3A_943 = arith.constant 16 : i32
      %parallel_loop3A_944 = arith.muli %parallel_loop3A_942, %parallel_loop3A_943 : i32
      %parallel_loop3A_945 = vector.broadcast %parallel_loop3A_944 : i32 to vector<16xi32>
      %parallel_loop3A_946 = arith.addi %iota3A, %parallel_loop3A_945 : vector<16xi32>
      %parallel_loop3A_947 = arith.constant 50 : i32
      %parallel_loop3A_948 = vector.broadcast %parallel_loop3A_947 : i32 to vector<16xi32>
      %parallel_loop3A_949 = arith.divsi %parallel_loop3A_946, %parallel_loop3A_948 : vector<16xi32>
      %parallel_loop3A_950 = arith.constant 0 : i32
      %parallel_loop3A_951 = vector.broadcast %parallel_loop3A_950 : i32 to vector<16xi32>
      %parallel_loop3A_952 = arith.cmpi sgt, %parallel_loop3A_946, %parallel_loop3A_951 : vector<16xi32>
      %parallel_loop3A_953 = arith.extui %parallel_loop3A_952 : vector<16xi1> to vector<16xi32>
      %parallel_loop3A_954 = arith.constant 0 : i32
      %parallel_loop3A_955 = vector.broadcast %parallel_loop3A_954 : i32 to vector<16xi32>
      %parallel_loop3A_956 = arith.cmpi slt, %parallel_loop3A_946, %parallel_loop3A_955 : vector<16xi32>
      %parallel_loop3A_957 = arith.extui %parallel_loop3A_956 : vector<16xi1> to vector<16xi32>
      %parallel_loop3A_958 = arith.subi %parallel_loop3A_953, %parallel_loop3A_957 : vector<16xi32>
      %parallel_loop3A_959 = arith.constant 0 : i32
      %parallel_loop3A_960 = arith.cmpi sgt, %parallel_loop3A_947, %parallel_loop3A_959 : i32
      %parallel_loop3A_961 = arith.extui %parallel_loop3A_960 : i1 to i32
      %parallel_loop3A_962 = arith.constant 0 : i32
      %parallel_loop3A_963 = arith.cmpi slt, %parallel_loop3A_947, %parallel_loop3A_962 : i32
      %parallel_loop3A_964 = arith.extui %parallel_loop3A_963 : i1 to i32
      %parallel_loop3A_965 = arith.subi %parallel_loop3A_961, %parallel_loop3A_964 : i32
      %parallel_loop3A_966 = vector.broadcast %parallel_loop3A_965 : i32 to vector<16xi32>
      %parallel_loop3A_967 = arith.cmpi ne, %parallel_loop3A_958, %parallel_loop3A_966 : vector<16xi32>
      %parallel_loop3A_968 = vector.broadcast %parallel_loop3A_947 : i32 to vector<16xi32>
      %parallel_loop3A_969 = arith.remsi %parallel_loop3A_946, %parallel_loop3A_968 : vector<16xi32>
      %parallel_loop3A_970 = arith.constant 0 : i32
      %parallel_loop3A_971 = vector.broadcast %parallel_loop3A_970 : i32 to vector<16xi32>
      %parallel_loop3A_972 = arith.cmpi ne, %parallel_loop3A_969, %parallel_loop3A_971 : vector<16xi32>
      %parallel_loop3A_973 = arith.andi %parallel_loop3A_967, %parallel_loop3A_972 : vector<16xi1>
      %parallel_loop3A_974 = arith.constant 1 : i32
      %parallel_loop3A_975 = vector.broadcast %parallel_loop3A_974 : i32 to vector<16xi32>
      %parallel_loop3A_976 = arith.subi %parallel_loop3A_949, %parallel_loop3A_975 : vector<16xi32>
      %parallel_loop3A_977 = arith.select %parallel_loop3A_973, %parallel_loop3A_976, %parallel_loop3A_949 : vector<16xi1>, vector<16xi32>
      %parallel_loop3A_978 = arith.constant 1300 : i32
      %parallel_loop3A_979 = vector.broadcast %parallel_loop3A_978 : i32 to vector<16xi32>
      %parallel_loop3A_980 = arith.addi %parallel_loop3A_977, %parallel_loop3A_979 : vector<16xi32>
      %parallel_loop3A_981 = tpu.vector_load_idx %arg7[%parallel_loop3A_980] : memref<1368xf32, #tpu.memory_space<vmem>>[vector<16xi32>], vector<16xf32>,
      %parallel_loop3A_982 = arith.constant 1300 : i32
      %parallel_loop3A_983 = vector.broadcast %parallel_loop3A_982 : i32 to vector<16xi32>
      %parallel_loop3A_984 = arith.addi %parallel_loop3A_977, %parallel_loop3A_983 : vector<16xi32>
      %parallel_loop3A_985 = arith.constant 26 : i32
      %parallel_loop3A_986 = vector.broadcast %parallel_loop3A_985 : i32 to vector<16xi32>
      %parallel_loop3A_987 = arith.addi %parallel_loop3A_984, %parallel_loop3A_986 : vector<16xi32>
      %parallel_loop3A_988 = tpu.vector_load_idx %arg7[%parallel_loop3A_987] : memref<1368xf32, #tpu.memory_space<vmem>>[vector<16xi32>], vector<16xf32>,
      %parallel_loop3A_989 = arith.constant 16 : i32
      %parallel_loop3A_990 = arith.muli %parallel_loop3A_942, %parallel_loop3A_989 : i32
      %parallel_loop3A_991 = arith.index_cast %parallel_loop3A_990 : i32 to index
      %parallel_loop3A_992 = tpu.vector_load %arg7[%parallel_loop3A_991] {strides = array<i32>} : memref<1368xf32, #tpu.memory_space<vmem>>, vector<16xf32>,
      %parallel_loop3A_993 = arith.subf %parallel_loop3A_992, %parallel_loop3A_981 : vector<16xf32>
      %parallel_loop3A_994 = arith.divf %parallel_loop3A_993, %parallel_loop3A_988 : vector<16xf32>
      %parallel_loop3A_995 = arith.constant 6 : i32
      %parallel_loop3A_996 = vector.broadcast %parallel_loop3A_995 : i32 to vector<16xi32>
      %parallel_loop3A_997 = arith.muli %parallel_loop3A_977, %parallel_loop3A_996 : vector<16xi32>
      %parallel_loop3A_998 = arith.addi %parallel_loop3A_946, %parallel_loop3A_997 : vector<16xi32>
      tpu.vector_store_idx %arg8[%parallel_loop3A_998], %parallel_loop3A_994 : memref<1472xf32, #tpu.memory_space<vmem>>[vector<16xi32>], vector<16xf32>,
    } {sc.loop_unroll_factor = 2 : i64, sc.parallel_access}
    %dma_wait3A = arith.constant 0 : i32
    %dma_wait3A_238 = arith.constant 0 : i32
    %dma_wait3A_239 = tpu.memref_slice %arg5[%dma_wait3A_238] : memref<13312xi32, #tpu.memory_space<vmem>> -> memref<512xi32, #tpu.memory_space<vmem>>
    %dma_wait3A_240 = tpu.memref_slice %arg2[%dma_wait3A, %mul3A_2] : memref<26x16384xi32, #tpu.memory_space<hbm>> -> memref<1x512xi32, #tpu.memory_space<hbm>>
    %dma_wait3A_241 = tpu.memref_squeeze %dma_wait3A_240 : memref<1x512xi32, #tpu.memory_space<hbm>> -> memref<512xi32, #tpu.memory_space<hbm>>
    %dma_wait3A_242 = arith.constant 0 : i32
    %dma_wait3A_243 = tpu.memref_slice %arg5[%dma_wait3A_242] : memref<13312xi32, #tpu.memory_space<vmem>> -> memref<512xi32, #tpu.memory_space<vmem>>
    %dma_wait3A_244 = tpu.memref_slice %arg2[%dma_wait3A, %mul3A_2] : memref<26x16384xi32, #tpu.memory_space<hbm>> -> memref<1x512xi32, #tpu.memory_space<hbm>>
    %dma_wait3A_245 = tpu.memref_squeeze %dma_wait3A_244 : memref<1x512xi32, #tpu.memory_space<hbm>> -> memref<512xi32, #tpu.memory_space<hbm>>
    tpu.wait_dma2 semaphore(%arg9 : memref<!tpu.dma_semaphore, #tpu.memory_space<semaphore_mem>>) src(%dma_wait3A_245 : memref<512xi32, #tpu.memory_space<hbm>>) dst(%dma_wait3A_243 : memref<512xi32, #tpu.memory_space<vmem>>)
    %dma_wait3A_246 = arith.constant 1 : i32
    %dma_wait3A_247 = arith.constant 512 : i32
    %dma_wait3A_248 = tpu.memref_slice %arg5[%dma_wait3A_247] : memref<13312xi32, #tpu.memory_space<vmem>> -> memref<512xi32, #tpu.memory_space<vmem>>
    %dma_wait3A_249 = tpu.memref_slice %arg2[%dma_wait3A_246, %mul3A_2] : memref<26x16384xi32, #tpu.memory_space<hbm>> -> memref<1x512xi32, #tpu.memory_space<hbm>>
    %dma_wait3A_250 = tpu.memref_squeeze %dma_wait3A_249 : memref<1x512xi32, #tpu.memory_space<hbm>> -> memref<512xi32, #tpu.memory_space<hbm>>
    %dma_wait3A_251 = arith.constant 512 : i32
    %dma_wait3A_252 = tpu.memref_slice %arg5[%dma_wait3A_251] : memref<13312xi32, #tpu.memory_space<vmem>> -> memref<512xi32, #tpu.memory_space<vmem>>
    %dma_wait3A_253 = tpu.memref_slice %arg2[%dma_wait3A_246, %mul3A_2] : memref<26x16384xi32, #tpu.memory_space<hbm>> -> memref<1x512xi32, #tpu.memory_space<hbm>>
    %dma_wait3A_254 = tpu.memref_squeeze %dma_wait3A_253 : memref<1x512xi32, #tpu.memory_space<hbm>> -> memref<512xi32, #tpu.memory_space<hbm>>
    tpu.wait_dma2 semaphore(%arg9 : memref<!tpu.dma_semaphore, #tpu.memory_space<semaphore_mem>>) src(%dma_wait3A_254 : memref<512xi32, #tpu.memory_space<hbm>>) dst(%dma_wait3A_252 : memref<512xi32, #tpu.memory_space<vmem>>)
    %dma_wait3A_255 = arith.constant 2 : i32
    %dma_wait3A_256 = arith.constant 1024 : i32
    %dma_wait3A_257 = tpu.memref_slice %arg5[%dma_wait3A_256] : memref<13312xi32, #tpu.memory_space<vmem>> -> memref<512xi32, #tpu.memory_space<vmem>>
    %dma_wait3A_258 = tpu.memref_slice %arg2[%dma_wait3A_255, %mul3A_2] : memref<26x16384xi32, #tpu.memory_space<hbm>> -> memref<1x512xi32, #tpu.memory_space<hbm>>
    %dma_wait3A_259 = tpu.memref_squeeze %dma_wait3A_258 : memref<1x512xi32, #tpu.memory_space<hbm>> -> memref<512xi32, #tpu.memory_space<hbm>>
    %dma_wait3A_260 = arith.constant 1024 : i32
    %dma_wait3A_261 = tpu.memref_slice %arg5[%dma_wait3A_260] : memref<13312xi32, #tpu.memory_space<vmem>> -> memref<512xi32, #tpu.memory_space<vmem>>
    %dma_wait3A_262 = tpu.memref_slice %arg2[%dma_wait3A_255, %mul3A_2] : memref<26x16384xi32, #tpu.memory_space<hbm>> -> memref<1x512xi32, #tpu.memory_space<hbm>>
    %dma_wait3A_263 = tpu.memref_squeeze %dma_wait3A_262 : memref<1x512xi32, #tpu.memory_space<hbm>> -> memref<512xi32, #tpu.memory_space<hbm>>
    tpu.wait_dma2 semaphore(%arg9 : memref<!tpu.dma_semaphore, #tpu.memory_space<semaphore_mem>>) src(%dma_wait3A_263 : memref<512xi32, #tpu.memory_space<hbm>>) dst(%dma_wait3A_261 : memref<512xi32, #tpu.memory_space<vmem>>)
    %dma_wait3A_264 = arith.constant 3 : i32
    %dma_wait3A_265 = arith.constant 1536 : i32
    %dma_wait3A_266 = tpu.memref_slice %arg5[%dma_wait3A_265] : memref<13312xi32, #tpu.memory_space<vmem>> -> memref<512xi32, #tpu.memory_space<vmem>>
    %dma_wait3A_267 = tpu.memref_slice %arg2[%dma_wait3A_264, %mul3A_2] : memref<26x16384xi32, #tpu.memory_space<hbm>> -> memref<1x512xi32, #tpu.memory_space<hbm>>
    %dma_wait3A_268 = tpu.memref_squeeze %dma_wait3A_267 : memref<1x512xi32, #tpu.memory_space<hbm>> -> memref<512xi32, #tpu.memory_space<hbm>>
    %dma_wait3A_269 = arith.constant 1536 : i32
    %dma_wait3A_270 = tpu.memref_slice %arg5[%dma_wait3A_269] : memref<13312xi32, #tpu.memory_space<vmem>> -> memref<512xi32, #tpu.memory_space<vmem>>
    %dma_wait3A_271 = tpu.memref_slice %arg2[%dma_wait3A_264, %mul3A_2] : memref<26x16384xi32, #tpu.memory_space<hbm>> -> memref<1x512xi32, #tpu.memory_space<hbm>>
    %dma_wait3A_272 = tpu.memref_squeeze %dma_wait3A_271 : memref<1x512xi32, #tpu.memory_space<hbm>> -> memref<512xi32, #tpu.memory_space<hbm>>
    tpu.wait_dma2 semaphore(%arg9 : memref<!tpu.dma_semaphore, #tpu.memory_space<semaphore_mem>>) src(%dma_wait3A_272 : memref<512xi32, #tpu.memory_space<hbm>>) dst(%dma_wait3A_270 : memref<512xi32, #tpu.memory_space<vmem>>)
    %dma_wait3A_273 = arith.constant 4 : i32
    %dma_wait3A_274 = arith.constant 2048 : i32
    %dma_wait3A_275 = tpu.memref_slice %arg5[%dma_wait3A_274] : memref<13312xi32, #tpu.memory_space<vmem>> -> memref<512xi32, #tpu.memory_space<vmem>>
    %dma_wait3A_276 = tpu.memref_slice %arg2[%dma_wait3A_273, %mul3A_2] : memref<26x16384xi32, #tpu.memory_space<hbm>> -> memref<1x512xi32, #tpu.memory_space<hbm>>
    %dma_wait3A_277 = tpu.memref_squeeze %dma_wait3A_276 : memref<1x512xi32, #tpu.memory_space<hbm>> -> memref<512xi32, #tpu.memory_space<hbm>>
    %dma_wait3A_278 = arith.constant 2048 : i32
    %dma_wait3A_279 = tpu.memref_slice %arg5[%dma_wait3A_278] : memref<13312xi32, #tpu.memory_space<vmem>> -> memref<512xi32, #tpu.memory_space<vmem>>
    %dma_wait3A_280 = tpu.memref_slice %arg2[%dma_wait3A_273, %mul3A_2] : memref<26x16384xi32, #tpu.memory_space<hbm>> -> memref<1x512xi32, #tpu.memory_space<hbm>>
    %dma_wait3A_281 = tpu.memref_squeeze %dma_wait3A_280 : memref<1x512xi32, #tpu.memory_space<hbm>> -> memref<512xi32, #tpu.memory_space<hbm>>
    tpu.wait_dma2 semaphore(%arg9 : memref<!tpu.dma_semaphore, #tpu.memory_space<semaphore_mem>>) src(%dma_wait3A_281 : memref<512xi32, #tpu.memory_space<hbm>>) dst(%dma_wait3A_279 : memref<512xi32, #tpu.memory_space<vmem>>)
    %dma_wait3A_282 = arith.constant 5 : i32
    %dma_wait3A_283 = arith.constant 2560 : i32
    %dma_wait3A_284 = tpu.memref_slice %arg5[%dma_wait3A_283] : memref<13312xi32, #tpu.memory_space<vmem>> -> memref<512xi32, #tpu.memory_space<vmem>>
    %dma_wait3A_285 = tpu.memref_slice %arg2[%dma_wait3A_282, %mul3A_2] : memref<26x16384xi32, #tpu.memory_space<hbm>> -> memref<1x512xi32, #tpu.memory_space<hbm>>
    %dma_wait3A_286 = tpu.memref_squeeze %dma_wait3A_285 : memref<1x512xi32, #tpu.memory_space<hbm>> -> memref<512xi32, #tpu.memory_space<hbm>>
    %dma_wait3A_287 = arith.constant 2560 : i32
    %dma_wait3A_288 = tpu.memref_slice %arg5[%dma_wait3A_287] : memref<13312xi32, #tpu.memory_space<vmem>> -> memref<512xi32, #tpu.memory_space<vmem>>
    %dma_wait3A_289 = tpu.memref_slice %arg2[%dma_wait3A_282, %mul3A_2] : memref<26x16384xi32, #tpu.memory_space<hbm>> -> memref<1x512xi32, #tpu.memory_space<hbm>>
    %dma_wait3A_290 = tpu.memref_squeeze %dma_wait3A_289 : memref<1x512xi32, #tpu.memory_space<hbm>> -> memref<512xi32, #tpu.memory_space<hbm>>
    tpu.wait_dma2 semaphore(%arg9 : memref<!tpu.dma_semaphore, #tpu.memory_space<semaphore_mem>>) src(%dma_wait3A_290 : memref<512xi32, #tpu.memory_space<hbm>>) dst(%dma_wait3A_288 : memref<512xi32, #tpu.memory_space<vmem>>)
    %dma_wait3A_291 = arith.constant 6 : i32
    %dma_wait3A_292 = arith.constant 3072 : i32
    %dma_wait3A_293 = tpu.memref_slice %arg5[%dma_wait3A_292] : memref<13312xi32, #tpu.memory_space<vmem>> -> memref<512xi32, #tpu.memory_space<vmem>>
    %dma_wait3A_294 = tpu.memref_slice %arg2[%dma_wait3A_291, %mul3A_2] : memref<26x16384xi32, #tpu.memory_space<hbm>> -> memref<1x512xi32, #tpu.memory_space<hbm>>
    %dma_wait3A_295 = tpu.memref_squeeze %dma_wait3A_294 : memref<1x512xi32, #tpu.memory_space<hbm>> -> memref<512xi32, #tpu.memory_space<hbm>>
    %dma_wait3A_296 = arith.constant 3072 : i32
    %dma_wait3A_297 = tpu.memref_slice %arg5[%dma_wait3A_296] : memref<13312xi32, #tpu.memory_space<vmem>> -> memref<512xi32, #tpu.memory_space<vmem>>
    %dma_wait3A_298 = tpu.memref_slice %arg2[%dma_wait3A_291, %mul3A_2] : memref<26x16384xi32, #tpu.memory_space<hbm>> -> memref<1x512xi32, #tpu.memory_space<hbm>>
    %dma_wait3A_299 = tpu.memref_squeeze %dma_wait3A_298 : memref<1x512xi32, #tpu.memory_space<hbm>> -> memref<512xi32, #tpu.memory_space<hbm>>
    tpu.wait_dma2 semaphore(%arg9 : memref<!tpu.dma_semaphore, #tpu.memory_space<semaphore_mem>>) src(%dma_wait3A_299 : memref<512xi32, #tpu.memory_space<hbm>>) dst(%dma_wait3A_297 : memref<512xi32, #tpu.memory_space<vmem>>)
    %dma_wait3A_300 = arith.constant 7 : i32
    %dma_wait3A_301 = arith.constant 3584 : i32
    %dma_wait3A_302 = tpu.memref_slice %arg5[%dma_wait3A_301] : memref<13312xi32, #tpu.memory_space<vmem>> -> memref<512xi32, #tpu.memory_space<vmem>>
    %dma_wait3A_303 = tpu.memref_slice %arg2[%dma_wait3A_300, %mul3A_2] : memref<26x16384xi32, #tpu.memory_space<hbm>> -> memref<1x512xi32, #tpu.memory_space<hbm>>
    %dma_wait3A_304 = tpu.memref_squeeze %dma_wait3A_303 : memref<1x512xi32, #tpu.memory_space<hbm>> -> memref<512xi32, #tpu.memory_space<hbm>>
    %dma_wait3A_305 = arith.constant 3584 : i32
    %dma_wait3A_306 = tpu.memref_slice %arg5[%dma_wait3A_305] : memref<13312xi32, #tpu.memory_space<vmem>> -> memref<512xi32, #tpu.memory_space<vmem>>
    %dma_wait3A_307 = tpu.memref_slice %arg2[%dma_wait3A_300, %mul3A_2] : memref<26x16384xi32, #tpu.memory_space<hbm>> -> memref<1x512xi32, #tpu.memory_space<hbm>>
    %dma_wait3A_308 = tpu.memref_squeeze %dma_wait3A_307 : memref<1x512xi32, #tpu.memory_space<hbm>> -> memref<512xi32, #tpu.memory_space<hbm>>
    tpu.wait_dma2 semaphore(%arg9 : memref<!tpu.dma_semaphore, #tpu.memory_space<semaphore_mem>>) src(%dma_wait3A_308 : memref<512xi32, #tpu.memory_space<hbm>>) dst(%dma_wait3A_306 : memref<512xi32, #tpu.memory_space<vmem>>)
    %dma_wait3A_309 = arith.constant 8 : i32
    %dma_wait3A_310 = arith.constant 4096 : i32
    %dma_wait3A_311 = tpu.memref_slice %arg5[%dma_wait3A_310] : memref<13312xi32, #tpu.memory_space<vmem>> -> memref<512xi32, #tpu.memory_space<vmem>>
    %dma_wait3A_312 = tpu.memref_slice %arg2[%dma_wait3A_309, %mul3A_2] : memref<26x16384xi32, #tpu.memory_space<hbm>> -> memref<1x512xi32, #tpu.memory_space<hbm>>
    %dma_wait3A_313 = tpu.memref_squeeze %dma_wait3A_312 : memref<1x512xi32, #tpu.memory_space<hbm>> -> memref<512xi32, #tpu.memory_space<hbm>>
    %dma_wait3A_314 = arith.constant 4096 : i32
    %dma_wait3A_315 = tpu.memref_slice %arg5[%dma_wait3A_314] : memref<13312xi32, #tpu.memory_space<vmem>> -> memref<512xi32, #tpu.memory_space<vmem>>
    %dma_wait3A_316 = tpu.memref_slice %arg2[%dma_wait3A_309, %mul3A_2] : memref<26x16384xi32, #tpu.memory_space<hbm>> -> memref<1x512xi32, #tpu.memory_space<hbm>>
    %dma_wait3A_317 = tpu.memref_squeeze %dma_wait3A_316 : memref<1x512xi32, #tpu.memory_space<hbm>> -> memref<512xi32, #tpu.memory_space<hbm>>
    tpu.wait_dma2 semaphore(%arg9 : memref<!tpu.dma_semaphore, #tpu.memory_space<semaphore_mem>>) src(%dma_wait3A_317 : memref<512xi32, #tpu.memory_space<hbm>>) dst(%dma_wait3A_315 : memref<512xi32, #tpu.memory_space<vmem>>)
    %dma_wait3A_318 = arith.constant 9 : i32
    %dma_wait3A_319 = arith.constant 4608 : i32
    %dma_wait3A_320 = tpu.memref_slice %arg5[%dma_wait3A_319] : memref<13312xi32, #tpu.memory_space<vmem>> -> memref<512xi32, #tpu.memory_space<vmem>>
    %dma_wait3A_321 = tpu.memref_slice %arg2[%dma_wait3A_318, %mul3A_2] : memref<26x16384xi32, #tpu.memory_space<hbm>> -> memref<1x512xi32, #tpu.memory_space<hbm>>
    %dma_wait3A_322 = tpu.memref_squeeze %dma_wait3A_321 : memref<1x512xi32, #tpu.memory_space<hbm>> -> memref<512xi32, #tpu.memory_space<hbm>>
    %dma_wait3A_323 = arith.constant 4608 : i32
    %dma_wait3A_324 = tpu.memref_slice %arg5[%dma_wait3A_323] : memref<13312xi32, #tpu.memory_space<vmem>> -> memref<512xi32, #tpu.memory_space<vmem>>
    %dma_wait3A_325 = tpu.memref_slice %arg2[%dma_wait3A_318, %mul3A_2] : memref<26x16384xi32, #tpu.memory_space<hbm>> -> memref<1x512xi32, #tpu.memory_space<hbm>>
    %dma_wait3A_326 = tpu.memref_squeeze %dma_wait3A_325 : memref<1x512xi32, #tpu.memory_space<hbm>> -> memref<512xi32, #tpu.memory_space<hbm>>
    tpu.wait_dma2 semaphore(%arg9 : memref<!tpu.dma_semaphore, #tpu.memory_space<semaphore_mem>>) src(%dma_wait3A_326 : memref<512xi32, #tpu.memory_space<hbm>>) dst(%dma_wait3A_324 : memref<512xi32, #tpu.memory_space<vmem>>)
    %dma_wait3A_327 = arith.constant 10 : i32
    %dma_wait3A_328 = arith.constant 5120 : i32
    %dma_wait3A_329 = tpu.memref_slice %arg5[%dma_wait3A_328] : memref<13312xi32, #tpu.memory_space<vmem>> -> memref<512xi32, #tpu.memory_space<vmem>>
    %dma_wait3A_330 = tpu.memref_slice %arg2[%dma_wait3A_327, %mul3A_2] : memref<26x16384xi32, #tpu.memory_space<hbm>> -> memref<1x512xi32, #tpu.memory_space<hbm>>
    %dma_wait3A_331 = tpu.memref_squeeze %dma_wait3A_330 : memref<1x512xi32, #tpu.memory_space<hbm>> -> memref<512xi32, #tpu.memory_space<hbm>>
    %dma_wait3A_332 = arith.constant 5120 : i32
    %dma_wait3A_333 = tpu.memref_slice %arg5[%dma_wait3A_332] : memref<13312xi32, #tpu.memory_space<vmem>> -> memref<512xi32, #tpu.memory_space<vmem>>
    %dma_wait3A_334 = tpu.memref_slice %arg2[%dma_wait3A_327, %mul3A_2] : memref<26x16384xi32, #tpu.memory_space<hbm>> -> memref<1x512xi32, #tpu.memory_space<hbm>>
    %dma_wait3A_335 = tpu.memref_squeeze %dma_wait3A_334 : memref<1x512xi32, #tpu.memory_space<hbm>> -> memref<512xi32, #tpu.memory_space<hbm>>
    tpu.wait_dma2 semaphore(%arg9 : memref<!tpu.dma_semaphore, #tpu.memory_space<semaphore_mem>>) src(%dma_wait3A_335 : memref<512xi32, #tpu.memory_space<hbm>>) dst(%dma_wait3A_333 : memref<512xi32, #tpu.memory_space<vmem>>)
    %dma_wait3A_336 = arith.constant 11 : i32
    %dma_wait3A_337 = arith.constant 5632 : i32
    %dma_wait3A_338 = tpu.memref_slice %arg5[%dma_wait3A_337] : memref<13312xi32, #tpu.memory_space<vmem>> -> memref<512xi32, #tpu.memory_space<vmem>>
    %dma_wait3A_339 = tpu.memref_slice %arg2[%dma_wait3A_336, %mul3A_2] : memref<26x16384xi32, #tpu.memory_space<hbm>> -> memref<1x512xi32, #tpu.memory_space<hbm>>
    %dma_wait3A_340 = tpu.memref_squeeze %dma_wait3A_339 : memref<1x512xi32, #tpu.memory_space<hbm>> -> memref<512xi32, #tpu.memory_space<hbm>>
    %dma_wait3A_341 = arith.constant 5632 : i32
    %dma_wait3A_342 = tpu.memref_slice %arg5[%dma_wait3A_341] : memref<13312xi32, #tpu.memory_space<vmem>> -> memref<512xi32, #tpu.memory_space<vmem>>
    %dma_wait3A_343 = tpu.memref_slice %arg2[%dma_wait3A_336, %mul3A_2] : memref<26x16384xi32, #tpu.memory_space<hbm>> -> memref<1x512xi32, #tpu.memory_space<hbm>>
    %dma_wait3A_344 = tpu.memref_squeeze %dma_wait3A_343 : memref<1x512xi32, #tpu.memory_space<hbm>> -> memref<512xi32, #tpu.memory_space<hbm>>
    tpu.wait_dma2 semaphore(%arg9 : memref<!tpu.dma_semaphore, #tpu.memory_space<semaphore_mem>>) src(%dma_wait3A_344 : memref<512xi32, #tpu.memory_space<hbm>>) dst(%dma_wait3A_342 : memref<512xi32, #tpu.memory_space<vmem>>)
    %dma_wait3A_345 = arith.constant 12 : i32
    %dma_wait3A_346 = arith.constant 6144 : i32
    %dma_wait3A_347 = tpu.memref_slice %arg5[%dma_wait3A_346] : memref<13312xi32, #tpu.memory_space<vmem>> -> memref<512xi32, #tpu.memory_space<vmem>>
    %dma_wait3A_348 = tpu.memref_slice %arg2[%dma_wait3A_345, %mul3A_2] : memref<26x16384xi32, #tpu.memory_space<hbm>> -> memref<1x512xi32, #tpu.memory_space<hbm>>
    %dma_wait3A_349 = tpu.memref_squeeze %dma_wait3A_348 : memref<1x512xi32, #tpu.memory_space<hbm>> -> memref<512xi32, #tpu.memory_space<hbm>>
    %dma_wait3A_350 = arith.constant 6144 : i32
    %dma_wait3A_351 = tpu.memref_slice %arg5[%dma_wait3A_350] : memref<13312xi32, #tpu.memory_space<vmem>> -> memref<512xi32, #tpu.memory_space<vmem>>
    %dma_wait3A_352 = tpu.memref_slice %arg2[%dma_wait3A_345, %mul3A_2] : memref<26x16384xi32, #tpu.memory_space<hbm>> -> memref<1x512xi32, #tpu.memory_space<hbm>>
    %dma_wait3A_353 = tpu.memref_squeeze %dma_wait3A_352 : memref<1x512xi32, #tpu.memory_space<hbm>> -> memref<512xi32, #tpu.memory_space<hbm>>
    tpu.wait_dma2 semaphore(%arg9 : memref<!tpu.dma_semaphore, #tpu.memory_space<semaphore_mem>>) src(%dma_wait3A_353 : memref<512xi32, #tpu.memory_space<hbm>>) dst(%dma_wait3A_351 : memref<512xi32, #tpu.memory_space<vmem>>)
    %dma_wait3A_354 = arith.constant 13 : i32
    %dma_wait3A_355 = arith.constant 6656 : i32
    %dma_wait3A_356 = tpu.memref_slice %arg5[%dma_wait3A_355] : memref<13312xi32, #tpu.memory_space<vmem>> -> memref<512xi32, #tpu.memory_space<vmem>>
    %dma_wait3A_357 = tpu.memref_slice %arg2[%dma_wait3A_354, %mul3A_2] : memref<26x16384xi32, #tpu.memory_space<hbm>> -> memref<1x512xi32, #tpu.memory_space<hbm>>
    %dma_wait3A_358 = tpu.memref_squeeze %dma_wait3A_357 : memref<1x512xi32, #tpu.memory_space<hbm>> -> memref<512xi32, #tpu.memory_space<hbm>>
    %dma_wait3A_359 = arith.constant 6656 : i32
    %dma_wait3A_360 = tpu.memref_slice %arg5[%dma_wait3A_359] : memref<13312xi32, #tpu.memory_space<vmem>> -> memref<512xi32, #tpu.memory_space<vmem>>
    %dma_wait3A_361 = tpu.memref_slice %arg2[%dma_wait3A_354, %mul3A_2] : memref<26x16384xi32, #tpu.memory_space<hbm>> -> memref<1x512xi32, #tpu.memory_space<hbm>>
    %dma_wait3A_362 = tpu.memref_squeeze %dma_wait3A_361 : memref<1x512xi32, #tpu.memory_space<hbm>> -> memref<512xi32, #tpu.memory_space<hbm>>
    tpu.wait_dma2 semaphore(%arg9 : memref<!tpu.dma_semaphore, #tpu.memory_space<semaphore_mem>>) src(%dma_wait3A_362 : memref<512xi32, #tpu.memory_space<hbm>>) dst(%dma_wait3A_360 : memref<512xi32, #tpu.memory_space<vmem>>)
    %dma_wait3A_363 = arith.constant 14 : i32
    %dma_wait3A_364 = arith.constant 7168 : i32
    %dma_wait3A_365 = tpu.memref_slice %arg5[%dma_wait3A_364] : memref<13312xi32, #tpu.memory_space<vmem>> -> memref<512xi32, #tpu.memory_space<vmem>>
    %dma_wait3A_366 = tpu.memref_slice %arg2[%dma_wait3A_363, %mul3A_2] : memref<26x16384xi32, #tpu.memory_space<hbm>> -> memref<1x512xi32, #tpu.memory_space<hbm>>
    %dma_wait3A_367 = tpu.memref_squeeze %dma_wait3A_366 : memref<1x512xi32, #tpu.memory_space<hbm>> -> memref<512xi32, #tpu.memory_space<hbm>>
    %dma_wait3A_368 = arith.constant 7168 : i32
    %dma_wait3A_369 = tpu.memref_slice %arg5[%dma_wait3A_368] : memref<13312xi32, #tpu.memory_space<vmem>> -> memref<512xi32, #tpu.memory_space<vmem>>
    %dma_wait3A_370 = tpu.memref_slice %arg2[%dma_wait3A_363, %mul3A_2] : memref<26x16384xi32, #tpu.memory_space<hbm>> -> memref<1x512xi32, #tpu.memory_space<hbm>>
    %dma_wait3A_371 = tpu.memref_squeeze %dma_wait3A_370 : memref<1x512xi32, #tpu.memory_space<hbm>> -> memref<512xi32, #tpu.memory_space<hbm>>
    tpu.wait_dma2 semaphore(%arg9 : memref<!tpu.dma_semaphore, #tpu.memory_space<semaphore_mem>>) src(%dma_wait3A_371 : memref<512xi32, #tpu.memory_space<hbm>>) dst(%dma_wait3A_369 : memref<512xi32, #tpu.memory_space<vmem>>)
    %dma_wait3A_372 = arith.constant 15 : i32
    %dma_wait3A_373 = arith.constant 7680 : i32
    %dma_wait3A_374 = tpu.memref_slice %arg5[%dma_wait3A_373] : memref<13312xi32, #tpu.memory_space<vmem>> -> memref<512xi32, #tpu.memory_space<vmem>>
    %dma_wait3A_375 = tpu.memref_slice %arg2[%dma_wait3A_372, %mul3A_2] : memref<26x16384xi32, #tpu.memory_space<hbm>> -> memref<1x512xi32, #tpu.memory_space<hbm>>
    %dma_wait3A_376 = tpu.memref_squeeze %dma_wait3A_375 : memref<1x512xi32, #tpu.memory_space<hbm>> -> memref<512xi32, #tpu.memory_space<hbm>>
    %dma_wait3A_377 = arith.constant 7680 : i32
    %dma_wait3A_378 = tpu.memref_slice %arg5[%dma_wait3A_377] : memref<13312xi32, #tpu.memory_space<vmem>> -> memref<512xi32, #tpu.memory_space<vmem>>
    %dma_wait3A_379 = tpu.memref_slice %arg2[%dma_wait3A_372, %mul3A_2] : memref<26x16384xi32, #tpu.memory_space<hbm>> -> memref<1x512xi32, #tpu.memory_space<hbm>>
    %dma_wait3A_380 = tpu.memref_squeeze %dma_wait3A_379 : memref<1x512xi32, #tpu.memory_space<hbm>> -> memref<512xi32, #tpu.memory_space<hbm>>
    tpu.wait_dma2 semaphore(%arg9 : memref<!tpu.dma_semaphore, #tpu.memory_space<semaphore_mem>>) src(%dma_wait3A_380 : memref<512xi32, #tpu.memory_space<hbm>>) dst(%dma_wait3A_378 : memref<512xi32, #tpu.memory_space<vmem>>)
    %dma_wait3A_381 = arith.constant 16 : i32
    %dma_wait3A_382 = arith.constant 8192 : i32
    %dma_wait3A_383 = tpu.memref_slice %arg5[%dma_wait3A_382] : memref<13312xi32, #tpu.memory_space<vmem>> -> memref<512xi32, #tpu.memory_space<vmem>>
    %dma_wait3A_384 = tpu.memref_slice %arg2[%dma_wait3A_381, %mul3A_2] : memref<26x16384xi32, #tpu.memory_space<hbm>> -> memref<1x512xi32, #tpu.memory_space<hbm>>
    %dma_wait3A_385 = tpu.memref_squeeze %dma_wait3A_384 : memref<1x512xi32, #tpu.memory_space<hbm>> -> memref<512xi32, #tpu.memory_space<hbm>>
    %dma_wait3A_386 = arith.constant 8192 : i32
    %dma_wait3A_387 = tpu.memref_slice %arg5[%dma_wait3A_386] : memref<13312xi32, #tpu.memory_space<vmem>> -> memref<512xi32, #tpu.memory_space<vmem>>
    %dma_wait3A_388 = tpu.memref_slice %arg2[%dma_wait3A_381, %mul3A_2] : memref<26x16384xi32, #tpu.memory_space<hbm>> -> memref<1x512xi32, #tpu.memory_space<hbm>>
    %dma_wait3A_389 = tpu.memref_squeeze %dma_wait3A_388 : memref<1x512xi32, #tpu.memory_space<hbm>> -> memref<512xi32, #tpu.memory_space<hbm>>
    tpu.wait_dma2 semaphore(%arg9 : memref<!tpu.dma_semaphore, #tpu.memory_space<semaphore_mem>>) src(%dma_wait3A_389 : memref<512xi32, #tpu.memory_space<hbm>>) dst(%dma_wait3A_387 : memref<512xi32, #tpu.memory_space<vmem>>)
    %dma_wait3A_390 = arith.constant 17 : i32
    %dma_wait3A_391 = arith.constant 8704 : i32
    %dma_wait3A_392 = tpu.memref_slice %arg5[%dma_wait3A_391] : memref<13312xi32, #tpu.memory_space<vmem>> -> memref<512xi32, #tpu.memory_space<vmem>>
    %dma_wait3A_393 = tpu.memref_slice %arg2[%dma_wait3A_390, %mul3A_2] : memref<26x16384xi32, #tpu.memory_space<hbm>> -> memref<1x512xi32, #tpu.memory_space<hbm>>
    %dma_wait3A_394 = tpu.memref_squeeze %dma_wait3A_393 : memref<1x512xi32, #tpu.memory_space<hbm>> -> memref<512xi32, #tpu.memory_space<hbm>>
    %dma_wait3A_395 = arith.constant 8704 : i32
    %dma_wait3A_396 = tpu.memref_slice %arg5[%dma_wait3A_395] : memref<13312xi32, #tpu.memory_space<vmem>> -> memref<512xi32, #tpu.memory_space<vmem>>
    %dma_wait3A_397 = tpu.memref_slice %arg2[%dma_wait3A_390, %mul3A_2] : memref<26x16384xi32, #tpu.memory_space<hbm>> -> memref<1x512xi32, #tpu.memory_space<hbm>>
    %dma_wait3A_398 = tpu.memref_squeeze %dma_wait3A_397 : memref<1x512xi32, #tpu.memory_space<hbm>> -> memref<512xi32, #tpu.memory_space<hbm>>
    tpu.wait_dma2 semaphore(%arg9 : memref<!tpu.dma_semaphore, #tpu.memory_space<semaphore_mem>>) src(%dma_wait3A_398 : memref<512xi32, #tpu.memory_space<hbm>>) dst(%dma_wait3A_396 : memref<512xi32, #tpu.memory_space<vmem>>)
    %dma_wait3A_399 = arith.constant 18 : i32
    %dma_wait3A_400 = arith.constant 9216 : i32
    %dma_wait3A_401 = tpu.memref_slice %arg5[%dma_wait3A_400] : memref<13312xi32, #tpu.memory_space<vmem>> -> memref<512xi32, #tpu.memory_space<vmem>>
    %dma_wait3A_402 = tpu.memref_slice %arg2[%dma_wait3A_399, %mul3A_2] : memref<26x16384xi32, #tpu.memory_space<hbm>> -> memref<1x512xi32, #tpu.memory_space<hbm>>
    %dma_wait3A_403 = tpu.memref_squeeze %dma_wait3A_402 : memref<1x512xi32, #tpu.memory_space<hbm>> -> memref<512xi32, #tpu.memory_space<hbm>>
    %dma_wait3A_404 = arith.constant 9216 : i32
    %dma_wait3A_405 = tpu.memref_slice %arg5[%dma_wait3A_404] : memref<13312xi32, #tpu.memory_space<vmem>> -> memref<512xi32, #tpu.memory_space<vmem>>
    %dma_wait3A_406 = tpu.memref_slice %arg2[%dma_wait3A_399, %mul3A_2] : memref<26x16384xi32, #tpu.memory_space<hbm>> -> memref<1x512xi32, #tpu.memory_space<hbm>>
    %dma_wait3A_407 = tpu.memref_squeeze %dma_wait3A_406 : memref<1x512xi32, #tpu.memory_space<hbm>> -> memref<512xi32, #tpu.memory_space<hbm>>
    tpu.wait_dma2 semaphore(%arg9 : memref<!tpu.dma_semaphore, #tpu.memory_space<semaphore_mem>>) src(%dma_wait3A_407 : memref<512xi32, #tpu.memory_space<hbm>>) dst(%dma_wait3A_405 : memref<512xi32, #tpu.memory_space<vmem>>)
    %dma_wait3A_408 = arith.constant 19 : i32
    %dma_wait3A_409 = arith.constant 9728 : i32
    %dma_wait3A_410 = tpu.memref_slice %arg5[%dma_wait3A_409] : memref<13312xi32, #tpu.memory_space<vmem>> -> memref<512xi32, #tpu.memory_space<vmem>>
    %dma_wait3A_411 = tpu.memref_slice %arg2[%dma_wait3A_408, %mul3A_2] : memref<26x16384xi32, #tpu.memory_space<hbm>> -> memref<1x512xi32, #tpu.memory_space<hbm>>
    %dma_wait3A_412 = tpu.memref_squeeze %dma_wait3A_411 : memref<1x512xi32, #tpu.memory_space<hbm>> -> memref<512xi32, #tpu.memory_space<hbm>>
    %dma_wait3A_413 = arith.constant 9728 : i32
    %dma_wait3A_414 = tpu.memref_slice %arg5[%dma_wait3A_413] : memref<13312xi32, #tpu.memory_space<vmem>> -> memref<512xi32, #tpu.memory_space<vmem>>
    %dma_wait3A_415 = tpu.memref_slice %arg2[%dma_wait3A_408, %mul3A_2] : memref<26x16384xi32, #tpu.memory_space<hbm>> -> memref<1x512xi32, #tpu.memory_space<hbm>>
    %dma_wait3A_416 = tpu.memref_squeeze %dma_wait3A_415 : memref<1x512xi32, #tpu.memory_space<hbm>> -> memref<512xi32, #tpu.memory_space<hbm>>
    tpu.wait_dma2 semaphore(%arg9 : memref<!tpu.dma_semaphore, #tpu.memory_space<semaphore_mem>>) src(%dma_wait3A_416 : memref<512xi32, #tpu.memory_space<hbm>>) dst(%dma_wait3A_414 : memref<512xi32, #tpu.memory_space<vmem>>)
    %dma_wait3A_417 = arith.constant 20 : i32
    %dma_wait3A_418 = arith.constant 10240 : i32
    %dma_wait3A_419 = tpu.memref_slice %arg5[%dma_wait3A_418] : memref<13312xi32, #tpu.memory_space<vmem>> -> memref<512xi32, #tpu.memory_space<vmem>>
    %dma_wait3A_420 = tpu.memref_slice %arg2[%dma_wait3A_417, %mul3A_2] : memref<26x16384xi32, #tpu.memory_space<hbm>> -> memref<1x512xi32, #tpu.memory_space<hbm>>
    %dma_wait3A_421 = tpu.memref_squeeze %dma_wait3A_420 : memref<1x512xi32, #tpu.memory_space<hbm>> -> memref<512xi32, #tpu.memory_space<hbm>>
    %dma_wait3A_422 = arith.constant 10240 : i32
    %dma_wait3A_423 = tpu.memref_slice %arg5[%dma_wait3A_422] : memref<13312xi32, #tpu.memory_space<vmem>> -> memref<512xi32, #tpu.memory_space<vmem>>
    %dma_wait3A_424 = tpu.memref_slice %arg2[%dma_wait3A_417, %mul3A_2] : memref<26x16384xi32, #tpu.memory_space<hbm>> -> memref<1x512xi32, #tpu.memory_space<hbm>>
    %dma_wait3A_425 = tpu.memref_squeeze %dma_wait3A_424 : memref<1x512xi32, #tpu.memory_space<hbm>> -> memref<512xi32, #tpu.memory_space<hbm>>
    tpu.wait_dma2 semaphore(%arg9 : memref<!tpu.dma_semaphore, #tpu.memory_space<semaphore_mem>>) src(%dma_wait3A_425 : memref<512xi32, #tpu.memory_space<hbm>>) dst(%dma_wait3A_423 : memref<512xi32, #tpu.memory_space<vmem>>)
    %dma_wait3A_426 = arith.constant 21 : i32
    %dma_wait3A_427 = arith.constant 10752 : i32
    %dma_wait3A_428 = tpu.memref_slice %arg5[%dma_wait3A_427] : memref<13312xi32, #tpu.memory_space<vmem>> -> memref<512xi32, #tpu.memory_space<vmem>>
    %dma_wait3A_429 = tpu.memref_slice %arg2[%dma_wait3A_426, %mul3A_2] : memref<26x16384xi32, #tpu.memory_space<hbm>> -> memref<1x512xi32, #tpu.memory_space<hbm>>
    %dma_wait3A_430 = tpu.memref_squeeze %dma_wait3A_429 : memref<1x512xi32, #tpu.memory_space<hbm>> -> memref<512xi32, #tpu.memory_space<hbm>>
    %dma_wait3A_431 = arith.constant 10752 : i32
    %dma_wait3A_432 = tpu.memref_slice %arg5[%dma_wait3A_431] : memref<13312xi32, #tpu.memory_space<vmem>> -> memref<512xi32, #tpu.memory_space<vmem>>
    %dma_wait3A_433 = tpu.memref_slice %arg2[%dma_wait3A_426, %mul3A_2] : memref<26x16384xi32, #tpu.memory_space<hbm>> -> memref<1x512xi32, #tpu.memory_space<hbm>>
    %dma_wait3A_434 = tpu.memref_squeeze %dma_wait3A_433 : memref<1x512xi32, #tpu.memory_space<hbm>> -> memref<512xi32, #tpu.memory_space<hbm>>
    tpu.wait_dma2 semaphore(%arg9 : memref<!tpu.dma_semaphore, #tpu.memory_space<semaphore_mem>>) src(%dma_wait3A_434 : memref<512xi32, #tpu.memory_space<hbm>>) dst(%dma_wait3A_432 : memref<512xi32, #tpu.memory_space<vmem>>)
    %dma_wait3A_435 = arith.constant 22 : i32
    %dma_wait3A_436 = arith.constant 11264 : i32
    %dma_wait3A_437 = tpu.memref_slice %arg5[%dma_wait3A_436] : memref<13312xi32, #tpu.memory_space<vmem>> -> memref<512xi32, #tpu.memory_space<vmem>>
    %dma_wait3A_438 = tpu.memref_slice %arg2[%dma_wait3A_435, %mul3A_2] : memref<26x16384xi32, #tpu.memory_space<hbm>> -> memref<1x512xi32, #tpu.memory_space<hbm>>
    %dma_wait3A_439 = tpu.memref_squeeze %dma_wait3A_438 : memref<1x512xi32, #tpu.memory_space<hbm>> -> memref<512xi32, #tpu.memory_space<hbm>>
    %dma_wait3A_440 = arith.constant 11264 : i32
    %dma_wait3A_441 = tpu.memref_slice %arg5[%dma_wait3A_440] : memref<13312xi32, #tpu.memory_space<vmem>> -> memref<512xi32, #tpu.memory_space<vmem>>
    %dma_wait3A_442 = tpu.memref_slice %arg2[%dma_wait3A_435, %mul3A_2] : memref<26x16384xi32, #tpu.memory_space<hbm>> -> memref<1x512xi32, #tpu.memory_space<hbm>>
    %dma_wait3A_443 = tpu.memref_squeeze %dma_wait3A_442 : memref<1x512xi32, #tpu.memory_space<hbm>> -> memref<512xi32, #tpu.memory_space<hbm>>
    tpu.wait_dma2 semaphore(%arg9 : memref<!tpu.dma_semaphore, #tpu.memory_space<semaphore_mem>>) src(%dma_wait3A_443 : memref<512xi32, #tpu.memory_space<hbm>>) dst(%dma_wait3A_441 : memref<512xi32, #tpu.memory_space<vmem>>)
    %dma_wait3A_444 = arith.constant 23 : i32
    %dma_wait3A_445 = arith.constant 11776 : i32
    %dma_wait3A_446 = tpu.memref_slice %arg5[%dma_wait3A_445] : memref<13312xi32, #tpu.memory_space<vmem>> -> memref<512xi32, #tpu.memory_space<vmem>>
    %dma_wait3A_447 = tpu.memref_slice %arg2[%dma_wait3A_444, %mul3A_2] : memref<26x16384xi32, #tpu.memory_space<hbm>> -> memref<1x512xi32, #tpu.memory_space<hbm>>
    %dma_wait3A_448 = tpu.memref_squeeze %dma_wait3A_447 : memref<1x512xi32, #tpu.memory_space<hbm>> -> memref<512xi32, #tpu.memory_space<hbm>>
    %dma_wait3A_449 = arith.constant 11776 : i32
    %dma_wait3A_450 = tpu.memref_slice %arg5[%dma_wait3A_449] : memref<13312xi32, #tpu.memory_space<vmem>> -> memref<512xi32, #tpu.memory_space<vmem>>
    %dma_wait3A_451 = tpu.memref_slice %arg2[%dma_wait3A_444, %mul3A_2] : memref<26x16384xi32, #tpu.memory_space<hbm>> -> memref<1x512xi32, #tpu.memory_space<hbm>>
    %dma_wait3A_452 = tpu.memref_squeeze %dma_wait3A_451 : memref<1x512xi32, #tpu.memory_space<hbm>> -> memref<512xi32, #tpu.memory_space<hbm>>
    tpu.wait_dma2 semaphore(%arg9 : memref<!tpu.dma_semaphore, #tpu.memory_space<semaphore_mem>>) src(%dma_wait3A_452 : memref<512xi32, #tpu.memory_space<hbm>>) dst(%dma_wait3A_450 : memref<512xi32, #tpu.memory_space<vmem>>)
    %dma_wait3A_453 = arith.constant 24 : i32
    %dma_wait3A_454 = arith.constant 12288 : i32
    %dma_wait3A_455 = tpu.memref_slice %arg5[%dma_wait3A_454] : memref<13312xi32, #tpu.memory_space<vmem>> -> memref<512xi32, #tpu.memory_space<vmem>>
    %dma_wait3A_456 = tpu.memref_slice %arg2[%dma_wait3A_453, %mul3A_2] : memref<26x16384xi32, #tpu.memory_space<hbm>> -> memref<1x512xi32, #tpu.memory_space<hbm>>
    %dma_wait3A_457 = tpu.memref_squeeze %dma_wait3A_456 : memref<1x512xi32, #tpu.memory_space<hbm>> -> memref<512xi32, #tpu.memory_space<hbm>>
    %dma_wait3A_458 = arith.constant 12288 : i32
    %dma_wait3A_459 = tpu.memref_slice %arg5[%dma_wait3A_458] : memref<13312xi32, #tpu.memory_space<vmem>> -> memref<512xi32, #tpu.memory_space<vmem>>
    %dma_wait3A_460 = tpu.memref_slice %arg2[%dma_wait3A_453, %mul3A_2] : memref<26x16384xi32, #tpu.memory_space<hbm>> -> memref<1x512xi32, #tpu.memory_space<hbm>>
    %dma_wait3A_461 = tpu.memref_squeeze %dma_wait3A_460 : memref<1x512xi32, #tpu.memory_space<hbm>> -> memref<512xi32, #tpu.memory_space<hbm>>
    tpu.wait_dma2 semaphore(%arg9 : memref<!tpu.dma_semaphore, #tpu.memory_space<semaphore_mem>>) src(%dma_wait3A_461 : memref<512xi32, #tpu.memory_space<hbm>>) dst(%dma_wait3A_459 : memref<512xi32, #tpu.memory_space<vmem>>)
    %dma_wait3A_462 = arith.constant 25 : i32
    %dma_wait3A_463 = arith.constant 12800 : i32
    %dma_wait3A_464 = tpu.memref_slice %arg5[%dma_wait3A_463] : memref<13312xi32, #tpu.memory_space<vmem>> -> memref<512xi32, #tpu.memory_space<vmem>>
    %dma_wait3A_465 = tpu.memref_slice %arg2[%dma_wait3A_462, %mul3A_2] : memref<26x16384xi32, #tpu.memory_space<hbm>> -> memref<1x512xi32, #tpu.memory_space<hbm>>
    %dma_wait3A_466 = tpu.memref_squeeze %dma_wait3A_465 : memref<1x512xi32, #tpu.memory_space<hbm>> -> memref<512xi32, #tpu.memory_space<hbm>>
    %dma_wait3A_467 = arith.constant 12800 : i32
    %dma_wait3A_468 = tpu.memref_slice %arg5[%dma_wait3A_467] : memref<13312xi32, #tpu.memory_space<vmem>> -> memref<512xi32, #tpu.memory_space<vmem>>
    %dma_wait3A_469 = tpu.memref_slice %arg2[%dma_wait3A_462, %mul3A_2] : memref<26x16384xi32, #tpu.memory_space<hbm>> -> memref<1x512xi32, #tpu.memory_space<hbm>>
    %dma_wait3A_470 = tpu.memref_squeeze %dma_wait3A_469 : memref<1x512xi32, #tpu.memory_space<hbm>> -> memref<512xi32, #tpu.memory_space<hbm>>
    tpu.wait_dma2 semaphore(%arg9 : memref<!tpu.dma_semaphore, #tpu.memory_space<semaphore_mem>>) src(%dma_wait3A_470 : memref<512xi32, #tpu.memory_space<hbm>>) dst(%dma_wait3A_468 : memref<512xi32, #tpu.memory_space<vmem>>)
    %parallel_loop3A_471 = arith.constant 0 : i32
    %parallel_loop3A_472 = arith.constant 32 : i32
    %parallel_loop3A_473 = arith.constant 1 : i32
    scf.for %parallel_loop3A_942 = %parallel_loop3A_471 to %parallel_loop3A_472 step %parallel_loop3A_473  : i32 {
      %parallel_loop3A_943 = arith.constant 16 : i32
      %parallel_loop3A_944 = arith.muli %parallel_loop3A_942, %parallel_loop3A_943 : i32
      %parallel_loop3A_945 = arith.constant 0 : i32
      %parallel_loop3A_946 = arith.addi %parallel_loop3A_945, %parallel_loop3A_944 : i32
      %parallel_loop3A_947 = arith.index_cast %parallel_loop3A_946 : i32 to index
      %parallel_loop3A_948 = tpu.vector_load %arg5[%parallel_loop3A_947] {strides = array<i32>} : memref<13312xi32, #tpu.memory_space<vmem>>, vector<16xi32>,
      %parallel_loop3A_949 = arith.constant 0 : i32
      %parallel_loop3A_950 = tpu.memref_slice %arg8[%parallel_loop3A_949] : memref<1472xf32, #tpu.memory_space<vmem>> -> memref<56xf32, #tpu.memory_space<vmem>>
      %parallel_loop3A_951 = tpu.vector_load_idx %parallel_loop3A_950[%parallel_loop3A_948] : memref<56xf32, #tpu.memory_space<vmem>>[vector<16xi32>], vector<16xf32>,
      %parallel_loop3A_952 = arith.index_cast %parallel_loop3A_946 : i32 to index
      %parallel_loop3A_953 = tpu.vector_load %arg6[%parallel_loop3A_952] {strides = array<i32>} : memref<13312xf32, #tpu.memory_space<vmem>>, vector<16xf32>,
      tpu.vector_store %arg6[%parallel_loop3A_952], %parallel_loop3A_951 {strides = array<i32>} : memref<13312xf32, #tpu.memory_space<vmem>>, vector<16xf32>,
      %parallel_loop3A_954 = arith.constant 16 : i32
      %parallel_loop3A_955 = arith.muli %parallel_loop3A_942, %parallel_loop3A_954 : i32
      %parallel_loop3A_956 = arith.constant 512 : i32
      %parallel_loop3A_957 = arith.addi %parallel_loop3A_956, %parallel_loop3A_955 : i32
      %parallel_loop3A_958 = arith.index_cast %parallel_loop3A_957 : i32 to index
      %parallel_loop3A_959 = tpu.vector_load %arg5[%parallel_loop3A_958] {strides = array<i32>} : memref<13312xi32, #tpu.memory_space<vmem>>, vector<16xi32>,
      %parallel_loop3A_960 = arith.constant 56 : i32
      %parallel_loop3A_961 = tpu.memref_slice %arg8[%parallel_loop3A_960] : memref<1472xf32, #tpu.memory_space<vmem>> -> memref<56xf32, #tpu.memory_space<vmem>>
      %parallel_loop3A_962 = tpu.vector_load_idx %parallel_loop3A_961[%parallel_loop3A_959] : memref<56xf32, #tpu.memory_space<vmem>>[vector<16xi32>], vector<16xf32>,
      %parallel_loop3A_963 = arith.index_cast %parallel_loop3A_957 : i32 to index
      %parallel_loop3A_964 = tpu.vector_load %arg6[%parallel_loop3A_963] {strides = array<i32>} : memref<13312xf32, #tpu.memory_space<vmem>>, vector<16xf32>,
      tpu.vector_store %arg6[%parallel_loop3A_963], %parallel_loop3A_962 {strides = array<i32>} : memref<13312xf32, #tpu.memory_space<vmem>>, vector<16xf32>,
      %parallel_loop3A_965 = arith.constant 16 : i32
      %parallel_loop3A_966 = arith.muli %parallel_loop3A_942, %parallel_loop3A_965 : i32
      %parallel_loop3A_967 = arith.constant 1024 : i32
      %parallel_loop3A_968 = arith.addi %parallel_loop3A_967, %parallel_loop3A_966 : i32
      %parallel_loop3A_969 = arith.index_cast %parallel_loop3A_968 : i32 to index
      %parallel_loop3A_970 = tpu.vector_load %arg5[%parallel_loop3A_969] {strides = array<i32>} : memref<13312xi32, #tpu.memory_space<vmem>>, vector<16xi32>,
      %parallel_loop3A_971 = arith.constant 112 : i32
      %parallel_loop3A_972 = tpu.memref_slice %arg8[%parallel_loop3A_971] : memref<1472xf32, #tpu.memory_space<vmem>> -> memref<56xf32, #tpu.memory_space<vmem>>
      %parallel_loop3A_973 = tpu.vector_load_idx %parallel_loop3A_972[%parallel_loop3A_970] : memref<56xf32, #tpu.memory_space<vmem>>[vector<16xi32>], vector<16xf32>,
      %parallel_loop3A_974 = arith.index_cast %parallel_loop3A_968 : i32 to index
      %parallel_loop3A_975 = tpu.vector_load %arg6[%parallel_loop3A_974] {strides = array<i32>} : memref<13312xf32, #tpu.memory_space<vmem>>, vector<16xf32>,
      tpu.vector_store %arg6[%parallel_loop3A_974], %parallel_loop3A_973 {strides = array<i32>} : memref<13312xf32, #tpu.memory_space<vmem>>, vector<16xf32>,
      %parallel_loop3A_976 = arith.constant 16 : i32
      %parallel_loop3A_977 = arith.muli %parallel_loop3A_942, %parallel_loop3A_976 : i32
      %parallel_loop3A_978 = arith.constant 1536 : i32
      %parallel_loop3A_979 = arith.addi %parallel_loop3A_978, %parallel_loop3A_977 : i32
      %parallel_loop3A_980 = arith.index_cast %parallel_loop3A_979 : i32 to index
      %parallel_loop3A_981 = tpu.vector_load %arg5[%parallel_loop3A_980] {strides = array<i32>} : memref<13312xi32, #tpu.memory_space<vmem>>, vector<16xi32>,
      %parallel_loop3A_982 = arith.constant 168 : i32
      %parallel_loop3A_983 = tpu.memref_slice %arg8[%parallel_loop3A_982] : memref<1472xf32, #tpu.memory_space<vmem>> -> memref<56xf32, #tpu.memory_space<vmem>>
      %parallel_loop3A_984 = tpu.vector_load_idx %parallel_loop3A_983[%parallel_loop3A_981] : memref<56xf32, #tpu.memory_space<vmem>>[vector<16xi32>], vector<16xf32>,
      %parallel_loop3A_985 = arith.index_cast %parallel_loop3A_979 : i32 to index
      %parallel_loop3A_986 = tpu.vector_load %arg6[%parallel_loop3A_985] {strides = array<i32>} : memref<13312xf32, #tpu.memory_space<vmem>>, vector<16xf32>,
      tpu.vector_store %arg6[%parallel_loop3A_985], %parallel_loop3A_984 {strides = array<i32>} : memref<13312xf32, #tpu.memory_space<vmem>>, vector<16xf32>,
      %parallel_loop3A_987 = arith.constant 16 : i32
      %parallel_loop3A_988 = arith.muli %parallel_loop3A_942, %parallel_loop3A_987 : i32
      %parallel_loop3A_989 = arith.constant 2048 : i32
      %parallel_loop3A_990 = arith.addi %parallel_loop3A_989, %parallel_loop3A_988 : i32
      %parallel_loop3A_991 = arith.index_cast %parallel_loop3A_990 : i32 to index
      %parallel_loop3A_992 = tpu.vector_load %arg5[%parallel_loop3A_991] {strides = array<i32>} : memref<13312xi32, #tpu.memory_space<vmem>>, vector<16xi32>,
      %parallel_loop3A_993 = arith.constant 224 : i32
      %parallel_loop3A_994 = tpu.memref_slice %arg8[%parallel_loop3A_993] : memref<1472xf32, #tpu.memory_space<vmem>> -> memref<56xf32, #tpu.memory_space<vmem>>
      %parallel_loop3A_995 = tpu.vector_load_idx %parallel_loop3A_994[%parallel_loop3A_992] : memref<56xf32, #tpu.memory_space<vmem>>[vector<16xi32>], vector<16xf32>,
      %parallel_loop3A_996 = arith.index_cast %parallel_loop3A_990 : i32 to index
      %parallel_loop3A_997 = tpu.vector_load %arg6[%parallel_loop3A_996] {strides = array<i32>} : memref<13312xf32, #tpu.memory_space<vmem>>, vector<16xf32>,
      tpu.vector_store %arg6[%parallel_loop3A_996], %parallel_loop3A_995 {strides = array<i32>} : memref<13312xf32, #tpu.memory_space<vmem>>, vector<16xf32>,
      %parallel_loop3A_998 = arith.constant 16 : i32
      %parallel_loop3A_999 = arith.muli %parallel_loop3A_942, %parallel_loop3A_998 : i32
      %parallel_loop3A_1000 = arith.constant 2560 : i32
      %parallel_loop3A_1001 = arith.addi %parallel_loop3A_1000, %parallel_loop3A_999 : i32
      %parallel_loop3A_1002 = arith.index_cast %parallel_loop3A_1001 : i32 to index
      %parallel_loop3A_1003 = tpu.vector_load %arg5[%parallel_loop3A_1002] {strides = array<i32>} : memref<13312xi32, #tpu.memory_space<vmem>>, vector<16xi32>,
      %parallel_loop3A_1004 = arith.constant 280 : i32
      %parallel_loop3A_1005 = tpu.memref_slice %arg8[%parallel_loop3A_1004] : memref<1472xf32, #tpu.memory_space<vmem>> -> memref<56xf32, #tpu.memory_space<vmem>>
      %parallel_loop3A_1006 = tpu.vector_load_idx %parallel_loop3A_1005[%parallel_loop3A_1003] : memref<56xf32, #tpu.memory_space<vmem>>[vector<16xi32>], vector<16xf32>,
      %parallel_loop3A_1007 = arith.index_cast %parallel_loop3A_1001 : i32 to index
      %parallel_loop3A_1008 = tpu.vector_load %arg6[%parallel_loop3A_1007] {strides = array<i32>} : memref<13312xf32, #tpu.memory_space<vmem>>, vector<16xf32>,
      tpu.vector_store %arg6[%parallel_loop3A_1007], %parallel_loop3A_1006 {strides = array<i32>} : memref<13312xf32, #tpu.memory_space<vmem>>, vector<16xf32>,
      %parallel_loop3A_1009 = arith.constant 16 : i32
      %parallel_loop3A_1010 = arith.muli %parallel_loop3A_942, %parallel_loop3A_1009 : i32
      %parallel_loop3A_1011 = arith.constant 3072 : i32
      %parallel_loop3A_1012 = arith.addi %parallel_loop3A_1011, %parallel_loop3A_1010 : i32
      %parallel_loop3A_1013 = arith.index_cast %parallel_loop3A_1012 : i32 to index
      %parallel_loop3A_1014 = tpu.vector_load %arg5[%parallel_loop3A_1013] {strides = array<i32>} : memref<13312xi32, #tpu.memory_space<vmem>>, vector<16xi32>,
      %parallel_loop3A_1015 = arith.constant 336 : i32
      %parallel_loop3A_1016 = tpu.memref_slice %arg8[%parallel_loop3A_1015] : memref<1472xf32, #tpu.memory_space<vmem>> -> memref<56xf32, #tpu.memory_space<vmem>>
      %parallel_loop3A_1017 = tpu.vector_load_idx %parallel_loop3A_1016[%parallel_loop3A_1014] : memref<56xf32, #tpu.memory_space<vmem>>[vector<16xi32>], vector<16xf32>,
      %parallel_loop3A_1018 = arith.index_cast %parallel_loop3A_1012 : i32 to index
      %parallel_loop3A_1019 = tpu.vector_load %arg6[%parallel_loop3A_1018] {strides = array<i32>} : memref<13312xf32, #tpu.memory_space<vmem>>, vector<16xf32>,
      tpu.vector_store %arg6[%parallel_loop3A_1018], %parallel_loop3A_1017 {strides = array<i32>} : memref<13312xf32, #tpu.memory_space<vmem>>, vector<16xf32>,
      %parallel_loop3A_1020 = arith.constant 16 : i32
      %parallel_loop3A_1021 = arith.muli %parallel_loop3A_942, %parallel_loop3A_1020 : i32
      %parallel_loop3A_1022 = arith.constant 3584 : i32
      %parallel_loop3A_1023 = arith.addi %parallel_loop3A_1022, %parallel_loop3A_1021 : i32
      %parallel_loop3A_1024 = arith.index_cast %parallel_loop3A_1023 : i32 to index
      %parallel_loop3A_1025 = tpu.vector_load %arg5[%parallel_loop3A_1024] {strides = array<i32>} : memref<13312xi32, #tpu.memory_space<vmem>>, vector<16xi32>,
      %parallel_loop3A_1026 = arith.constant 392 : i32
      %parallel_loop3A_1027 = tpu.memref_slice %arg8[%parallel_loop3A_1026] : memref<1472xf32, #tpu.memory_space<vmem>> -> memref<56xf32, #tpu.memory_space<vmem>>
      %parallel_loop3A_1028 = tpu.vector_load_idx %parallel_loop3A_1027[%parallel_loop3A_1025] : memref<56xf32, #tpu.memory_space<vmem>>[vector<16xi32>], vector<16xf32>,
      %parallel_loop3A_1029 = arith.index_cast %parallel_loop3A_1023 : i32 to index
      %parallel_loop3A_1030 = tpu.vector_load %arg6[%parallel_loop3A_1029] {strides = array<i32>} : memref<13312xf32, #tpu.memory_space<vmem>>, vector<16xf32>,
      tpu.vector_store %arg6[%parallel_loop3A_1029], %parallel_loop3A_1028 {strides = array<i32>} : memref<13312xf32, #tpu.memory_space<vmem>>, vector<16xf32>,
      %parallel_loop3A_1031 = arith.constant 16 : i32
      %parallel_loop3A_1032 = arith.muli %parallel_loop3A_942, %parallel_loop3A_1031 : i32
      %parallel_loop3A_1033 = arith.constant 4096 : i32
      %parallel_loop3A_1034 = arith.addi %parallel_loop3A_1033, %parallel_loop3A_1032 : i32
      %parallel_loop3A_1035 = arith.index_cast %parallel_loop3A_1034 : i32 to index
      %parallel_loop3A_1036 = tpu.vector_load %arg5[%parallel_loop3A_1035] {strides = array<i32>} : memref<13312xi32, #tpu.memory_space<vmem>>, vector<16xi32>,
      %parallel_loop3A_1037 = arith.constant 448 : i32
      %parallel_loop3A_1038 = tpu.memref_slice %arg8[%parallel_loop3A_1037] : memref<1472xf32, #tpu.memory_space<vmem>> -> memref<56xf32, #tpu.memory_space<vmem>>
      %parallel_loop3A_1039 = tpu.vector_load_idx %parallel_loop3A_1038[%parallel_loop3A_1036] : memref<56xf32, #tpu.memory_space<vmem>>[vector<16xi32>], vector<16xf32>,
      %parallel_loop3A_1040 = arith.index_cast %parallel_loop3A_1034 : i32 to index
      %parallel_loop3A_1041 = tpu.vector_load %arg6[%parallel_loop3A_1040] {strides = array<i32>} : memref<13312xf32, #tpu.memory_space<vmem>>, vector<16xf32>,
      tpu.vector_store %arg6[%parallel_loop3A_1040], %parallel_loop3A_1039 {strides = array<i32>} : memref<13312xf32, #tpu.memory_space<vmem>>, vector<16xf32>,
      %parallel_loop3A_1042 = arith.constant 16 : i32
      %parallel_loop3A_1043 = arith.muli %parallel_loop3A_942, %parallel_loop3A_1042 : i32
      %parallel_loop3A_1044 = arith.constant 4608 : i32
      %parallel_loop3A_1045 = arith.addi %parallel_loop3A_1044, %parallel_loop3A_1043 : i32
      %parallel_loop3A_1046 = arith.index_cast %parallel_loop3A_1045 : i32 to index
      %parallel_loop3A_1047 = tpu.vector_load %arg5[%parallel_loop3A_1046] {strides = array<i32>} : memref<13312xi32, #tpu.memory_space<vmem>>, vector<16xi32>,
      %parallel_loop3A_1048 = arith.constant 504 : i32
      %parallel_loop3A_1049 = tpu.memref_slice %arg8[%parallel_loop3A_1048] : memref<1472xf32, #tpu.memory_space<vmem>> -> memref<56xf32, #tpu.memory_space<vmem>>
      %parallel_loop3A_1050 = tpu.vector_load_idx %parallel_loop3A_1049[%parallel_loop3A_1047] : memref<56xf32, #tpu.memory_space<vmem>>[vector<16xi32>], vector<16xf32>,
      %parallel_loop3A_1051 = arith.index_cast %parallel_loop3A_1045 : i32 to index
      %parallel_loop3A_1052 = tpu.vector_load %arg6[%parallel_loop3A_1051] {strides = array<i32>} : memref<13312xf32, #tpu.memory_space<vmem>>, vector<16xf32>,
      tpu.vector_store %arg6[%parallel_loop3A_1051], %parallel_loop3A_1050 {strides = array<i32>} : memref<13312xf32, #tpu.memory_space<vmem>>, vector<16xf32>,
      %parallel_loop3A_1053 = arith.constant 16 : i32
      %parallel_loop3A_1054 = arith.muli %parallel_loop3A_942, %parallel_loop3A_1053 : i32
      %parallel_loop3A_1055 = arith.constant 5120 : i32
      %parallel_loop3A_1056 = arith.addi %parallel_loop3A_1055, %parallel_loop3A_1054 : i32
      %parallel_loop3A_1057 = arith.index_cast %parallel_loop3A_1056 : i32 to index
      %parallel_loop3A_1058 = tpu.vector_load %arg5[%parallel_loop3A_1057] {strides = array<i32>} : memref<13312xi32, #tpu.memory_space<vmem>>, vector<16xi32>,
      %parallel_loop3A_1059 = arith.constant 560 : i32
      %parallel_loop3A_1060 = tpu.memref_slice %arg8[%parallel_loop3A_1059] : memref<1472xf32, #tpu.memory_space<vmem>> -> memref<56xf32, #tpu.memory_space<vmem>>
      %parallel_loop3A_1061 = tpu.vector_load_idx %parallel_loop3A_1060[%parallel_loop3A_1058] : memref<56xf32, #tpu.memory_space<vmem>>[vector<16xi32>], vector<16xf32>,
      %parallel_loop3A_1062 = arith.index_cast %parallel_loop3A_1056 : i32 to index
      %parallel_loop3A_1063 = tpu.vector_load %arg6[%parallel_loop3A_1062] {strides = array<i32>} : memref<13312xf32, #tpu.memory_space<vmem>>, vector<16xf32>,
      tpu.vector_store %arg6[%parallel_loop3A_1062], %parallel_loop3A_1061 {strides = array<i32>} : memref<13312xf32, #tpu.memory_space<vmem>>, vector<16xf32>,
      %parallel_loop3A_1064 = arith.constant 16 : i32
      %parallel_loop3A_1065 = arith.muli %parallel_loop3A_942, %parallel_loop3A_1064 : i32
      %parallel_loop3A_1066 = arith.constant 5632 : i32
      %parallel_loop3A_1067 = arith.addi %parallel_loop3A_1066, %parallel_loop3A_1065 : i32
      %parallel_loop3A_1068 = arith.index_cast %parallel_loop3A_1067 : i32 to index
      %parallel_loop3A_1069 = tpu.vector_load %arg5[%parallel_loop3A_1068] {strides = array<i32>} : memref<13312xi32, #tpu.memory_space<vmem>>, vector<16xi32>,
      %parallel_loop3A_1070 = arith.constant 616 : i32
      %parallel_loop3A_1071 = tpu.memref_slice %arg8[%parallel_loop3A_1070] : memref<1472xf32, #tpu.memory_space<vmem>> -> memref<56xf32, #tpu.memory_space<vmem>>
      %parallel_loop3A_1072 = tpu.vector_load_idx %parallel_loop3A_1071[%parallel_loop3A_1069] : memref<56xf32, #tpu.memory_space<vmem>>[vector<16xi32>], vector<16xf32>,
      %parallel_loop3A_1073 = arith.index_cast %parallel_loop3A_1067 : i32 to index
      %parallel_loop3A_1074 = tpu.vector_load %arg6[%parallel_loop3A_1073] {strides = array<i32>} : memref<13312xf32, #tpu.memory_space<vmem>>, vector<16xf32>,
      tpu.vector_store %arg6[%parallel_loop3A_1073], %parallel_loop3A_1072 {strides = array<i32>} : memref<13312xf32, #tpu.memory_space<vmem>>, vector<16xf32>,
      %parallel_loop3A_1075 = arith.constant 16 : i32
      %parallel_loop3A_1076 = arith.muli %parallel_loop3A_942, %parallel_loop3A_1075 : i32
      %parallel_loop3A_1077 = arith.constant 6144 : i32
      %parallel_loop3A_1078 = arith.addi %parallel_loop3A_1077, %parallel_loop3A_1076 : i32
      %parallel_loop3A_1079 = arith.index_cast %parallel_loop3A_1078 : i32 to index
      %parallel_loop3A_1080 = tpu.vector_load %arg5[%parallel_loop3A_1079] {strides = array<i32>} : memref<13312xi32, #tpu.memory_space<vmem>>, vector<16xi32>,
      %parallel_loop3A_1081 = arith.constant 672 : i32
      %parallel_loop3A_1082 = tpu.memref_slice %arg8[%parallel_loop3A_1081] : memref<1472xf32, #tpu.memory_space<vmem>> -> memref<56xf32, #tpu.memory_space<vmem>>
      %parallel_loop3A_1083 = tpu.vector_load_idx %parallel_loop3A_1082[%parallel_loop3A_1080] : memref<56xf32, #tpu.memory_space<vmem>>[vector<16xi32>], vector<16xf32>,
      %parallel_loop3A_1084 = arith.index_cast %parallel_loop3A_1078 : i32 to index
      %parallel_loop3A_1085 = tpu.vector_load %arg6[%parallel_loop3A_1084] {strides = array<i32>} : memref<13312xf32, #tpu.memory_space<vmem>>, vector<16xf32>,
      tpu.vector_store %arg6[%parallel_loop3A_1084], %parallel_loop3A_1083 {strides = array<i32>} : memref<13312xf32, #tpu.memory_space<vmem>>, vector<16xf32>,
      %parallel_loop3A_1086 = arith.constant 16 : i32
      %parallel_loop3A_1087 = arith.muli %parallel_loop3A_942, %parallel_loop3A_1086 : i32
      %parallel_loop3A_1088 = arith.constant 6656 : i32
      %parallel_loop3A_1089 = arith.addi %parallel_loop3A_1088, %parallel_loop3A_1087 : i32
      %parallel_loop3A_1090 = arith.index_cast %parallel_loop3A_1089 : i32 to index
      %parallel_loop3A_1091 = tpu.vector_load %arg5[%parallel_loop3A_1090] {strides = array<i32>} : memref<13312xi32, #tpu.memory_space<vmem>>, vector<16xi32>,
      %parallel_loop3A_1092 = arith.constant 728 : i32
      %parallel_loop3A_1093 = tpu.memref_slice %arg8[%parallel_loop3A_1092] : memref<1472xf32, #tpu.memory_space<vmem>> -> memref<56xf32, #tpu.memory_space<vmem>>
      %parallel_loop3A_1094 = tpu.vector_load_idx %parallel_loop3A_1093[%parallel_loop3A_1091] : memref<56xf32, #tpu.memory_space<vmem>>[vector<16xi32>], vector<16xf32>,
      %parallel_loop3A_1095 = arith.index_cast %parallel_loop3A_1089 : i32 to index
      %parallel_loop3A_1096 = tpu.vector_load %arg6[%parallel_loop3A_1095] {strides = array<i32>} : memref<13312xf32, #tpu.memory_space<vmem>>, vector<16xf32>,
      tpu.vector_store %arg6[%parallel_loop3A_1095], %parallel_loop3A_1094 {strides = array<i32>} : memref<13312xf32, #tpu.memory_space<vmem>>, vector<16xf32>,
      %parallel_loop3A_1097 = arith.constant 16 : i32
      %parallel_loop3A_1098 = arith.muli %parallel_loop3A_942, %parallel_loop3A_1097 : i32
      %parallel_loop3A_1099 = arith.constant 7168 : i32
      %parallel_loop3A_1100 = arith.addi %parallel_loop3A_1099, %parallel_loop3A_1098 : i32
      %parallel_loop3A_1101 = arith.index_cast %parallel_loop3A_1100 : i32 to index
      %parallel_loop3A_1102 = tpu.vector_load %arg5[%parallel_loop3A_1101] {strides = array<i32>} : memref<13312xi32, #tpu.memory_space<vmem>>, vector<16xi32>,
      %parallel_loop3A_1103 = arith.constant 784 : i32
      %parallel_loop3A_1104 = tpu.memref_slice %arg8[%parallel_loop3A_1103] : memref<1472xf32, #tpu.memory_space<vmem>> -> memref<56xf32, #tpu.memory_space<vmem>>
      %parallel_loop3A_1105 = tpu.vector_load_idx %parallel_loop3A_1104[%parallel_loop3A_1102] : memref<56xf32, #tpu.memory_space<vmem>>[vector<16xi32>], vector<16xf32>,
      %parallel_loop3A_1106 = arith.index_cast %parallel_loop3A_1100 : i32 to index
      %parallel_loop3A_1107 = tpu.vector_load %arg6[%parallel_loop3A_1106] {strides = array<i32>} : memref<13312xf32, #tpu.memory_space<vmem>>, vector<16xf32>,
      tpu.vector_store %arg6[%parallel_loop3A_1106], %parallel_loop3A_1105 {strides = array<i32>} : memref<13312xf32, #tpu.memory_space<vmem>>, vector<16xf32>,
      %parallel_loop3A_1108 = arith.constant 16 : i32
      %parallel_loop3A_1109 = arith.muli %parallel_loop3A_942, %parallel_loop3A_1108 : i32
      %parallel_loop3A_1110 = arith.constant 7680 : i32
      %parallel_loop3A_1111 = arith.addi %parallel_loop3A_1110, %parallel_loop3A_1109 : i32
      %parallel_loop3A_1112 = arith.index_cast %parallel_loop3A_1111 : i32 to index
      %parallel_loop3A_1113 = tpu.vector_load %arg5[%parallel_loop3A_1112] {strides = array<i32>} : memref<13312xi32, #tpu.memory_space<vmem>>, vector<16xi32>,
      %parallel_loop3A_1114 = arith.constant 840 : i32
      %parallel_loop3A_1115 = tpu.memref_slice %arg8[%parallel_loop3A_1114] : memref<1472xf32, #tpu.memory_space<vmem>> -> memref<56xf32, #tpu.memory_space<vmem>>
      %parallel_loop3A_1116 = tpu.vector_load_idx %parallel_loop3A_1115[%parallel_loop3A_1113] : memref<56xf32, #tpu.memory_space<vmem>>[vector<16xi32>], vector<16xf32>,
      %parallel_loop3A_1117 = arith.index_cast %parallel_loop3A_1111 : i32 to index
      %parallel_loop3A_1118 = tpu.vector_load %arg6[%parallel_loop3A_1117] {strides = array<i32>} : memref<13312xf32, #tpu.memory_space<vmem>>, vector<16xf32>,
      tpu.vector_store %arg6[%parallel_loop3A_1117], %parallel_loop3A_1116 {strides = array<i32>} : memref<13312xf32, #tpu.memory_space<vmem>>, vector<16xf32>,
      %parallel_loop3A_1119 = arith.constant 16 : i32
      %parallel_loop3A_1120 = arith.muli %parallel_loop3A_942, %parallel_loop3A_1119 : i32
      %parallel_loop3A_1121 = arith.constant 8192 : i32
      %parallel_loop3A_1122 = arith.addi %parallel_loop3A_1121, %parallel_loop3A_1120 : i32
      %parallel_loop3A_1123 = arith.index_cast %parallel_loop3A_1122 : i32 to index
      %parallel_loop3A_1124 = tpu.vector_load %arg5[%parallel_loop3A_1123] {strides = array<i32>} : memref<13312xi32, #tpu.memory_space<vmem>>, vector<16xi32>,
      %parallel_loop3A_1125 = arith.constant 896 : i32
      %parallel_loop3A_1126 = tpu.memref_slice %arg8[%parallel_loop3A_1125] : memref<1472xf32, #tpu.memory_space<vmem>> -> memref<56xf32, #tpu.memory_space<vmem>>
      %parallel_loop3A_1127 = tpu.vector_load_idx %parallel_loop3A_1126[%parallel_loop3A_1124] : memref<56xf32, #tpu.memory_space<vmem>>[vector<16xi32>], vector<16xf32>,
      %parallel_loop3A_1128 = arith.index_cast %parallel_loop3A_1122 : i32 to index
      %parallel_loop3A_1129 = tpu.vector_load %arg6[%parallel_loop3A_1128] {strides = array<i32>} : memref<13312xf32, #tpu.memory_space<vmem>>, vector<16xf32>,
      tpu.vector_store %arg6[%parallel_loop3A_1128], %parallel_loop3A_1127 {strides = array<i32>} : memref<13312xf32, #tpu.memory_space<vmem>>, vector<16xf32>,
      %parallel_loop3A_1130 = arith.constant 16 : i32
      %parallel_loop3A_1131 = arith.muli %parallel_loop3A_942, %parallel_loop3A_1130 : i32
      %parallel_loop3A_1132 = arith.constant 8704 : i32
      %parallel_loop3A_1133 = arith.addi %parallel_loop3A_1132, %parallel_loop3A_1131 : i32
      %parallel_loop3A_1134 = arith.index_cast %parallel_loop3A_1133 : i32 to index
      %parallel_loop3A_1135 = tpu.vector_load %arg5[%parallel_loop3A_1134] {strides = array<i32>} : memref<13312xi32, #tpu.memory_space<vmem>>, vector<16xi32>,
      %parallel_loop3A_1136 = arith.constant 952 : i32
      %parallel_loop3A_1137 = tpu.memref_slice %arg8[%parallel_loop3A_1136] : memref<1472xf32, #tpu.memory_space<vmem>> -> memref<56xf32, #tpu.memory_space<vmem>>
      %parallel_loop3A_1138 = tpu.vector_load_idx %parallel_loop3A_1137[%parallel_loop3A_1135] : memref<56xf32, #tpu.memory_space<vmem>>[vector<16xi32>], vector<16xf32>,
      %parallel_loop3A_1139 = arith.index_cast %parallel_loop3A_1133 : i32 to index
      %parallel_loop3A_1140 = tpu.vector_load %arg6[%parallel_loop3A_1139] {strides = array<i32>} : memref<13312xf32, #tpu.memory_space<vmem>>, vector<16xf32>,
      tpu.vector_store %arg6[%parallel_loop3A_1139], %parallel_loop3A_1138 {strides = array<i32>} : memref<13312xf32, #tpu.memory_space<vmem>>, vector<16xf32>,
      %parallel_loop3A_1141 = arith.constant 16 : i32
      %parallel_loop3A_1142 = arith.muli %parallel_loop3A_942, %parallel_loop3A_1141 : i32
      %parallel_loop3A_1143 = arith.constant 9216 : i32
      %parallel_loop3A_1144 = arith.addi %parallel_loop3A_1143, %parallel_loop3A_1142 : i32
      %parallel_loop3A_1145 = arith.index_cast %parallel_loop3A_1144 : i32 to index
      %parallel_loop3A_1146 = tpu.vector_load %arg5[%parallel_loop3A_1145] {strides = array<i32>} : memref<13312xi32, #tpu.memory_space<vmem>>, vector<16xi32>,
      %parallel_loop3A_1147 = arith.constant 1008 : i32
      %parallel_loop3A_1148 = tpu.memref_slice %arg8[%parallel_loop3A_1147] : memref<1472xf32, #tpu.memory_space<vmem>> -> memref<56xf32, #tpu.memory_space<vmem>>
      %parallel_loop3A_1149 = tpu.vector_load_idx %parallel_loop3A_1148[%parallel_loop3A_1146] : memref<56xf32, #tpu.memory_space<vmem>>[vector<16xi32>], vector<16xf32>,
      %parallel_loop3A_1150 = arith.index_cast %parallel_loop3A_1144 : i32 to index
      %parallel_loop3A_1151 = tpu.vector_load %arg6[%parallel_loop3A_1150] {strides = array<i32>} : memref<13312xf32, #tpu.memory_space<vmem>>, vector<16xf32>,
      tpu.vector_store %arg6[%parallel_loop3A_1150], %parallel_loop3A_1149 {strides = array<i32>} : memref<13312xf32, #tpu.memory_space<vmem>>, vector<16xf32>,
      %parallel_loop3A_1152 = arith.constant 16 : i32
      %parallel_loop3A_1153 = arith.muli %parallel_loop3A_942, %parallel_loop3A_1152 : i32
      %parallel_loop3A_1154 = arith.constant 9728 : i32
      %parallel_loop3A_1155 = arith.addi %parallel_loop3A_1154, %parallel_loop3A_1153 : i32
      %parallel_loop3A_1156 = arith.index_cast %parallel_loop3A_1155 : i32 to index
      %parallel_loop3A_1157 = tpu.vector_load %arg5[%parallel_loop3A_1156] {strides = array<i32>} : memref<13312xi32, #tpu.memory_space<vmem>>, vector<16xi32>,
      %parallel_loop3A_1158 = arith.constant 1064 : i32
      %parallel_loop3A_1159 = tpu.memref_slice %arg8[%parallel_loop3A_1158] : memref<1472xf32, #tpu.memory_space<vmem>> -> memref<56xf32, #tpu.memory_space<vmem>>
      %parallel_loop3A_1160 = tpu.vector_load_idx %parallel_loop3A_1159[%parallel_loop3A_1157] : memref<56xf32, #tpu.memory_space<vmem>>[vector<16xi32>], vector<16xf32>,
      %parallel_loop3A_1161 = arith.index_cast %parallel_loop3A_1155 : i32 to index
      %parallel_loop3A_1162 = tpu.vector_load %arg6[%parallel_loop3A_1161] {strides = array<i32>} : memref<13312xf32, #tpu.memory_space<vmem>>, vector<16xf32>,
      tpu.vector_store %arg6[%parallel_loop3A_1161], %parallel_loop3A_1160 {strides = array<i32>} : memref<13312xf32, #tpu.memory_space<vmem>>, vector<16xf32>,
      %parallel_loop3A_1163 = arith.constant 16 : i32
      %parallel_loop3A_1164 = arith.muli %parallel_loop3A_942, %parallel_loop3A_1163 : i32
      %parallel_loop3A_1165 = arith.constant 10240 : i32
      %parallel_loop3A_1166 = arith.addi %parallel_loop3A_1165, %parallel_loop3A_1164 : i32
      %parallel_loop3A_1167 = arith.index_cast %parallel_loop3A_1166 : i32 to index
      %parallel_loop3A_1168 = tpu.vector_load %arg5[%parallel_loop3A_1167] {strides = array<i32>} : memref<13312xi32, #tpu.memory_space<vmem>>, vector<16xi32>,
      %parallel_loop3A_1169 = arith.constant 1120 : i32
      %parallel_loop3A_1170 = tpu.memref_slice %arg8[%parallel_loop3A_1169] : memref<1472xf32, #tpu.memory_space<vmem>> -> memref<56xf32, #tpu.memory_space<vmem>>
      %parallel_loop3A_1171 = tpu.vector_load_idx %parallel_loop3A_1170[%parallel_loop3A_1168] : memref<56xf32, #tpu.memory_space<vmem>>[vector<16xi32>], vector<16xf32>,
      %parallel_loop3A_1172 = arith.index_cast %parallel_loop3A_1166 : i32 to index
      %parallel_loop3A_1173 = tpu.vector_load %arg6[%parallel_loop3A_1172] {strides = array<i32>} : memref<13312xf32, #tpu.memory_space<vmem>>, vector<16xf32>,
      tpu.vector_store %arg6[%parallel_loop3A_1172], %parallel_loop3A_1171 {strides = array<i32>} : memref<13312xf32, #tpu.memory_space<vmem>>, vector<16xf32>,
      %parallel_loop3A_1174 = arith.constant 16 : i32
      %parallel_loop3A_1175 = arith.muli %parallel_loop3A_942, %parallel_loop3A_1174 : i32
      %parallel_loop3A_1176 = arith.constant 10752 : i32
      %parallel_loop3A_1177 = arith.addi %parallel_loop3A_1176, %parallel_loop3A_1175 : i32
      %parallel_loop3A_1178 = arith.index_cast %parallel_loop3A_1177 : i32 to index
      %parallel_loop3A_1179 = tpu.vector_load %arg5[%parallel_loop3A_1178] {strides = array<i32>} : memref<13312xi32, #tpu.memory_space<vmem>>, vector<16xi32>,
      %parallel_loop3A_1180 = arith.constant 1176 : i32
      %parallel_loop3A_1181 = tpu.memref_slice %arg8[%parallel_loop3A_1180] : memref<1472xf32, #tpu.memory_space<vmem>> -> memref<56xf32, #tpu.memory_space<vmem>>
      %parallel_loop3A_1182 = tpu.vector_load_idx %parallel_loop3A_1181[%parallel_loop3A_1179] : memref<56xf32, #tpu.memory_space<vmem>>[vector<16xi32>], vector<16xf32>,
      %parallel_loop3A_1183 = arith.index_cast %parallel_loop3A_1177 : i32 to index
      %parallel_loop3A_1184 = tpu.vector_load %arg6[%parallel_loop3A_1183] {strides = array<i32>} : memref<13312xf32, #tpu.memory_space<vmem>>, vector<16xf32>,
      tpu.vector_store %arg6[%parallel_loop3A_1183], %parallel_loop3A_1182 {strides = array<i32>} : memref<13312xf32, #tpu.memory_space<vmem>>, vector<16xf32>,
      %parallel_loop3A_1185 = arith.constant 16 : i32
      %parallel_loop3A_1186 = arith.muli %parallel_loop3A_942, %parallel_loop3A_1185 : i32
      %parallel_loop3A_1187 = arith.constant 11264 : i32
      %parallel_loop3A_1188 = arith.addi %parallel_loop3A_1187, %parallel_loop3A_1186 : i32
      %parallel_loop3A_1189 = arith.index_cast %parallel_loop3A_1188 : i32 to index
      %parallel_loop3A_1190 = tpu.vector_load %arg5[%parallel_loop3A_1189] {strides = array<i32>} : memref<13312xi32, #tpu.memory_space<vmem>>, vector<16xi32>,
      %parallel_loop3A_1191 = arith.constant 1232 : i32
      %parallel_loop3A_1192 = tpu.memref_slice %arg8[%parallel_loop3A_1191] : memref<1472xf32, #tpu.memory_space<vmem>> -> memref<56xf32, #tpu.memory_space<vmem>>
      %parallel_loop3A_1193 = tpu.vector_load_idx %parallel_loop3A_1192[%parallel_loop3A_1190] : memref<56xf32, #tpu.memory_space<vmem>>[vector<16xi32>], vector<16xf32>,
      %parallel_loop3A_1194 = arith.index_cast %parallel_loop3A_1188 : i32 to index
      %parallel_loop3A_1195 = tpu.vector_load %arg6[%parallel_loop3A_1194] {strides = array<i32>} : memref<13312xf32, #tpu.memory_space<vmem>>, vector<16xf32>,
      tpu.vector_store %arg6[%parallel_loop3A_1194], %parallel_loop3A_1193 {strides = array<i32>} : memref<13312xf32, #tpu.memory_space<vmem>>, vector<16xf32>,
      %parallel_loop3A_1196 = arith.constant 16 : i32
      %parallel_loop3A_1197 = arith.muli %parallel_loop3A_942, %parallel_loop3A_1196 : i32
      %parallel_loop3A_1198 = arith.constant 11776 : i32
      %parallel_loop3A_1199 = arith.addi %parallel_loop3A_1198, %parallel_loop3A_1197 : i32
      %parallel_loop3A_1200 = arith.index_cast %parallel_loop3A_1199 : i32 to index
      %parallel_loop3A_1201 = tpu.vector_load %arg5[%parallel_loop3A_1200] {strides = array<i32>} : memref<13312xi32, #tpu.memory_space<vmem>>, vector<16xi32>,
      %parallel_loop3A_1202 = arith.constant 1288 : i32
      %parallel_loop3A_1203 = tpu.memref_slice %arg8[%parallel_loop3A_1202] : memref<1472xf32, #tpu.memory_space<vmem>> -> memref<56xf32, #tpu.memory_space<vmem>>
      %parallel_loop3A_1204 = tpu.vector_load_idx %parallel_loop3A_1203[%parallel_loop3A_1201] : memref<56xf32, #tpu.memory_space<vmem>>[vector<16xi32>], vector<16xf32>,
      %parallel_loop3A_1205 = arith.index_cast %parallel_loop3A_1199 : i32 to index
      %parallel_loop3A_1206 = tpu.vector_load %arg6[%parallel_loop3A_1205] {strides = array<i32>} : memref<13312xf32, #tpu.memory_space<vmem>>, vector<16xf32>,
      tpu.vector_store %arg6[%parallel_loop3A_1205], %parallel_loop3A_1204 {strides = array<i32>} : memref<13312xf32, #tpu.memory_space<vmem>>, vector<16xf32>,
      %parallel_loop3A_1207 = arith.constant 16 : i32
      %parallel_loop3A_1208 = arith.muli %parallel_loop3A_942, %parallel_loop3A_1207 : i32
      %parallel_loop3A_1209 = arith.constant 12288 : i32
      %parallel_loop3A_1210 = arith.addi %parallel_loop3A_1209, %parallel_loop3A_1208 : i32
      %parallel_loop3A_1211 = arith.index_cast %parallel_loop3A_1210 : i32 to index
      %parallel_loop3A_1212 = tpu.vector_load %arg5[%parallel_loop3A_1211] {strides = array<i32>} : memref<13312xi32, #tpu.memory_space<vmem>>, vector<16xi32>,
      %parallel_loop3A_1213 = arith.constant 1344 : i32
      %parallel_loop3A_1214 = tpu.memref_slice %arg8[%parallel_loop3A_1213] : memref<1472xf32, #tpu.memory_space<vmem>> -> memref<56xf32, #tpu.memory_space<vmem>>
      %parallel_loop3A_1215 = tpu.vector_load_idx %parallel_loop3A_1214[%parallel_loop3A_1212] : memref<56xf32, #tpu.memory_space<vmem>>[vector<16xi32>], vector<16xf32>,
      %parallel_loop3A_1216 = arith.index_cast %parallel_loop3A_1210 : i32 to index
      %parallel_loop3A_1217 = tpu.vector_load %arg6[%parallel_loop3A_1216] {strides = array<i32>} : memref<13312xf32, #tpu.memory_space<vmem>>, vector<16xf32>,
      tpu.vector_store %arg6[%parallel_loop3A_1216], %parallel_loop3A_1215 {strides = array<i32>} : memref<13312xf32, #tpu.memory_space<vmem>>, vector<16xf32>,
      %parallel_loop3A_1218 = arith.constant 16 : i32
      %parallel_loop3A_1219 = arith.muli %parallel_loop3A_942, %parallel_loop3A_1218 : i32
      %parallel_loop3A_1220 = arith.constant 12800 : i32
      %parallel_loop3A_1221 = arith.addi %parallel_loop3A_1220, %parallel_loop3A_1219 : i32
      %parallel_loop3A_1222 = arith.index_cast %parallel_loop3A_1221 : i32 to index
      %parallel_loop3A_1223 = tpu.vector_load %arg5[%parallel_loop3A_1222] {strides = array<i32>} : memref<13312xi32, #tpu.memory_space<vmem>>, vector<16xi32>,
      %parallel_loop3A_1224 = arith.constant 1400 : i32
      %parallel_loop3A_1225 = tpu.memref_slice %arg8[%parallel_loop3A_1224] : memref<1472xf32, #tpu.memory_space<vmem>> -> memref<56xf32, #tpu.memory_space<vmem>>
      %parallel_loop3A_1226 = tpu.vector_load_idx %parallel_loop3A_1225[%parallel_loop3A_1223] : memref<56xf32, #tpu.memory_space<vmem>>[vector<16xi32>], vector<16xf32>,
      %parallel_loop3A_1227 = arith.index_cast %parallel_loop3A_1221 : i32 to index
      %parallel_loop3A_1228 = tpu.vector_load %arg6[%parallel_loop3A_1227] {strides = array<i32>} : memref<13312xf32, #tpu.memory_space<vmem>>, vector<16xf32>,
      tpu.vector_store %arg6[%parallel_loop3A_1227], %parallel_loop3A_1226 {strides = array<i32>} : memref<13312xf32, #tpu.memory_space<vmem>>, vector<16xf32>,
    } {sc.loop_unroll_factor = 2 : i64, sc.parallel_access}
    %dma_start3A_474 = arith.constant 0 : i32
    %dma_start3A_475 = arith.constant 0 : i32
    %dma_start3A_476 = tpu.memref_slice %arg6[%dma_start3A_475] : memref<13312xf32, #tpu.memory_space<vmem>> -> memref<512xf32, #tpu.memory_space<vmem>>
    %dma_start3A_477 = tpu.memref_slice %arg4[%dma_start3A_474, %mul3A_2] : memref<26x16384xf32, #tpu.memory_space<hbm>> -> memref<1x512xf32, #tpu.memory_space<hbm>>
    %dma_start3A_478 = tpu.memref_squeeze %dma_start3A_477 : memref<1x512xf32, #tpu.memory_space<hbm>> -> memref<512xf32, #tpu.memory_space<hbm>>
    %dma_start3A_479 = tpu.memref_slice %arg4[%dma_start3A_474, %mul3A_2] : memref<26x16384xf32, #tpu.memory_space<hbm>> -> memref<1x512xf32, #tpu.memory_space<hbm>>
    %dma_start3A_480 = tpu.memref_squeeze %dma_start3A_479 : memref<1x512xf32, #tpu.memory_space<hbm>> -> memref<512xf32, #tpu.memory_space<hbm>>
    %dma_start3A_481 = arith.constant 0 : i32
    %dma_start3A_482 = tpu.memref_slice %arg6[%dma_start3A_481] : memref<13312xf32, #tpu.memory_space<vmem>> -> memref<512xf32, #tpu.memory_space<vmem>>
    tpu.enqueue_dma source(%dma_start3A_482 : memref<512xf32, #tpu.memory_space<vmem>>) target(%dma_start3A_480 : memref<512xf32, #tpu.memory_space<hbm>>) target_semaphore(%arg10 : memref<!tpu.dma_semaphore, #tpu.memory_space<semaphore_mem>>)
    %dma_start3A_483 = arith.constant 1 : i32
    %dma_start3A_484 = arith.constant 512 : i32
    %dma_start3A_485 = tpu.memref_slice %arg6[%dma_start3A_484] : memref<13312xf32, #tpu.memory_space<vmem>> -> memref<512xf32, #tpu.memory_space<vmem>>
    %dma_start3A_486 = tpu.memref_slice %arg4[%dma_start3A_483, %mul3A_2] : memref<26x16384xf32, #tpu.memory_space<hbm>> -> memref<1x512xf32, #tpu.memory_space<hbm>>
    %dma_start3A_487 = tpu.memref_squeeze %dma_start3A_486 : memref<1x512xf32, #tpu.memory_space<hbm>> -> memref<512xf32, #tpu.memory_space<hbm>>
    %dma_start3A_488 = tpu.memref_slice %arg4[%dma_start3A_483, %mul3A_2] : memref<26x16384xf32, #tpu.memory_space<hbm>> -> memref<1x512xf32, #tpu.memory_space<hbm>>
    %dma_start3A_489 = tpu.memref_squeeze %dma_start3A_488 : memref<1x512xf32, #tpu.memory_space<hbm>> -> memref<512xf32, #tpu.memory_space<hbm>>
    %dma_start3A_490 = arith.constant 512 : i32
    %dma_start3A_491 = tpu.memref_slice %arg6[%dma_start3A_490] : memref<13312xf32, #tpu.memory_space<vmem>> -> memref<512xf32, #tpu.memory_space<vmem>>
    tpu.enqueue_dma source(%dma_start3A_491 : memref<512xf32, #tpu.memory_space<vmem>>) target(%dma_start3A_489 : memref<512xf32, #tpu.memory_space<hbm>>) target_semaphore(%arg10 : memref<!tpu.dma_semaphore, #tpu.memory_space<semaphore_mem>>)
    %dma_start3A_492 = arith.constant 2 : i32
    %dma_start3A_493 = arith.constant 1024 : i32
    %dma_start3A_494 = tpu.memref_slice %arg6[%dma_start3A_493] : memref<13312xf32, #tpu.memory_space<vmem>> -> memref<512xf32, #tpu.memory_space<vmem>>
    %dma_start3A_495 = tpu.memref_slice %arg4[%dma_start3A_492, %mul3A_2] : memref<26x16384xf32, #tpu.memory_space<hbm>> -> memref<1x512xf32, #tpu.memory_space<hbm>>
    %dma_start3A_496 = tpu.memref_squeeze %dma_start3A_495 : memref<1x512xf32, #tpu.memory_space<hbm>> -> memref<512xf32, #tpu.memory_space<hbm>>
    %dma_start3A_497 = tpu.memref_slice %arg4[%dma_start3A_492, %mul3A_2] : memref<26x16384xf32, #tpu.memory_space<hbm>> -> memref<1x512xf32, #tpu.memory_space<hbm>>
    %dma_start3A_498 = tpu.memref_squeeze %dma_start3A_497 : memref<1x512xf32, #tpu.memory_space<hbm>> -> memref<512xf32, #tpu.memory_space<hbm>>
    %dma_start3A_499 = arith.constant 1024 : i32
    %dma_start3A_500 = tpu.memref_slice %arg6[%dma_start3A_499] : memref<13312xf32, #tpu.memory_space<vmem>> -> memref<512xf32, #tpu.memory_space<vmem>>
    tpu.enqueue_dma source(%dma_start3A_500 : memref<512xf32, #tpu.memory_space<vmem>>) target(%dma_start3A_498 : memref<512xf32, #tpu.memory_space<hbm>>) target_semaphore(%arg10 : memref<!tpu.dma_semaphore, #tpu.memory_space<semaphore_mem>>)
    %dma_start3A_501 = arith.constant 3 : i32
    %dma_start3A_502 = arith.constant 1536 : i32
    %dma_start3A_503 = tpu.memref_slice %arg6[%dma_start3A_502] : memref<13312xf32, #tpu.memory_space<vmem>> -> memref<512xf32, #tpu.memory_space<vmem>>
    %dma_start3A_504 = tpu.memref_slice %arg4[%dma_start3A_501, %mul3A_2] : memref<26x16384xf32, #tpu.memory_space<hbm>> -> memref<1x512xf32, #tpu.memory_space<hbm>>
    %dma_start3A_505 = tpu.memref_squeeze %dma_start3A_504 : memref<1x512xf32, #tpu.memory_space<hbm>> -> memref<512xf32, #tpu.memory_space<hbm>>
    %dma_start3A_506 = tpu.memref_slice %arg4[%dma_start3A_501, %mul3A_2] : memref<26x16384xf32, #tpu.memory_space<hbm>> -> memref<1x512xf32, #tpu.memory_space<hbm>>
    %dma_start3A_507 = tpu.memref_squeeze %dma_start3A_506 : memref<1x512xf32, #tpu.memory_space<hbm>> -> memref<512xf32, #tpu.memory_space<hbm>>
    %dma_start3A_508 = arith.constant 1536 : i32
    %dma_start3A_509 = tpu.memref_slice %arg6[%dma_start3A_508] : memref<13312xf32, #tpu.memory_space<vmem>> -> memref<512xf32, #tpu.memory_space<vmem>>
    tpu.enqueue_dma source(%dma_start3A_509 : memref<512xf32, #tpu.memory_space<vmem>>) target(%dma_start3A_507 : memref<512xf32, #tpu.memory_space<hbm>>) target_semaphore(%arg10 : memref<!tpu.dma_semaphore, #tpu.memory_space<semaphore_mem>>)
    %dma_start3A_510 = arith.constant 4 : i32
    %dma_start3A_511 = arith.constant 2048 : i32
    %dma_start3A_512 = tpu.memref_slice %arg6[%dma_start3A_511] : memref<13312xf32, #tpu.memory_space<vmem>> -> memref<512xf32, #tpu.memory_space<vmem>>
    %dma_start3A_513 = tpu.memref_slice %arg4[%dma_start3A_510, %mul3A_2] : memref<26x16384xf32, #tpu.memory_space<hbm>> -> memref<1x512xf32, #tpu.memory_space<hbm>>
    %dma_start3A_514 = tpu.memref_squeeze %dma_start3A_513 : memref<1x512xf32, #tpu.memory_space<hbm>> -> memref<512xf32, #tpu.memory_space<hbm>>
    %dma_start3A_515 = tpu.memref_slice %arg4[%dma_start3A_510, %mul3A_2] : memref<26x16384xf32, #tpu.memory_space<hbm>> -> memref<1x512xf32, #tpu.memory_space<hbm>>
    %dma_start3A_516 = tpu.memref_squeeze %dma_start3A_515 : memref<1x512xf32, #tpu.memory_space<hbm>> -> memref<512xf32, #tpu.memory_space<hbm>>
    %dma_start3A_517 = arith.constant 2048 : i32
    %dma_start3A_518 = tpu.memref_slice %arg6[%dma_start3A_517] : memref<13312xf32, #tpu.memory_space<vmem>> -> memref<512xf32, #tpu.memory_space<vmem>>
    tpu.enqueue_dma source(%dma_start3A_518 : memref<512xf32, #tpu.memory_space<vmem>>) target(%dma_start3A_516 : memref<512xf32, #tpu.memory_space<hbm>>) target_semaphore(%arg10 : memref<!tpu.dma_semaphore, #tpu.memory_space<semaphore_mem>>)
    %dma_start3A_519 = arith.constant 5 : i32
    %dma_start3A_520 = arith.constant 2560 : i32
    %dma_start3A_521 = tpu.memref_slice %arg6[%dma_start3A_520] : memref<13312xf32, #tpu.memory_space<vmem>> -> memref<512xf32, #tpu.memory_space<vmem>>
    %dma_start3A_522 = tpu.memref_slice %arg4[%dma_start3A_519, %mul3A_2] : memref<26x16384xf32, #tpu.memory_space<hbm>> -> memref<1x512xf32, #tpu.memory_space<hbm>>
    %dma_start3A_523 = tpu.memref_squeeze %dma_start3A_522 : memref<1x512xf32, #tpu.memory_space<hbm>> -> memref<512xf32, #tpu.memory_space<hbm>>
    %dma_start3A_524 = tpu.memref_slice %arg4[%dma_start3A_519, %mul3A_2] : memref<26x16384xf32, #tpu.memory_space<hbm>> -> memref<1x512xf32, #tpu.memory_space<hbm>>
    %dma_start3A_525 = tpu.memref_squeeze %dma_start3A_524 : memref<1x512xf32, #tpu.memory_space<hbm>> -> memref<512xf32, #tpu.memory_space<hbm>>
    %dma_start3A_526 = arith.constant 2560 : i32
    %dma_start3A_527 = tpu.memref_slice %arg6[%dma_start3A_526] : memref<13312xf32, #tpu.memory_space<vmem>> -> memref<512xf32, #tpu.memory_space<vmem>>
    tpu.enqueue_dma source(%dma_start3A_527 : memref<512xf32, #tpu.memory_space<vmem>>) target(%dma_start3A_525 : memref<512xf32, #tpu.memory_space<hbm>>) target_semaphore(%arg10 : memref<!tpu.dma_semaphore, #tpu.memory_space<semaphore_mem>>)
    %dma_start3A_528 = arith.constant 6 : i32
    %dma_start3A_529 = arith.constant 3072 : i32
    %dma_start3A_530 = tpu.memref_slice %arg6[%dma_start3A_529] : memref<13312xf32, #tpu.memory_space<vmem>> -> memref<512xf32, #tpu.memory_space<vmem>>
    %dma_start3A_531 = tpu.memref_slice %arg4[%dma_start3A_528, %mul3A_2] : memref<26x16384xf32, #tpu.memory_space<hbm>> -> memref<1x512xf32, #tpu.memory_space<hbm>>
    %dma_start3A_532 = tpu.memref_squeeze %dma_start3A_531 : memref<1x512xf32, #tpu.memory_space<hbm>> -> memref<512xf32, #tpu.memory_space<hbm>>
    %dma_start3A_533 = tpu.memref_slice %arg4[%dma_start3A_528, %mul3A_2] : memref<26x16384xf32, #tpu.memory_space<hbm>> -> memref<1x512xf32, #tpu.memory_space<hbm>>
    %dma_start3A_534 = tpu.memref_squeeze %dma_start3A_533 : memref<1x512xf32, #tpu.memory_space<hbm>> -> memref<512xf32, #tpu.memory_space<hbm>>
    %dma_start3A_535 = arith.constant 3072 : i32
    %dma_start3A_536 = tpu.memref_slice %arg6[%dma_start3A_535] : memref<13312xf32, #tpu.memory_space<vmem>> -> memref<512xf32, #tpu.memory_space<vmem>>
    tpu.enqueue_dma source(%dma_start3A_536 : memref<512xf32, #tpu.memory_space<vmem>>) target(%dma_start3A_534 : memref<512xf32, #tpu.memory_space<hbm>>) target_semaphore(%arg10 : memref<!tpu.dma_semaphore, #tpu.memory_space<semaphore_mem>>)
    %dma_start3A_537 = arith.constant 7 : i32
    %dma_start3A_538 = arith.constant 3584 : i32
    %dma_start3A_539 = tpu.memref_slice %arg6[%dma_start3A_538] : memref<13312xf32, #tpu.memory_space<vmem>> -> memref<512xf32, #tpu.memory_space<vmem>>
    %dma_start3A_540 = tpu.memref_slice %arg4[%dma_start3A_537, %mul3A_2] : memref<26x16384xf32, #tpu.memory_space<hbm>> -> memref<1x512xf32, #tpu.memory_space<hbm>>
    %dma_start3A_541 = tpu.memref_squeeze %dma_start3A_540 : memref<1x512xf32, #tpu.memory_space<hbm>> -> memref<512xf32, #tpu.memory_space<hbm>>
    %dma_start3A_542 = tpu.memref_slice %arg4[%dma_start3A_537, %mul3A_2] : memref<26x16384xf32, #tpu.memory_space<hbm>> -> memref<1x512xf32, #tpu.memory_space<hbm>>
    %dma_start3A_543 = tpu.memref_squeeze %dma_start3A_542 : memref<1x512xf32, #tpu.memory_space<hbm>> -> memref<512xf32, #tpu.memory_space<hbm>>
    %dma_start3A_544 = arith.constant 3584 : i32
    %dma_start3A_545 = tpu.memref_slice %arg6[%dma_start3A_544] : memref<13312xf32, #tpu.memory_space<vmem>> -> memref<512xf32, #tpu.memory_space<vmem>>
    tpu.enqueue_dma source(%dma_start3A_545 : memref<512xf32, #tpu.memory_space<vmem>>) target(%dma_start3A_543 : memref<512xf32, #tpu.memory_space<hbm>>) target_semaphore(%arg10 : memref<!tpu.dma_semaphore, #tpu.memory_space<semaphore_mem>>)
    %dma_start3A_546 = arith.constant 8 : i32
    %dma_start3A_547 = arith.constant 4096 : i32
    %dma_start3A_548 = tpu.memref_slice %arg6[%dma_start3A_547] : memref<13312xf32, #tpu.memory_space<vmem>> -> memref<512xf32, #tpu.memory_space<vmem>>
    %dma_start3A_549 = tpu.memref_slice %arg4[%dma_start3A_546, %mul3A_2] : memref<26x16384xf32, #tpu.memory_space<hbm>> -> memref<1x512xf32, #tpu.memory_space<hbm>>
    %dma_start3A_550 = tpu.memref_squeeze %dma_start3A_549 : memref<1x512xf32, #tpu.memory_space<hbm>> -> memref<512xf32, #tpu.memory_space<hbm>>
    %dma_start3A_551 = tpu.memref_slice %arg4[%dma_start3A_546, %mul3A_2] : memref<26x16384xf32, #tpu.memory_space<hbm>> -> memref<1x512xf32, #tpu.memory_space<hbm>>
    %dma_start3A_552 = tpu.memref_squeeze %dma_start3A_551 : memref<1x512xf32, #tpu.memory_space<hbm>> -> memref<512xf32, #tpu.memory_space<hbm>>
    %dma_start3A_553 = arith.constant 4096 : i32
    %dma_start3A_554 = tpu.memref_slice %arg6[%dma_start3A_553] : memref<13312xf32, #tpu.memory_space<vmem>> -> memref<512xf32, #tpu.memory_space<vmem>>
    tpu.enqueue_dma source(%dma_start3A_554 : memref<512xf32, #tpu.memory_space<vmem>>) target(%dma_start3A_552 : memref<512xf32, #tpu.memory_space<hbm>>) target_semaphore(%arg10 : memref<!tpu.dma_semaphore, #tpu.memory_space<semaphore_mem>>)
    %dma_start3A_555 = arith.constant 9 : i32
    %dma_start3A_556 = arith.constant 4608 : i32
    %dma_start3A_557 = tpu.memref_slice %arg6[%dma_start3A_556] : memref<13312xf32, #tpu.memory_space<vmem>> -> memref<512xf32, #tpu.memory_space<vmem>>
    %dma_start3A_558 = tpu.memref_slice %arg4[%dma_start3A_555, %mul3A_2] : memref<26x16384xf32, #tpu.memory_space<hbm>> -> memref<1x512xf32, #tpu.memory_space<hbm>>
    %dma_start3A_559 = tpu.memref_squeeze %dma_start3A_558 : memref<1x512xf32, #tpu.memory_space<hbm>> -> memref<512xf32, #tpu.memory_space<hbm>>
    %dma_start3A_560 = tpu.memref_slice %arg4[%dma_start3A_555, %mul3A_2] : memref<26x16384xf32, #tpu.memory_space<hbm>> -> memref<1x512xf32, #tpu.memory_space<hbm>>
    %dma_start3A_561 = tpu.memref_squeeze %dma_start3A_560 : memref<1x512xf32, #tpu.memory_space<hbm>> -> memref<512xf32, #tpu.memory_space<hbm>>
    %dma_start3A_562 = arith.constant 4608 : i32
    %dma_start3A_563 = tpu.memref_slice %arg6[%dma_start3A_562] : memref<13312xf32, #tpu.memory_space<vmem>> -> memref<512xf32, #tpu.memory_space<vmem>>
    tpu.enqueue_dma source(%dma_start3A_563 : memref<512xf32, #tpu.memory_space<vmem>>) target(%dma_start3A_561 : memref<512xf32, #tpu.memory_space<hbm>>) target_semaphore(%arg10 : memref<!tpu.dma_semaphore, #tpu.memory_space<semaphore_mem>>)
    %dma_start3A_564 = arith.constant 10 : i32
    %dma_start3A_565 = arith.constant 5120 : i32
    %dma_start3A_566 = tpu.memref_slice %arg6[%dma_start3A_565] : memref<13312xf32, #tpu.memory_space<vmem>> -> memref<512xf32, #tpu.memory_space<vmem>>
    %dma_start3A_567 = tpu.memref_slice %arg4[%dma_start3A_564, %mul3A_2] : memref<26x16384xf32, #tpu.memory_space<hbm>> -> memref<1x512xf32, #tpu.memory_space<hbm>>
    %dma_start3A_568 = tpu.memref_squeeze %dma_start3A_567 : memref<1x512xf32, #tpu.memory_space<hbm>> -> memref<512xf32, #tpu.memory_space<hbm>>
    %dma_start3A_569 = tpu.memref_slice %arg4[%dma_start3A_564, %mul3A_2] : memref<26x16384xf32, #tpu.memory_space<hbm>> -> memref<1x512xf32, #tpu.memory_space<hbm>>
    %dma_start3A_570 = tpu.memref_squeeze %dma_start3A_569 : memref<1x512xf32, #tpu.memory_space<hbm>> -> memref<512xf32, #tpu.memory_space<hbm>>
    %dma_start3A_571 = arith.constant 5120 : i32
    %dma_start3A_572 = tpu.memref_slice %arg6[%dma_start3A_571] : memref<13312xf32, #tpu.memory_space<vmem>> -> memref<512xf32, #tpu.memory_space<vmem>>
    tpu.enqueue_dma source(%dma_start3A_572 : memref<512xf32, #tpu.memory_space<vmem>>) target(%dma_start3A_570 : memref<512xf32, #tpu.memory_space<hbm>>) target_semaphore(%arg10 : memref<!tpu.dma_semaphore, #tpu.memory_space<semaphore_mem>>)
    %dma_start3A_573 = arith.constant 11 : i32
    %dma_start3A_574 = arith.constant 5632 : i32
    %dma_start3A_575 = tpu.memref_slice %arg6[%dma_start3A_574] : memref<13312xf32, #tpu.memory_space<vmem>> -> memref<512xf32, #tpu.memory_space<vmem>>
    %dma_start3A_576 = tpu.memref_slice %arg4[%dma_start3A_573, %mul3A_2] : memref<26x16384xf32, #tpu.memory_space<hbm>> -> memref<1x512xf32, #tpu.memory_space<hbm>>
    %dma_start3A_577 = tpu.memref_squeeze %dma_start3A_576 : memref<1x512xf32, #tpu.memory_space<hbm>> -> memref<512xf32, #tpu.memory_space<hbm>>
    %dma_start3A_578 = tpu.memref_slice %arg4[%dma_start3A_573, %mul3A_2] : memref<26x16384xf32, #tpu.memory_space<hbm>> -> memref<1x512xf32, #tpu.memory_space<hbm>>
    %dma_start3A_579 = tpu.memref_squeeze %dma_start3A_578 : memref<1x512xf32, #tpu.memory_space<hbm>> -> memref<512xf32, #tpu.memory_space<hbm>>
    %dma_start3A_580 = arith.constant 5632 : i32
    %dma_start3A_581 = tpu.memref_slice %arg6[%dma_start3A_580] : memref<13312xf32, #tpu.memory_space<vmem>> -> memref<512xf32, #tpu.memory_space<vmem>>
    tpu.enqueue_dma source(%dma_start3A_581 : memref<512xf32, #tpu.memory_space<vmem>>) target(%dma_start3A_579 : memref<512xf32, #tpu.memory_space<hbm>>) target_semaphore(%arg10 : memref<!tpu.dma_semaphore, #tpu.memory_space<semaphore_mem>>)
    %dma_start3A_582 = arith.constant 12 : i32
    %dma_start3A_583 = arith.constant 6144 : i32
    %dma_start3A_584 = tpu.memref_slice %arg6[%dma_start3A_583] : memref<13312xf32, #tpu.memory_space<vmem>> -> memref<512xf32, #tpu.memory_space<vmem>>
    %dma_start3A_585 = tpu.memref_slice %arg4[%dma_start3A_582, %mul3A_2] : memref<26x16384xf32, #tpu.memory_space<hbm>> -> memref<1x512xf32, #tpu.memory_space<hbm>>
    %dma_start3A_586 = tpu.memref_squeeze %dma_start3A_585 : memref<1x512xf32, #tpu.memory_space<hbm>> -> memref<512xf32, #tpu.memory_space<hbm>>
    %dma_start3A_587 = tpu.memref_slice %arg4[%dma_start3A_582, %mul3A_2] : memref<26x16384xf32, #tpu.memory_space<hbm>> -> memref<1x512xf32, #tpu.memory_space<hbm>>
    %dma_start3A_588 = tpu.memref_squeeze %dma_start3A_587 : memref<1x512xf32, #tpu.memory_space<hbm>> -> memref<512xf32, #tpu.memory_space<hbm>>
    %dma_start3A_589 = arith.constant 6144 : i32
    %dma_start3A_590 = tpu.memref_slice %arg6[%dma_start3A_589] : memref<13312xf32, #tpu.memory_space<vmem>> -> memref<512xf32, #tpu.memory_space<vmem>>
    tpu.enqueue_dma source(%dma_start3A_590 : memref<512xf32, #tpu.memory_space<vmem>>) target(%dma_start3A_588 : memref<512xf32, #tpu.memory_space<hbm>>) target_semaphore(%arg10 : memref<!tpu.dma_semaphore, #tpu.memory_space<semaphore_mem>>)
    %dma_start3A_591 = arith.constant 13 : i32
    %dma_start3A_592 = arith.constant 6656 : i32
    %dma_start3A_593 = tpu.memref_slice %arg6[%dma_start3A_592] : memref<13312xf32, #tpu.memory_space<vmem>> -> memref<512xf32, #tpu.memory_space<vmem>>
    %dma_start3A_594 = tpu.memref_slice %arg4[%dma_start3A_591, %mul3A_2] : memref<26x16384xf32, #tpu.memory_space<hbm>> -> memref<1x512xf32, #tpu.memory_space<hbm>>
    %dma_start3A_595 = tpu.memref_squeeze %dma_start3A_594 : memref<1x512xf32, #tpu.memory_space<hbm>> -> memref<512xf32, #tpu.memory_space<hbm>>
    %dma_start3A_596 = tpu.memref_slice %arg4[%dma_start3A_591, %mul3A_2] : memref<26x16384xf32, #tpu.memory_space<hbm>> -> memref<1x512xf32, #tpu.memory_space<hbm>>
    %dma_start3A_597 = tpu.memref_squeeze %dma_start3A_596 : memref<1x512xf32, #tpu.memory_space<hbm>> -> memref<512xf32, #tpu.memory_space<hbm>>
    %dma_start3A_598 = arith.constant 6656 : i32
    %dma_start3A_599 = tpu.memref_slice %arg6[%dma_start3A_598] : memref<13312xf32, #tpu.memory_space<vmem>> -> memref<512xf32, #tpu.memory_space<vmem>>
    tpu.enqueue_dma source(%dma_start3A_599 : memref<512xf32, #tpu.memory_space<vmem>>) target(%dma_start3A_597 : memref<512xf32, #tpu.memory_space<hbm>>) target_semaphore(%arg10 : memref<!tpu.dma_semaphore, #tpu.memory_space<semaphore_mem>>)
    %dma_start3A_600 = arith.constant 14 : i32
    %dma_start3A_601 = arith.constant 7168 : i32
    %dma_start3A_602 = tpu.memref_slice %arg6[%dma_start3A_601] : memref<13312xf32, #tpu.memory_space<vmem>> -> memref<512xf32, #tpu.memory_space<vmem>>
    %dma_start3A_603 = tpu.memref_slice %arg4[%dma_start3A_600, %mul3A_2] : memref<26x16384xf32, #tpu.memory_space<hbm>> -> memref<1x512xf32, #tpu.memory_space<hbm>>
    %dma_start3A_604 = tpu.memref_squeeze %dma_start3A_603 : memref<1x512xf32, #tpu.memory_space<hbm>> -> memref<512xf32, #tpu.memory_space<hbm>>
    %dma_start3A_605 = tpu.memref_slice %arg4[%dma_start3A_600, %mul3A_2] : memref<26x16384xf32, #tpu.memory_space<hbm>> -> memref<1x512xf32, #tpu.memory_space<hbm>>
    %dma_start3A_606 = tpu.memref_squeeze %dma_start3A_605 : memref<1x512xf32, #tpu.memory_space<hbm>> -> memref<512xf32, #tpu.memory_space<hbm>>
    %dma_start3A_607 = arith.constant 7168 : i32
    %dma_start3A_608 = tpu.memref_slice %arg6[%dma_start3A_607] : memref<13312xf32, #tpu.memory_space<vmem>> -> memref<512xf32, #tpu.memory_space<vmem>>
    tpu.enqueue_dma source(%dma_start3A_608 : memref<512xf32, #tpu.memory_space<vmem>>) target(%dma_start3A_606 : memref<512xf32, #tpu.memory_space<hbm>>) target_semaphore(%arg10 : memref<!tpu.dma_semaphore, #tpu.memory_space<semaphore_mem>>)
    %dma_start3A_609 = arith.constant 15 : i32
    %dma_start3A_610 = arith.constant 7680 : i32
    %dma_start3A_611 = tpu.memref_slice %arg6[%dma_start3A_610] : memref<13312xf32, #tpu.memory_space<vmem>> -> memref<512xf32, #tpu.memory_space<vmem>>
    %dma_start3A_612 = tpu.memref_slice %arg4[%dma_start3A_609, %mul3A_2] : memref<26x16384xf32, #tpu.memory_space<hbm>> -> memref<1x512xf32, #tpu.memory_space<hbm>>
    %dma_start3A_613 = tpu.memref_squeeze %dma_start3A_612 : memref<1x512xf32, #tpu.memory_space<hbm>> -> memref<512xf32, #tpu.memory_space<hbm>>
    %dma_start3A_614 = tpu.memref_slice %arg4[%dma_start3A_609, %mul3A_2] : memref<26x16384xf32, #tpu.memory_space<hbm>> -> memref<1x512xf32, #tpu.memory_space<hbm>>
    %dma_start3A_615 = tpu.memref_squeeze %dma_start3A_614 : memref<1x512xf32, #tpu.memory_space<hbm>> -> memref<512xf32, #tpu.memory_space<hbm>>
    %dma_start3A_616 = arith.constant 7680 : i32
    %dma_start3A_617 = tpu.memref_slice %arg6[%dma_start3A_616] : memref<13312xf32, #tpu.memory_space<vmem>> -> memref<512xf32, #tpu.memory_space<vmem>>
    tpu.enqueue_dma source(%dma_start3A_617 : memref<512xf32, #tpu.memory_space<vmem>>) target(%dma_start3A_615 : memref<512xf32, #tpu.memory_space<hbm>>) target_semaphore(%arg10 : memref<!tpu.dma_semaphore, #tpu.memory_space<semaphore_mem>>)
    %dma_start3A_618 = arith.constant 16 : i32
    %dma_start3A_619 = arith.constant 8192 : i32
    %dma_start3A_620 = tpu.memref_slice %arg6[%dma_start3A_619] : memref<13312xf32, #tpu.memory_space<vmem>> -> memref<512xf32, #tpu.memory_space<vmem>>
    %dma_start3A_621 = tpu.memref_slice %arg4[%dma_start3A_618, %mul3A_2] : memref<26x16384xf32, #tpu.memory_space<hbm>> -> memref<1x512xf32, #tpu.memory_space<hbm>>
    %dma_start3A_622 = tpu.memref_squeeze %dma_start3A_621 : memref<1x512xf32, #tpu.memory_space<hbm>> -> memref<512xf32, #tpu.memory_space<hbm>>
    %dma_start3A_623 = tpu.memref_slice %arg4[%dma_start3A_618, %mul3A_2] : memref<26x16384xf32, #tpu.memory_space<hbm>> -> memref<1x512xf32, #tpu.memory_space<hbm>>
    %dma_start3A_624 = tpu.memref_squeeze %dma_start3A_623 : memref<1x512xf32, #tpu.memory_space<hbm>> -> memref<512xf32, #tpu.memory_space<hbm>>
    %dma_start3A_625 = arith.constant 8192 : i32
    %dma_start3A_626 = tpu.memref_slice %arg6[%dma_start3A_625] : memref<13312xf32, #tpu.memory_space<vmem>> -> memref<512xf32, #tpu.memory_space<vmem>>
    tpu.enqueue_dma source(%dma_start3A_626 : memref<512xf32, #tpu.memory_space<vmem>>) target(%dma_start3A_624 : memref<512xf32, #tpu.memory_space<hbm>>) target_semaphore(%arg10 : memref<!tpu.dma_semaphore, #tpu.memory_space<semaphore_mem>>)
    %dma_start3A_627 = arith.constant 17 : i32
    %dma_start3A_628 = arith.constant 8704 : i32
    %dma_start3A_629 = tpu.memref_slice %arg6[%dma_start3A_628] : memref<13312xf32, #tpu.memory_space<vmem>> -> memref<512xf32, #tpu.memory_space<vmem>>
    %dma_start3A_630 = tpu.memref_slice %arg4[%dma_start3A_627, %mul3A_2] : memref<26x16384xf32, #tpu.memory_space<hbm>> -> memref<1x512xf32, #tpu.memory_space<hbm>>
    %dma_start3A_631 = tpu.memref_squeeze %dma_start3A_630 : memref<1x512xf32, #tpu.memory_space<hbm>> -> memref<512xf32, #tpu.memory_space<hbm>>
    %dma_start3A_632 = tpu.memref_slice %arg4[%dma_start3A_627, %mul3A_2] : memref<26x16384xf32, #tpu.memory_space<hbm>> -> memref<1x512xf32, #tpu.memory_space<hbm>>
    %dma_start3A_633 = tpu.memref_squeeze %dma_start3A_632 : memref<1x512xf32, #tpu.memory_space<hbm>> -> memref<512xf32, #tpu.memory_space<hbm>>
    %dma_start3A_634 = arith.constant 8704 : i32
    %dma_start3A_635 = tpu.memref_slice %arg6[%dma_start3A_634] : memref<13312xf32, #tpu.memory_space<vmem>> -> memref<512xf32, #tpu.memory_space<vmem>>
    tpu.enqueue_dma source(%dma_start3A_635 : memref<512xf32, #tpu.memory_space<vmem>>) target(%dma_start3A_633 : memref<512xf32, #tpu.memory_space<hbm>>) target_semaphore(%arg10 : memref<!tpu.dma_semaphore, #tpu.memory_space<semaphore_mem>>)
    %dma_start3A_636 = arith.constant 18 : i32
    %dma_start3A_637 = arith.constant 9216 : i32
    %dma_start3A_638 = tpu.memref_slice %arg6[%dma_start3A_637] : memref<13312xf32, #tpu.memory_space<vmem>> -> memref<512xf32, #tpu.memory_space<vmem>>
    %dma_start3A_639 = tpu.memref_slice %arg4[%dma_start3A_636, %mul3A_2] : memref<26x16384xf32, #tpu.memory_space<hbm>> -> memref<1x512xf32, #tpu.memory_space<hbm>>
    %dma_start3A_640 = tpu.memref_squeeze %dma_start3A_639 : memref<1x512xf32, #tpu.memory_space<hbm>> -> memref<512xf32, #tpu.memory_space<hbm>>
    %dma_start3A_641 = tpu.memref_slice %arg4[%dma_start3A_636, %mul3A_2] : memref<26x16384xf32, #tpu.memory_space<hbm>> -> memref<1x512xf32, #tpu.memory_space<hbm>>
    %dma_start3A_642 = tpu.memref_squeeze %dma_start3A_641 : memref<1x512xf32, #tpu.memory_space<hbm>> -> memref<512xf32, #tpu.memory_space<hbm>>
    %dma_start3A_643 = arith.constant 9216 : i32
    %dma_start3A_644 = tpu.memref_slice %arg6[%dma_start3A_643] : memref<13312xf32, #tpu.memory_space<vmem>> -> memref<512xf32, #tpu.memory_space<vmem>>
    tpu.enqueue_dma source(%dma_start3A_644 : memref<512xf32, #tpu.memory_space<vmem>>) target(%dma_start3A_642 : memref<512xf32, #tpu.memory_space<hbm>>) target_semaphore(%arg10 : memref<!tpu.dma_semaphore, #tpu.memory_space<semaphore_mem>>)
    %dma_start3A_645 = arith.constant 19 : i32
    %dma_start3A_646 = arith.constant 9728 : i32
    %dma_start3A_647 = tpu.memref_slice %arg6[%dma_start3A_646] : memref<13312xf32, #tpu.memory_space<vmem>> -> memref<512xf32, #tpu.memory_space<vmem>>
    %dma_start3A_648 = tpu.memref_slice %arg4[%dma_start3A_645, %mul3A_2] : memref<26x16384xf32, #tpu.memory_space<hbm>> -> memref<1x512xf32, #tpu.memory_space<hbm>>
    %dma_start3A_649 = tpu.memref_squeeze %dma_start3A_648 : memref<1x512xf32, #tpu.memory_space<hbm>> -> memref<512xf32, #tpu.memory_space<hbm>>
    %dma_start3A_650 = tpu.memref_slice %arg4[%dma_start3A_645, %mul3A_2] : memref<26x16384xf32, #tpu.memory_space<hbm>> -> memref<1x512xf32, #tpu.memory_space<hbm>>
    %dma_start3A_651 = tpu.memref_squeeze %dma_start3A_650 : memref<1x512xf32, #tpu.memory_space<hbm>> -> memref<512xf32, #tpu.memory_space<hbm>>
    %dma_start3A_652 = arith.constant 9728 : i32
    %dma_start3A_653 = tpu.memref_slice %arg6[%dma_start3A_652] : memref<13312xf32, #tpu.memory_space<vmem>> -> memref<512xf32, #tpu.memory_space<vmem>>
    tpu.enqueue_dma source(%dma_start3A_653 : memref<512xf32, #tpu.memory_space<vmem>>) target(%dma_start3A_651 : memref<512xf32, #tpu.memory_space<hbm>>) target_semaphore(%arg10 : memref<!tpu.dma_semaphore, #tpu.memory_space<semaphore_mem>>)
    %dma_start3A_654 = arith.constant 20 : i32
    %dma_start3A_655 = arith.constant 10240 : i32
    %dma_start3A_656 = tpu.memref_slice %arg6[%dma_start3A_655] : memref<13312xf32, #tpu.memory_space<vmem>> -> memref<512xf32, #tpu.memory_space<vmem>>
    %dma_start3A_657 = tpu.memref_slice %arg4[%dma_start3A_654, %mul3A_2] : memref<26x16384xf32, #tpu.memory_space<hbm>> -> memref<1x512xf32, #tpu.memory_space<hbm>>
    %dma_start3A_658 = tpu.memref_squeeze %dma_start3A_657 : memref<1x512xf32, #tpu.memory_space<hbm>> -> memref<512xf32, #tpu.memory_space<hbm>>
    %dma_start3A_659 = tpu.memref_slice %arg4[%dma_start3A_654, %mul3A_2] : memref<26x16384xf32, #tpu.memory_space<hbm>> -> memref<1x512xf32, #tpu.memory_space<hbm>>
    %dma_start3A_660 = tpu.memref_squeeze %dma_start3A_659 : memref<1x512xf32, #tpu.memory_space<hbm>> -> memref<512xf32, #tpu.memory_space<hbm>>
    %dma_start3A_661 = arith.constant 10240 : i32
    %dma_start3A_662 = tpu.memref_slice %arg6[%dma_start3A_661] : memref<13312xf32, #tpu.memory_space<vmem>> -> memref<512xf32, #tpu.memory_space<vmem>>
    tpu.enqueue_dma source(%dma_start3A_662 : memref<512xf32, #tpu.memory_space<vmem>>) target(%dma_start3A_660 : memref<512xf32, #tpu.memory_space<hbm>>) target_semaphore(%arg10 : memref<!tpu.dma_semaphore, #tpu.memory_space<semaphore_mem>>)
    %dma_start3A_663 = arith.constant 21 : i32
    %dma_start3A_664 = arith.constant 10752 : i32
    %dma_start3A_665 = tpu.memref_slice %arg6[%dma_start3A_664] : memref<13312xf32, #tpu.memory_space<vmem>> -> memref<512xf32, #tpu.memory_space<vmem>>
    %dma_start3A_666 = tpu.memref_slice %arg4[%dma_start3A_663, %mul3A_2] : memref<26x16384xf32, #tpu.memory_space<hbm>> -> memref<1x512xf32, #tpu.memory_space<hbm>>
    %dma_start3A_667 = tpu.memref_squeeze %dma_start3A_666 : memref<1x512xf32, #tpu.memory_space<hbm>> -> memref<512xf32, #tpu.memory_space<hbm>>
    %dma_start3A_668 = tpu.memref_slice %arg4[%dma_start3A_663, %mul3A_2] : memref<26x16384xf32, #tpu.memory_space<hbm>> -> memref<1x512xf32, #tpu.memory_space<hbm>>
    %dma_start3A_669 = tpu.memref_squeeze %dma_start3A_668 : memref<1x512xf32, #tpu.memory_space<hbm>> -> memref<512xf32, #tpu.memory_space<hbm>>
    %dma_start3A_670 = arith.constant 10752 : i32
    %dma_start3A_671 = tpu.memref_slice %arg6[%dma_start3A_670] : memref<13312xf32, #tpu.memory_space<vmem>> -> memref<512xf32, #tpu.memory_space<vmem>>
    tpu.enqueue_dma source(%dma_start3A_671 : memref<512xf32, #tpu.memory_space<vmem>>) target(%dma_start3A_669 : memref<512xf32, #tpu.memory_space<hbm>>) target_semaphore(%arg10 : memref<!tpu.dma_semaphore, #tpu.memory_space<semaphore_mem>>)
    %dma_start3A_672 = arith.constant 22 : i32
    %dma_start3A_673 = arith.constant 11264 : i32
    %dma_start3A_674 = tpu.memref_slice %arg6[%dma_start3A_673] : memref<13312xf32, #tpu.memory_space<vmem>> -> memref<512xf32, #tpu.memory_space<vmem>>
    %dma_start3A_675 = tpu.memref_slice %arg4[%dma_start3A_672, %mul3A_2] : memref<26x16384xf32, #tpu.memory_space<hbm>> -> memref<1x512xf32, #tpu.memory_space<hbm>>
    %dma_start3A_676 = tpu.memref_squeeze %dma_start3A_675 : memref<1x512xf32, #tpu.memory_space<hbm>> -> memref<512xf32, #tpu.memory_space<hbm>>
    %dma_start3A_677 = tpu.memref_slice %arg4[%dma_start3A_672, %mul3A_2] : memref<26x16384xf32, #tpu.memory_space<hbm>> -> memref<1x512xf32, #tpu.memory_space<hbm>>
    %dma_start3A_678 = tpu.memref_squeeze %dma_start3A_677 : memref<1x512xf32, #tpu.memory_space<hbm>> -> memref<512xf32, #tpu.memory_space<hbm>>
    %dma_start3A_679 = arith.constant 11264 : i32
    %dma_start3A_680 = tpu.memref_slice %arg6[%dma_start3A_679] : memref<13312xf32, #tpu.memory_space<vmem>> -> memref<512xf32, #tpu.memory_space<vmem>>
    tpu.enqueue_dma source(%dma_start3A_680 : memref<512xf32, #tpu.memory_space<vmem>>) target(%dma_start3A_678 : memref<512xf32, #tpu.memory_space<hbm>>) target_semaphore(%arg10 : memref<!tpu.dma_semaphore, #tpu.memory_space<semaphore_mem>>)
    %dma_start3A_681 = arith.constant 23 : i32
    %dma_start3A_682 = arith.constant 11776 : i32
    %dma_start3A_683 = tpu.memref_slice %arg6[%dma_start3A_682] : memref<13312xf32, #tpu.memory_space<vmem>> -> memref<512xf32, #tpu.memory_space<vmem>>
    %dma_start3A_684 = tpu.memref_slice %arg4[%dma_start3A_681, %mul3A_2] : memref<26x16384xf32, #tpu.memory_space<hbm>> -> memref<1x512xf32, #tpu.memory_space<hbm>>
    %dma_start3A_685 = tpu.memref_squeeze %dma_start3A_684 : memref<1x512xf32, #tpu.memory_space<hbm>> -> memref<512xf32, #tpu.memory_space<hbm>>
    %dma_start3A_686 = tpu.memref_slice %arg4[%dma_start3A_681, %mul3A_2] : memref<26x16384xf32, #tpu.memory_space<hbm>> -> memref<1x512xf32, #tpu.memory_space<hbm>>
    %dma_start3A_687 = tpu.memref_squeeze %dma_start3A_686 : memref<1x512xf32, #tpu.memory_space<hbm>> -> memref<512xf32, #tpu.memory_space<hbm>>
    %dma_start3A_688 = arith.constant 11776 : i32
    %dma_start3A_689 = tpu.memref_slice %arg6[%dma_start3A_688] : memref<13312xf32, #tpu.memory_space<vmem>> -> memref<512xf32, #tpu.memory_space<vmem>>
    tpu.enqueue_dma source(%dma_start3A_689 : memref<512xf32, #tpu.memory_space<vmem>>) target(%dma_start3A_687 : memref<512xf32, #tpu.memory_space<hbm>>) target_semaphore(%arg10 : memref<!tpu.dma_semaphore, #tpu.memory_space<semaphore_mem>>)
    %dma_start3A_690 = arith.constant 24 : i32
    %dma_start3A_691 = arith.constant 12288 : i32
    %dma_start3A_692 = tpu.memref_slice %arg6[%dma_start3A_691] : memref<13312xf32, #tpu.memory_space<vmem>> -> memref<512xf32, #tpu.memory_space<vmem>>
    %dma_start3A_693 = tpu.memref_slice %arg4[%dma_start3A_690, %mul3A_2] : memref<26x16384xf32, #tpu.memory_space<hbm>> -> memref<1x512xf32, #tpu.memory_space<hbm>>
    %dma_start3A_694 = tpu.memref_squeeze %dma_start3A_693 : memref<1x512xf32, #tpu.memory_space<hbm>> -> memref<512xf32, #tpu.memory_space<hbm>>
    %dma_start3A_695 = tpu.memref_slice %arg4[%dma_start3A_690, %mul3A_2] : memref<26x16384xf32, #tpu.memory_space<hbm>> -> memref<1x512xf32, #tpu.memory_space<hbm>>
    %dma_start3A_696 = tpu.memref_squeeze %dma_start3A_695 : memref<1x512xf32, #tpu.memory_space<hbm>> -> memref<512xf32, #tpu.memory_space<hbm>>
    %dma_start3A_697 = arith.constant 12288 : i32
    %dma_start3A_698 = tpu.memref_slice %arg6[%dma_start3A_697] : memref<13312xf32, #tpu.memory_space<vmem>> -> memref<512xf32, #tpu.memory_space<vmem>>
    tpu.enqueue_dma source(%dma_start3A_698 : memref<512xf32, #tpu.memory_space<vmem>>) target(%dma_start3A_696 : memref<512xf32, #tpu.memory_space<hbm>>) target_semaphore(%arg10 : memref<!tpu.dma_semaphore, #tpu.memory_space<semaphore_mem>>)
    %dma_start3A_699 = arith.constant 25 : i32
    %dma_start3A_700 = arith.constant 12800 : i32
    %dma_start3A_701 = tpu.memref_slice %arg6[%dma_start3A_700] : memref<13312xf32, #tpu.memory_space<vmem>> -> memref<512xf32, #tpu.memory_space<vmem>>
    %dma_start3A_702 = tpu.memref_slice %arg4[%dma_start3A_699, %mul3A_2] : memref<26x16384xf32, #tpu.memory_space<hbm>> -> memref<1x512xf32, #tpu.memory_space<hbm>>
    %dma_start3A_703 = tpu.memref_squeeze %dma_start3A_702 : memref<1x512xf32, #tpu.memory_space<hbm>> -> memref<512xf32, #tpu.memory_space<hbm>>
    %dma_start3A_704 = tpu.memref_slice %arg4[%dma_start3A_699, %mul3A_2] : memref<26x16384xf32, #tpu.memory_space<hbm>> -> memref<1x512xf32, #tpu.memory_space<hbm>>
    %dma_start3A_705 = tpu.memref_squeeze %dma_start3A_704 : memref<1x512xf32, #tpu.memory_space<hbm>> -> memref<512xf32, #tpu.memory_space<hbm>>
    %dma_start3A_706 = arith.constant 12800 : i32
    %dma_start3A_707 = tpu.memref_slice %arg6[%dma_start3A_706] : memref<13312xf32, #tpu.memory_space<vmem>> -> memref<512xf32, #tpu.memory_space<vmem>>
    tpu.enqueue_dma source(%dma_start3A_707 : memref<512xf32, #tpu.memory_space<vmem>>) target(%dma_start3A_705 : memref<512xf32, #tpu.memory_space<hbm>>) target_semaphore(%arg10 : memref<!tpu.dma_semaphore, #tpu.memory_space<semaphore_mem>>)
    %dma_wait3A_708 = arith.constant 0 : i32
    %dma_wait3A_709 = arith.constant 0 : i32
    %dma_wait3A_710 = tpu.memref_slice %arg6[%dma_wait3A_709] : memref<13312xf32, #tpu.memory_space<vmem>> -> memref<512xf32, #tpu.memory_space<vmem>>
    %dma_wait3A_711 = tpu.memref_slice %arg4[%dma_wait3A_708, %mul3A_2] : memref<26x16384xf32, #tpu.memory_space<hbm>> -> memref<1x512xf32, #tpu.memory_space<hbm>>
    %dma_wait3A_712 = tpu.memref_squeeze %dma_wait3A_711 : memref<1x512xf32, #tpu.memory_space<hbm>> -> memref<512xf32, #tpu.memory_space<hbm>>
    %dma_wait3A_713 = tpu.memref_slice %arg4[%dma_wait3A_708, %mul3A_2] : memref<26x16384xf32, #tpu.memory_space<hbm>> -> memref<1x512xf32, #tpu.memory_space<hbm>>
    %dma_wait3A_714 = tpu.memref_squeeze %dma_wait3A_713 : memref<1x512xf32, #tpu.memory_space<hbm>> -> memref<512xf32, #tpu.memory_space<hbm>>
    %dma_wait3A_715 = arith.constant 0 : i32
    %dma_wait3A_716 = tpu.memref_slice %arg6[%dma_wait3A_715] : memref<13312xf32, #tpu.memory_space<vmem>> -> memref<512xf32, #tpu.memory_space<vmem>>
    tpu.wait_dma2 semaphore(%arg10 : memref<!tpu.dma_semaphore, #tpu.memory_space<semaphore_mem>>) src(%dma_wait3A_716 : memref<512xf32, #tpu.memory_space<vmem>>) dst(%dma_wait3A_714 : memref<512xf32, #tpu.memory_space<hbm>>)
    %dma_wait3A_717 = arith.constant 1 : i32
    %dma_wait3A_718 = arith.constant 512 : i32
    %dma_wait3A_719 = tpu.memref_slice %arg6[%dma_wait3A_718] : memref<13312xf32, #tpu.memory_space<vmem>> -> memref<512xf32, #tpu.memory_space<vmem>>
    %dma_wait3A_720 = tpu.memref_slice %arg4[%dma_wait3A_717, %mul3A_2] : memref<26x16384xf32, #tpu.memory_space<hbm>> -> memref<1x512xf32, #tpu.memory_space<hbm>>
    %dma_wait3A_721 = tpu.memref_squeeze %dma_wait3A_720 : memref<1x512xf32, #tpu.memory_space<hbm>> -> memref<512xf32, #tpu.memory_space<hbm>>
    %dma_wait3A_722 = tpu.memref_slice %arg4[%dma_wait3A_717, %mul3A_2] : memref<26x16384xf32, #tpu.memory_space<hbm>> -> memref<1x512xf32, #tpu.memory_space<hbm>>
    %dma_wait3A_723 = tpu.memref_squeeze %dma_wait3A_722 : memref<1x512xf32, #tpu.memory_space<hbm>> -> memref<512xf32, #tpu.memory_space<hbm>>
    %dma_wait3A_724 = arith.constant 512 : i32
    %dma_wait3A_725 = tpu.memref_slice %arg6[%dma_wait3A_724] : memref<13312xf32, #tpu.memory_space<vmem>> -> memref<512xf32, #tpu.memory_space<vmem>>
    tpu.wait_dma2 semaphore(%arg10 : memref<!tpu.dma_semaphore, #tpu.memory_space<semaphore_mem>>) src(%dma_wait3A_725 : memref<512xf32, #tpu.memory_space<vmem>>) dst(%dma_wait3A_723 : memref<512xf32, #tpu.memory_space<hbm>>)
    %dma_wait3A_726 = arith.constant 2 : i32
    %dma_wait3A_727 = arith.constant 1024 : i32
    %dma_wait3A_728 = tpu.memref_slice %arg6[%dma_wait3A_727] : memref<13312xf32, #tpu.memory_space<vmem>> -> memref<512xf32, #tpu.memory_space<vmem>>
    %dma_wait3A_729 = tpu.memref_slice %arg4[%dma_wait3A_726, %mul3A_2] : memref<26x16384xf32, #tpu.memory_space<hbm>> -> memref<1x512xf32, #tpu.memory_space<hbm>>
    %dma_wait3A_730 = tpu.memref_squeeze %dma_wait3A_729 : memref<1x512xf32, #tpu.memory_space<hbm>> -> memref<512xf32, #tpu.memory_space<hbm>>
    %dma_wait3A_731 = tpu.memref_slice %arg4[%dma_wait3A_726, %mul3A_2] : memref<26x16384xf32, #tpu.memory_space<hbm>> -> memref<1x512xf32, #tpu.memory_space<hbm>>
    %dma_wait3A_732 = tpu.memref_squeeze %dma_wait3A_731 : memref<1x512xf32, #tpu.memory_space<hbm>> -> memref<512xf32, #tpu.memory_space<hbm>>
    %dma_wait3A_733 = arith.constant 1024 : i32
    %dma_wait3A_734 = tpu.memref_slice %arg6[%dma_wait3A_733] : memref<13312xf32, #tpu.memory_space<vmem>> -> memref<512xf32, #tpu.memory_space<vmem>>
    tpu.wait_dma2 semaphore(%arg10 : memref<!tpu.dma_semaphore, #tpu.memory_space<semaphore_mem>>) src(%dma_wait3A_734 : memref<512xf32, #tpu.memory_space<vmem>>) dst(%dma_wait3A_732 : memref<512xf32, #tpu.memory_space<hbm>>)
    %dma_wait3A_735 = arith.constant 3 : i32
    %dma_wait3A_736 = arith.constant 1536 : i32
    %dma_wait3A_737 = tpu.memref_slice %arg6[%dma_wait3A_736] : memref<13312xf32, #tpu.memory_space<vmem>> -> memref<512xf32, #tpu.memory_space<vmem>>
    %dma_wait3A_738 = tpu.memref_slice %arg4[%dma_wait3A_735, %mul3A_2] : memref<26x16384xf32, #tpu.memory_space<hbm>> -> memref<1x512xf32, #tpu.memory_space<hbm>>
    %dma_wait3A_739 = tpu.memref_squeeze %dma_wait3A_738 : memref<1x512xf32, #tpu.memory_space<hbm>> -> memref<512xf32, #tpu.memory_space<hbm>>
    %dma_wait3A_740 = tpu.memref_slice %arg4[%dma_wait3A_735, %mul3A_2] : memref<26x16384xf32, #tpu.memory_space<hbm>> -> memref<1x512xf32, #tpu.memory_space<hbm>>
    %dma_wait3A_741 = tpu.memref_squeeze %dma_wait3A_740 : memref<1x512xf32, #tpu.memory_space<hbm>> -> memref<512xf32, #tpu.memory_space<hbm>>
    %dma_wait3A_742 = arith.constant 1536 : i32
    %dma_wait3A_743 = tpu.memref_slice %arg6[%dma_wait3A_742] : memref<13312xf32, #tpu.memory_space<vmem>> -> memref<512xf32, #tpu.memory_space<vmem>>
    tpu.wait_dma2 semaphore(%arg10 : memref<!tpu.dma_semaphore, #tpu.memory_space<semaphore_mem>>) src(%dma_wait3A_743 : memref<512xf32, #tpu.memory_space<vmem>>) dst(%dma_wait3A_741 : memref<512xf32, #tpu.memory_space<hbm>>)
    %dma_wait3A_744 = arith.constant 4 : i32
    %dma_wait3A_745 = arith.constant 2048 : i32
    %dma_wait3A_746 = tpu.memref_slice %arg6[%dma_wait3A_745] : memref<13312xf32, #tpu.memory_space<vmem>> -> memref<512xf32, #tpu.memory_space<vmem>>
    %dma_wait3A_747 = tpu.memref_slice %arg4[%dma_wait3A_744, %mul3A_2] : memref<26x16384xf32, #tpu.memory_space<hbm>> -> memref<1x512xf32, #tpu.memory_space<hbm>>
    %dma_wait3A_748 = tpu.memref_squeeze %dma_wait3A_747 : memref<1x512xf32, #tpu.memory_space<hbm>> -> memref<512xf32, #tpu.memory_space<hbm>>
    %dma_wait3A_749 = tpu.memref_slice %arg4[%dma_wait3A_744, %mul3A_2] : memref<26x16384xf32, #tpu.memory_space<hbm>> -> memref<1x512xf32, #tpu.memory_space<hbm>>
    %dma_wait3A_750 = tpu.memref_squeeze %dma_wait3A_749 : memref<1x512xf32, #tpu.memory_space<hbm>> -> memref<512xf32, #tpu.memory_space<hbm>>
    %dma_wait3A_751 = arith.constant 2048 : i32
    %dma_wait3A_752 = tpu.memref_slice %arg6[%dma_wait3A_751] : memref<13312xf32, #tpu.memory_space<vmem>> -> memref<512xf32, #tpu.memory_space<vmem>>
    tpu.wait_dma2 semaphore(%arg10 : memref<!tpu.dma_semaphore, #tpu.memory_space<semaphore_mem>>) src(%dma_wait3A_752 : memref<512xf32, #tpu.memory_space<vmem>>) dst(%dma_wait3A_750 : memref<512xf32, #tpu.memory_space<hbm>>)
    %dma_wait3A_753 = arith.constant 5 : i32
    %dma_wait3A_754 = arith.constant 2560 : i32
    %dma_wait3A_755 = tpu.memref_slice %arg6[%dma_wait3A_754] : memref<13312xf32, #tpu.memory_space<vmem>> -> memref<512xf32, #tpu.memory_space<vmem>>
    %dma_wait3A_756 = tpu.memref_slice %arg4[%dma_wait3A_753, %mul3A_2] : memref<26x16384xf32, #tpu.memory_space<hbm>> -> memref<1x512xf32, #tpu.memory_space<hbm>>
    %dma_wait3A_757 = tpu.memref_squeeze %dma_wait3A_756 : memref<1x512xf32, #tpu.memory_space<hbm>> -> memref<512xf32, #tpu.memory_space<hbm>>
    %dma_wait3A_758 = tpu.memref_slice %arg4[%dma_wait3A_753, %mul3A_2] : memref<26x16384xf32, #tpu.memory_space<hbm>> -> memref<1x512xf32, #tpu.memory_space<hbm>>
    %dma_wait3A_759 = tpu.memref_squeeze %dma_wait3A_758 : memref<1x512xf32, #tpu.memory_space<hbm>> -> memref<512xf32, #tpu.memory_space<hbm>>
    %dma_wait3A_760 = arith.constant 2560 : i32
    %dma_wait3A_761 = tpu.memref_slice %arg6[%dma_wait3A_760] : memref<13312xf32, #tpu.memory_space<vmem>> -> memref<512xf32, #tpu.memory_space<vmem>>
    tpu.wait_dma2 semaphore(%arg10 : memref<!tpu.dma_semaphore, #tpu.memory_space<semaphore_mem>>) src(%dma_wait3A_761 : memref<512xf32, #tpu.memory_space<vmem>>) dst(%dma_wait3A_759 : memref<512xf32, #tpu.memory_space<hbm>>)
    %dma_wait3A_762 = arith.constant 6 : i32
    %dma_wait3A_763 = arith.constant 3072 : i32
    %dma_wait3A_764 = tpu.memref_slice %arg6[%dma_wait3A_763] : memref<13312xf32, #tpu.memory_space<vmem>> -> memref<512xf32, #tpu.memory_space<vmem>>
    %dma_wait3A_765 = tpu.memref_slice %arg4[%dma_wait3A_762, %mul3A_2] : memref<26x16384xf32, #tpu.memory_space<hbm>> -> memref<1x512xf32, #tpu.memory_space<hbm>>
    %dma_wait3A_766 = tpu.memref_squeeze %dma_wait3A_765 : memref<1x512xf32, #tpu.memory_space<hbm>> -> memref<512xf32, #tpu.memory_space<hbm>>
    %dma_wait3A_767 = tpu.memref_slice %arg4[%dma_wait3A_762, %mul3A_2] : memref<26x16384xf32, #tpu.memory_space<hbm>> -> memref<1x512xf32, #tpu.memory_space<hbm>>
    %dma_wait3A_768 = tpu.memref_squeeze %dma_wait3A_767 : memref<1x512xf32, #tpu.memory_space<hbm>> -> memref<512xf32, #tpu.memory_space<hbm>>
    %dma_wait3A_769 = arith.constant 3072 : i32
    %dma_wait3A_770 = tpu.memref_slice %arg6[%dma_wait3A_769] : memref<13312xf32, #tpu.memory_space<vmem>> -> memref<512xf32, #tpu.memory_space<vmem>>
    tpu.wait_dma2 semaphore(%arg10 : memref<!tpu.dma_semaphore, #tpu.memory_space<semaphore_mem>>) src(%dma_wait3A_770 : memref<512xf32, #tpu.memory_space<vmem>>) dst(%dma_wait3A_768 : memref<512xf32, #tpu.memory_space<hbm>>)
    %dma_wait3A_771 = arith.constant 7 : i32
    %dma_wait3A_772 = arith.constant 3584 : i32
    %dma_wait3A_773 = tpu.memref_slice %arg6[%dma_wait3A_772] : memref<13312xf32, #tpu.memory_space<vmem>> -> memref<512xf32, #tpu.memory_space<vmem>>
    %dma_wait3A_774 = tpu.memref_slice %arg4[%dma_wait3A_771, %mul3A_2] : memref<26x16384xf32, #tpu.memory_space<hbm>> -> memref<1x512xf32, #tpu.memory_space<hbm>>
    %dma_wait3A_775 = tpu.memref_squeeze %dma_wait3A_774 : memref<1x512xf32, #tpu.memory_space<hbm>> -> memref<512xf32, #tpu.memory_space<hbm>>
    %dma_wait3A_776 = tpu.memref_slice %arg4[%dma_wait3A_771, %mul3A_2] : memref<26x16384xf32, #tpu.memory_space<hbm>> -> memref<1x512xf32, #tpu.memory_space<hbm>>
    %dma_wait3A_777 = tpu.memref_squeeze %dma_wait3A_776 : memref<1x512xf32, #tpu.memory_space<hbm>> -> memref<512xf32, #tpu.memory_space<hbm>>
    %dma_wait3A_778 = arith.constant 3584 : i32
    %dma_wait3A_779 = tpu.memref_slice %arg6[%dma_wait3A_778] : memref<13312xf32, #tpu.memory_space<vmem>> -> memref<512xf32, #tpu.memory_space<vmem>>
    tpu.wait_dma2 semaphore(%arg10 : memref<!tpu.dma_semaphore, #tpu.memory_space<semaphore_mem>>) src(%dma_wait3A_779 : memref<512xf32, #tpu.memory_space<vmem>>) dst(%dma_wait3A_777 : memref<512xf32, #tpu.memory_space<hbm>>)
    %dma_wait3A_780 = arith.constant 8 : i32
    %dma_wait3A_781 = arith.constant 4096 : i32
    %dma_wait3A_782 = tpu.memref_slice %arg6[%dma_wait3A_781] : memref<13312xf32, #tpu.memory_space<vmem>> -> memref<512xf32, #tpu.memory_space<vmem>>
    %dma_wait3A_783 = tpu.memref_slice %arg4[%dma_wait3A_780, %mul3A_2] : memref<26x16384xf32, #tpu.memory_space<hbm>> -> memref<1x512xf32, #tpu.memory_space<hbm>>
    %dma_wait3A_784 = tpu.memref_squeeze %dma_wait3A_783 : memref<1x512xf32, #tpu.memory_space<hbm>> -> memref<512xf32, #tpu.memory_space<hbm>>
    %dma_wait3A_785 = tpu.memref_slice %arg4[%dma_wait3A_780, %mul3A_2] : memref<26x16384xf32, #tpu.memory_space<hbm>> -> memref<1x512xf32, #tpu.memory_space<hbm>>
    %dma_wait3A_786 = tpu.memref_squeeze %dma_wait3A_785 : memref<1x512xf32, #tpu.memory_space<hbm>> -> memref<512xf32, #tpu.memory_space<hbm>>
    %dma_wait3A_787 = arith.constant 4096 : i32
    %dma_wait3A_788 = tpu.memref_slice %arg6[%dma_wait3A_787] : memref<13312xf32, #tpu.memory_space<vmem>> -> memref<512xf32, #tpu.memory_space<vmem>>
    tpu.wait_dma2 semaphore(%arg10 : memref<!tpu.dma_semaphore, #tpu.memory_space<semaphore_mem>>) src(%dma_wait3A_788 : memref<512xf32, #tpu.memory_space<vmem>>) dst(%dma_wait3A_786 : memref<512xf32, #tpu.memory_space<hbm>>)
    %dma_wait3A_789 = arith.constant 9 : i32
    %dma_wait3A_790 = arith.constant 4608 : i32
    %dma_wait3A_791 = tpu.memref_slice %arg6[%dma_wait3A_790] : memref<13312xf32, #tpu.memory_space<vmem>> -> memref<512xf32, #tpu.memory_space<vmem>>
    %dma_wait3A_792 = tpu.memref_slice %arg4[%dma_wait3A_789, %mul3A_2] : memref<26x16384xf32, #tpu.memory_space<hbm>> -> memref<1x512xf32, #tpu.memory_space<hbm>>
    %dma_wait3A_793 = tpu.memref_squeeze %dma_wait3A_792 : memref<1x512xf32, #tpu.memory_space<hbm>> -> memref<512xf32, #tpu.memory_space<hbm>>
    %dma_wait3A_794 = tpu.memref_slice %arg4[%dma_wait3A_789, %mul3A_2] : memref<26x16384xf32, #tpu.memory_space<hbm>> -> memref<1x512xf32, #tpu.memory_space<hbm>>
    %dma_wait3A_795 = tpu.memref_squeeze %dma_wait3A_794 : memref<1x512xf32, #tpu.memory_space<hbm>> -> memref<512xf32, #tpu.memory_space<hbm>>
    %dma_wait3A_796 = arith.constant 4608 : i32
    %dma_wait3A_797 = tpu.memref_slice %arg6[%dma_wait3A_796] : memref<13312xf32, #tpu.memory_space<vmem>> -> memref<512xf32, #tpu.memory_space<vmem>>
    tpu.wait_dma2 semaphore(%arg10 : memref<!tpu.dma_semaphore, #tpu.memory_space<semaphore_mem>>) src(%dma_wait3A_797 : memref<512xf32, #tpu.memory_space<vmem>>) dst(%dma_wait3A_795 : memref<512xf32, #tpu.memory_space<hbm>>)
    %dma_wait3A_798 = arith.constant 10 : i32
    %dma_wait3A_799 = arith.constant 5120 : i32
    %dma_wait3A_800 = tpu.memref_slice %arg6[%dma_wait3A_799] : memref<13312xf32, #tpu.memory_space<vmem>> -> memref<512xf32, #tpu.memory_space<vmem>>
    %dma_wait3A_801 = tpu.memref_slice %arg4[%dma_wait3A_798, %mul3A_2] : memref<26x16384xf32, #tpu.memory_space<hbm>> -> memref<1x512xf32, #tpu.memory_space<hbm>>
    %dma_wait3A_802 = tpu.memref_squeeze %dma_wait3A_801 : memref<1x512xf32, #tpu.memory_space<hbm>> -> memref<512xf32, #tpu.memory_space<hbm>>
    %dma_wait3A_803 = tpu.memref_slice %arg4[%dma_wait3A_798, %mul3A_2] : memref<26x16384xf32, #tpu.memory_space<hbm>> -> memref<1x512xf32, #tpu.memory_space<hbm>>
    %dma_wait3A_804 = tpu.memref_squeeze %dma_wait3A_803 : memref<1x512xf32, #tpu.memory_space<hbm>> -> memref<512xf32, #tpu.memory_space<hbm>>
    %dma_wait3A_805 = arith.constant 5120 : i32
    %dma_wait3A_806 = tpu.memref_slice %arg6[%dma_wait3A_805] : memref<13312xf32, #tpu.memory_space<vmem>> -> memref<512xf32, #tpu.memory_space<vmem>>
    tpu.wait_dma2 semaphore(%arg10 : memref<!tpu.dma_semaphore, #tpu.memory_space<semaphore_mem>>) src(%dma_wait3A_806 : memref<512xf32, #tpu.memory_space<vmem>>) dst(%dma_wait3A_804 : memref<512xf32, #tpu.memory_space<hbm>>)
    %dma_wait3A_807 = arith.constant 11 : i32
    %dma_wait3A_808 = arith.constant 5632 : i32
    %dma_wait3A_809 = tpu.memref_slice %arg6[%dma_wait3A_808] : memref<13312xf32, #tpu.memory_space<vmem>> -> memref<512xf32, #tpu.memory_space<vmem>>
    %dma_wait3A_810 = tpu.memref_slice %arg4[%dma_wait3A_807, %mul3A_2] : memref<26x16384xf32, #tpu.memory_space<hbm>> -> memref<1x512xf32, #tpu.memory_space<hbm>>
    %dma_wait3A_811 = tpu.memref_squeeze %dma_wait3A_810 : memref<1x512xf32, #tpu.memory_space<hbm>> -> memref<512xf32, #tpu.memory_space<hbm>>
    %dma_wait3A_812 = tpu.memref_slice %arg4[%dma_wait3A_807, %mul3A_2] : memref<26x16384xf32, #tpu.memory_space<hbm>> -> memref<1x512xf32, #tpu.memory_space<hbm>>
    %dma_wait3A_813 = tpu.memref_squeeze %dma_wait3A_812 : memref<1x512xf32, #tpu.memory_space<hbm>> -> memref<512xf32, #tpu.memory_space<hbm>>
    %dma_wait3A_814 = arith.constant 5632 : i32
    %dma_wait3A_815 = tpu.memref_slice %arg6[%dma_wait3A_814] : memref<13312xf32, #tpu.memory_space<vmem>> -> memref<512xf32, #tpu.memory_space<vmem>>
    tpu.wait_dma2 semaphore(%arg10 : memref<!tpu.dma_semaphore, #tpu.memory_space<semaphore_mem>>) src(%dma_wait3A_815 : memref<512xf32, #tpu.memory_space<vmem>>) dst(%dma_wait3A_813 : memref<512xf32, #tpu.memory_space<hbm>>)
    %dma_wait3A_816 = arith.constant 12 : i32
    %dma_wait3A_817 = arith.constant 6144 : i32
    %dma_wait3A_818 = tpu.memref_slice %arg6[%dma_wait3A_817] : memref<13312xf32, #tpu.memory_space<vmem>> -> memref<512xf32, #tpu.memory_space<vmem>>
    %dma_wait3A_819 = tpu.memref_slice %arg4[%dma_wait3A_816, %mul3A_2] : memref<26x16384xf32, #tpu.memory_space<hbm>> -> memref<1x512xf32, #tpu.memory_space<hbm>>
    %dma_wait3A_820 = tpu.memref_squeeze %dma_wait3A_819 : memref<1x512xf32, #tpu.memory_space<hbm>> -> memref<512xf32, #tpu.memory_space<hbm>>
    %dma_wait3A_821 = tpu.memref_slice %arg4[%dma_wait3A_816, %mul3A_2] : memref<26x16384xf32, #tpu.memory_space<hbm>> -> memref<1x512xf32, #tpu.memory_space<hbm>>
    %dma_wait3A_822 = tpu.memref_squeeze %dma_wait3A_821 : memref<1x512xf32, #tpu.memory_space<hbm>> -> memref<512xf32, #tpu.memory_space<hbm>>
    %dma_wait3A_823 = arith.constant 6144 : i32
    %dma_wait3A_824 = tpu.memref_slice %arg6[%dma_wait3A_823] : memref<13312xf32, #tpu.memory_space<vmem>> -> memref<512xf32, #tpu.memory_space<vmem>>
    tpu.wait_dma2 semaphore(%arg10 : memref<!tpu.dma_semaphore, #tpu.memory_space<semaphore_mem>>) src(%dma_wait3A_824 : memref<512xf32, #tpu.memory_space<vmem>>) dst(%dma_wait3A_822 : memref<512xf32, #tpu.memory_space<hbm>>)
    %dma_wait3A_825 = arith.constant 13 : i32
    %dma_wait3A_826 = arith.constant 6656 : i32
    %dma_wait3A_827 = tpu.memref_slice %arg6[%dma_wait3A_826] : memref<13312xf32, #tpu.memory_space<vmem>> -> memref<512xf32, #tpu.memory_space<vmem>>
    %dma_wait3A_828 = tpu.memref_slice %arg4[%dma_wait3A_825, %mul3A_2] : memref<26x16384xf32, #tpu.memory_space<hbm>> -> memref<1x512xf32, #tpu.memory_space<hbm>>
    %dma_wait3A_829 = tpu.memref_squeeze %dma_wait3A_828 : memref<1x512xf32, #tpu.memory_space<hbm>> -> memref<512xf32, #tpu.memory_space<hbm>>
    %dma_wait3A_830 = tpu.memref_slice %arg4[%dma_wait3A_825, %mul3A_2] : memref<26x16384xf32, #tpu.memory_space<hbm>> -> memref<1x512xf32, #tpu.memory_space<hbm>>
    %dma_wait3A_831 = tpu.memref_squeeze %dma_wait3A_830 : memref<1x512xf32, #tpu.memory_space<hbm>> -> memref<512xf32, #tpu.memory_space<hbm>>
    %dma_wait3A_832 = arith.constant 6656 : i32
    %dma_wait3A_833 = tpu.memref_slice %arg6[%dma_wait3A_832] : memref<13312xf32, #tpu.memory_space<vmem>> -> memref<512xf32, #tpu.memory_space<vmem>>
    tpu.wait_dma2 semaphore(%arg10 : memref<!tpu.dma_semaphore, #tpu.memory_space<semaphore_mem>>) src(%dma_wait3A_833 : memref<512xf32, #tpu.memory_space<vmem>>) dst(%dma_wait3A_831 : memref<512xf32, #tpu.memory_space<hbm>>)
    %dma_wait3A_834 = arith.constant 14 : i32
    %dma_wait3A_835 = arith.constant 7168 : i32
    %dma_wait3A_836 = tpu.memref_slice %arg6[%dma_wait3A_835] : memref<13312xf32, #tpu.memory_space<vmem>> -> memref<512xf32, #tpu.memory_space<vmem>>
    %dma_wait3A_837 = tpu.memref_slice %arg4[%dma_wait3A_834, %mul3A_2] : memref<26x16384xf32, #tpu.memory_space<hbm>> -> memref<1x512xf32, #tpu.memory_space<hbm>>
    %dma_wait3A_838 = tpu.memref_squeeze %dma_wait3A_837 : memref<1x512xf32, #tpu.memory_space<hbm>> -> memref<512xf32, #tpu.memory_space<hbm>>
    %dma_wait3A_839 = tpu.memref_slice %arg4[%dma_wait3A_834, %mul3A_2] : memref<26x16384xf32, #tpu.memory_space<hbm>> -> memref<1x512xf32, #tpu.memory_space<hbm>>
    %dma_wait3A_840 = tpu.memref_squeeze %dma_wait3A_839 : memref<1x512xf32, #tpu.memory_space<hbm>> -> memref<512xf32, #tpu.memory_space<hbm>>
    %dma_wait3A_841 = arith.constant 7168 : i32
    %dma_wait3A_842 = tpu.memref_slice %arg6[%dma_wait3A_841] : memref<13312xf32, #tpu.memory_space<vmem>> -> memref<512xf32, #tpu.memory_space<vmem>>
    tpu.wait_dma2 semaphore(%arg10 : memref<!tpu.dma_semaphore, #tpu.memory_space<semaphore_mem>>) src(%dma_wait3A_842 : memref<512xf32, #tpu.memory_space<vmem>>) dst(%dma_wait3A_840 : memref<512xf32, #tpu.memory_space<hbm>>)
    %dma_wait3A_843 = arith.constant 15 : i32
    %dma_wait3A_844 = arith.constant 7680 : i32
    %dma_wait3A_845 = tpu.memref_slice %arg6[%dma_wait3A_844] : memref<13312xf32, #tpu.memory_space<vmem>> -> memref<512xf32, #tpu.memory_space<vmem>>
    %dma_wait3A_846 = tpu.memref_slice %arg4[%dma_wait3A_843, %mul3A_2] : memref<26x16384xf32, #tpu.memory_space<hbm>> -> memref<1x512xf32, #tpu.memory_space<hbm>>
    %dma_wait3A_847 = tpu.memref_squeeze %dma_wait3A_846 : memref<1x512xf32, #tpu.memory_space<hbm>> -> memref<512xf32, #tpu.memory_space<hbm>>
    %dma_wait3A_848 = tpu.memref_slice %arg4[%dma_wait3A_843, %mul3A_2] : memref<26x16384xf32, #tpu.memory_space<hbm>> -> memref<1x512xf32, #tpu.memory_space<hbm>>
    %dma_wait3A_849 = tpu.memref_squeeze %dma_wait3A_848 : memref<1x512xf32, #tpu.memory_space<hbm>> -> memref<512xf32, #tpu.memory_space<hbm>>
    %dma_wait3A_850 = arith.constant 7680 : i32
    %dma_wait3A_851 = tpu.memref_slice %arg6[%dma_wait3A_850] : memref<13312xf32, #tpu.memory_space<vmem>> -> memref<512xf32, #tpu.memory_space<vmem>>
    tpu.wait_dma2 semaphore(%arg10 : memref<!tpu.dma_semaphore, #tpu.memory_space<semaphore_mem>>) src(%dma_wait3A_851 : memref<512xf32, #tpu.memory_space<vmem>>) dst(%dma_wait3A_849 : memref<512xf32, #tpu.memory_space<hbm>>)
    %dma_wait3A_852 = arith.constant 16 : i32
    %dma_wait3A_853 = arith.constant 8192 : i32
    %dma_wait3A_854 = tpu.memref_slice %arg6[%dma_wait3A_853] : memref<13312xf32, #tpu.memory_space<vmem>> -> memref<512xf32, #tpu.memory_space<vmem>>
    %dma_wait3A_855 = tpu.memref_slice %arg4[%dma_wait3A_852, %mul3A_2] : memref<26x16384xf32, #tpu.memory_space<hbm>> -> memref<1x512xf32, #tpu.memory_space<hbm>>
    %dma_wait3A_856 = tpu.memref_squeeze %dma_wait3A_855 : memref<1x512xf32, #tpu.memory_space<hbm>> -> memref<512xf32, #tpu.memory_space<hbm>>
    %dma_wait3A_857 = tpu.memref_slice %arg4[%dma_wait3A_852, %mul3A_2] : memref<26x16384xf32, #tpu.memory_space<hbm>> -> memref<1x512xf32, #tpu.memory_space<hbm>>
    %dma_wait3A_858 = tpu.memref_squeeze %dma_wait3A_857 : memref<1x512xf32, #tpu.memory_space<hbm>> -> memref<512xf32, #tpu.memory_space<hbm>>
    %dma_wait3A_859 = arith.constant 8192 : i32
    %dma_wait3A_860 = tpu.memref_slice %arg6[%dma_wait3A_859] : memref<13312xf32, #tpu.memory_space<vmem>> -> memref<512xf32, #tpu.memory_space<vmem>>
    tpu.wait_dma2 semaphore(%arg10 : memref<!tpu.dma_semaphore, #tpu.memory_space<semaphore_mem>>) src(%dma_wait3A_860 : memref<512xf32, #tpu.memory_space<vmem>>) dst(%dma_wait3A_858 : memref<512xf32, #tpu.memory_space<hbm>>)
    %dma_wait3A_861 = arith.constant 17 : i32
    %dma_wait3A_862 = arith.constant 8704 : i32
    %dma_wait3A_863 = tpu.memref_slice %arg6[%dma_wait3A_862] : memref<13312xf32, #tpu.memory_space<vmem>> -> memref<512xf32, #tpu.memory_space<vmem>>
    %dma_wait3A_864 = tpu.memref_slice %arg4[%dma_wait3A_861, %mul3A_2] : memref<26x16384xf32, #tpu.memory_space<hbm>> -> memref<1x512xf32, #tpu.memory_space<hbm>>
    %dma_wait3A_865 = tpu.memref_squeeze %dma_wait3A_864 : memref<1x512xf32, #tpu.memory_space<hbm>> -> memref<512xf32, #tpu.memory_space<hbm>>
    %dma_wait3A_866 = tpu.memref_slice %arg4[%dma_wait3A_861, %mul3A_2] : memref<26x16384xf32, #tpu.memory_space<hbm>> -> memref<1x512xf32, #tpu.memory_space<hbm>>
    %dma_wait3A_867 = tpu.memref_squeeze %dma_wait3A_866 : memref<1x512xf32, #tpu.memory_space<hbm>> -> memref<512xf32, #tpu.memory_space<hbm>>
    %dma_wait3A_868 = arith.constant 8704 : i32
    %dma_wait3A_869 = tpu.memref_slice %arg6[%dma_wait3A_868] : memref<13312xf32, #tpu.memory_space<vmem>> -> memref<512xf32, #tpu.memory_space<vmem>>
    tpu.wait_dma2 semaphore(%arg10 : memref<!tpu.dma_semaphore, #tpu.memory_space<semaphore_mem>>) src(%dma_wait3A_869 : memref<512xf32, #tpu.memory_space<vmem>>) dst(%dma_wait3A_867 : memref<512xf32, #tpu.memory_space<hbm>>)
    %dma_wait3A_870 = arith.constant 18 : i32
    %dma_wait3A_871 = arith.constant 9216 : i32
    %dma_wait3A_872 = tpu.memref_slice %arg6[%dma_wait3A_871] : memref<13312xf32, #tpu.memory_space<vmem>> -> memref<512xf32, #tpu.memory_space<vmem>>
    %dma_wait3A_873 = tpu.memref_slice %arg4[%dma_wait3A_870, %mul3A_2] : memref<26x16384xf32, #tpu.memory_space<hbm>> -> memref<1x512xf32, #tpu.memory_space<hbm>>
    %dma_wait3A_874 = tpu.memref_squeeze %dma_wait3A_873 : memref<1x512xf32, #tpu.memory_space<hbm>> -> memref<512xf32, #tpu.memory_space<hbm>>
    %dma_wait3A_875 = tpu.memref_slice %arg4[%dma_wait3A_870, %mul3A_2] : memref<26x16384xf32, #tpu.memory_space<hbm>> -> memref<1x512xf32, #tpu.memory_space<hbm>>
    %dma_wait3A_876 = tpu.memref_squeeze %dma_wait3A_875 : memref<1x512xf32, #tpu.memory_space<hbm>> -> memref<512xf32, #tpu.memory_space<hbm>>
    %dma_wait3A_877 = arith.constant 9216 : i32
    %dma_wait3A_878 = tpu.memref_slice %arg6[%dma_wait3A_877] : memref<13312xf32, #tpu.memory_space<vmem>> -> memref<512xf32, #tpu.memory_space<vmem>>
    tpu.wait_dma2 semaphore(%arg10 : memref<!tpu.dma_semaphore, #tpu.memory_space<semaphore_mem>>) src(%dma_wait3A_878 : memref<512xf32, #tpu.memory_space<vmem>>) dst(%dma_wait3A_876 : memref<512xf32, #tpu.memory_space<hbm>>)
    %dma_wait3A_879 = arith.constant 19 : i32
    %dma_wait3A_880 = arith.constant 9728 : i32
    %dma_wait3A_881 = tpu.memref_slice %arg6[%dma_wait3A_880] : memref<13312xf32, #tpu.memory_space<vmem>> -> memref<512xf32, #tpu.memory_space<vmem>>
    %dma_wait3A_882 = tpu.memref_slice %arg4[%dma_wait3A_879, %mul3A_2] : memref<26x16384xf32, #tpu.memory_space<hbm>> -> memref<1x512xf32, #tpu.memory_space<hbm>>
    %dma_wait3A_883 = tpu.memref_squeeze %dma_wait3A_882 : memref<1x512xf32, #tpu.memory_space<hbm>> -> memref<512xf32, #tpu.memory_space<hbm>>
    %dma_wait3A_884 = tpu.memref_slice %arg4[%dma_wait3A_879, %mul3A_2] : memref<26x16384xf32, #tpu.memory_space<hbm>> -> memref<1x512xf32, #tpu.memory_space<hbm>>
    %dma_wait3A_885 = tpu.memref_squeeze %dma_wait3A_884 : memref<1x512xf32, #tpu.memory_space<hbm>> -> memref<512xf32, #tpu.memory_space<hbm>>
    %dma_wait3A_886 = arith.constant 9728 : i32
    %dma_wait3A_887 = tpu.memref_slice %arg6[%dma_wait3A_886] : memref<13312xf32, #tpu.memory_space<vmem>> -> memref<512xf32, #tpu.memory_space<vmem>>
    tpu.wait_dma2 semaphore(%arg10 : memref<!tpu.dma_semaphore, #tpu.memory_space<semaphore_mem>>) src(%dma_wait3A_887 : memref<512xf32, #tpu.memory_space<vmem>>) dst(%dma_wait3A_885 : memref<512xf32, #tpu.memory_space<hbm>>)
    %dma_wait3A_888 = arith.constant 20 : i32
    %dma_wait3A_889 = arith.constant 10240 : i32
    %dma_wait3A_890 = tpu.memref_slice %arg6[%dma_wait3A_889] : memref<13312xf32, #tpu.memory_space<vmem>> -> memref<512xf32, #tpu.memory_space<vmem>>
    %dma_wait3A_891 = tpu.memref_slice %arg4[%dma_wait3A_888, %mul3A_2] : memref<26x16384xf32, #tpu.memory_space<hbm>> -> memref<1x512xf32, #tpu.memory_space<hbm>>
    %dma_wait3A_892 = tpu.memref_squeeze %dma_wait3A_891 : memref<1x512xf32, #tpu.memory_space<hbm>> -> memref<512xf32, #tpu.memory_space<hbm>>
    %dma_wait3A_893 = tpu.memref_slice %arg4[%dma_wait3A_888, %mul3A_2] : memref<26x16384xf32, #tpu.memory_space<hbm>> -> memref<1x512xf32, #tpu.memory_space<hbm>>
    %dma_wait3A_894 = tpu.memref_squeeze %dma_wait3A_893 : memref<1x512xf32, #tpu.memory_space<hbm>> -> memref<512xf32, #tpu.memory_space<hbm>>
    %dma_wait3A_895 = arith.constant 10240 : i32
    %dma_wait3A_896 = tpu.memref_slice %arg6[%dma_wait3A_895] : memref<13312xf32, #tpu.memory_space<vmem>> -> memref<512xf32, #tpu.memory_space<vmem>>
    tpu.wait_dma2 semaphore(%arg10 : memref<!tpu.dma_semaphore, #tpu.memory_space<semaphore_mem>>) src(%dma_wait3A_896 : memref<512xf32, #tpu.memory_space<vmem>>) dst(%dma_wait3A_894 : memref<512xf32, #tpu.memory_space<hbm>>)
    %dma_wait3A_897 = arith.constant 21 : i32
    %dma_wait3A_898 = arith.constant 10752 : i32
    %dma_wait3A_899 = tpu.memref_slice %arg6[%dma_wait3A_898] : memref<13312xf32, #tpu.memory_space<vmem>> -> memref<512xf32, #tpu.memory_space<vmem>>
    %dma_wait3A_900 = tpu.memref_slice %arg4[%dma_wait3A_897, %mul3A_2] : memref<26x16384xf32, #tpu.memory_space<hbm>> -> memref<1x512xf32, #tpu.memory_space<hbm>>
    %dma_wait3A_901 = tpu.memref_squeeze %dma_wait3A_900 : memref<1x512xf32, #tpu.memory_space<hbm>> -> memref<512xf32, #tpu.memory_space<hbm>>
    %dma_wait3A_902 = tpu.memref_slice %arg4[%dma_wait3A_897, %mul3A_2] : memref<26x16384xf32, #tpu.memory_space<hbm>> -> memref<1x512xf32, #tpu.memory_space<hbm>>
    %dma_wait3A_903 = tpu.memref_squeeze %dma_wait3A_902 : memref<1x512xf32, #tpu.memory_space<hbm>> -> memref<512xf32, #tpu.memory_space<hbm>>
    %dma_wait3A_904 = arith.constant 10752 : i32
    %dma_wait3A_905 = tpu.memref_slice %arg6[%dma_wait3A_904] : memref<13312xf32, #tpu.memory_space<vmem>> -> memref<512xf32, #tpu.memory_space<vmem>>
    tpu.wait_dma2 semaphore(%arg10 : memref<!tpu.dma_semaphore, #tpu.memory_space<semaphore_mem>>) src(%dma_wait3A_905 : memref<512xf32, #tpu.memory_space<vmem>>) dst(%dma_wait3A_903 : memref<512xf32, #tpu.memory_space<hbm>>)
    %dma_wait3A_906 = arith.constant 22 : i32
    %dma_wait3A_907 = arith.constant 11264 : i32
    %dma_wait3A_908 = tpu.memref_slice %arg6[%dma_wait3A_907] : memref<13312xf32, #tpu.memory_space<vmem>> -> memref<512xf32, #tpu.memory_space<vmem>>
    %dma_wait3A_909 = tpu.memref_slice %arg4[%dma_wait3A_906, %mul3A_2] : memref<26x16384xf32, #tpu.memory_space<hbm>> -> memref<1x512xf32, #tpu.memory_space<hbm>>
    %dma_wait3A_910 = tpu.memref_squeeze %dma_wait3A_909 : memref<1x512xf32, #tpu.memory_space<hbm>> -> memref<512xf32, #tpu.memory_space<hbm>>
    %dma_wait3A_911 = tpu.memref_slice %arg4[%dma_wait3A_906, %mul3A_2] : memref<26x16384xf32, #tpu.memory_space<hbm>> -> memref<1x512xf32, #tpu.memory_space<hbm>>
    %dma_wait3A_912 = tpu.memref_squeeze %dma_wait3A_911 : memref<1x512xf32, #tpu.memory_space<hbm>> -> memref<512xf32, #tpu.memory_space<hbm>>
    %dma_wait3A_913 = arith.constant 11264 : i32
    %dma_wait3A_914 = tpu.memref_slice %arg6[%dma_wait3A_913] : memref<13312xf32, #tpu.memory_space<vmem>> -> memref<512xf32, #tpu.memory_space<vmem>>
    tpu.wait_dma2 semaphore(%arg10 : memref<!tpu.dma_semaphore, #tpu.memory_space<semaphore_mem>>) src(%dma_wait3A_914 : memref<512xf32, #tpu.memory_space<vmem>>) dst(%dma_wait3A_912 : memref<512xf32, #tpu.memory_space<hbm>>)
    %dma_wait3A_915 = arith.constant 23 : i32
    %dma_wait3A_916 = arith.constant 11776 : i32
    %dma_wait3A_917 = tpu.memref_slice %arg6[%dma_wait3A_916] : memref<13312xf32, #tpu.memory_space<vmem>> -> memref<512xf32, #tpu.memory_space<vmem>>
    %dma_wait3A_918 = tpu.memref_slice %arg4[%dma_wait3A_915, %mul3A_2] : memref<26x16384xf32, #tpu.memory_space<hbm>> -> memref<1x512xf32, #tpu.memory_space<hbm>>
    %dma_wait3A_919 = tpu.memref_squeeze %dma_wait3A_918 : memref<1x512xf32, #tpu.memory_space<hbm>> -> memref<512xf32, #tpu.memory_space<hbm>>
    %dma_wait3A_920 = tpu.memref_slice %arg4[%dma_wait3A_915, %mul3A_2] : memref<26x16384xf32, #tpu.memory_space<hbm>> -> memref<1x512xf32, #tpu.memory_space<hbm>>
    %dma_wait3A_921 = tpu.memref_squeeze %dma_wait3A_920 : memref<1x512xf32, #tpu.memory_space<hbm>> -> memref<512xf32, #tpu.memory_space<hbm>>
    %dma_wait3A_922 = arith.constant 11776 : i32
    %dma_wait3A_923 = tpu.memref_slice %arg6[%dma_wait3A_922] : memref<13312xf32, #tpu.memory_space<vmem>> -> memref<512xf32, #tpu.memory_space<vmem>>
    tpu.wait_dma2 semaphore(%arg10 : memref<!tpu.dma_semaphore, #tpu.memory_space<semaphore_mem>>) src(%dma_wait3A_923 : memref<512xf32, #tpu.memory_space<vmem>>) dst(%dma_wait3A_921 : memref<512xf32, #tpu.memory_space<hbm>>)
    %dma_wait3A_924 = arith.constant 24 : i32
    %dma_wait3A_925 = arith.constant 12288 : i32
    %dma_wait3A_926 = tpu.memref_slice %arg6[%dma_wait3A_925] : memref<13312xf32, #tpu.memory_space<vmem>> -> memref<512xf32, #tpu.memory_space<vmem>>
    %dma_wait3A_927 = tpu.memref_slice %arg4[%dma_wait3A_924, %mul3A_2] : memref<26x16384xf32, #tpu.memory_space<hbm>> -> memref<1x512xf32, #tpu.memory_space<hbm>>
    %dma_wait3A_928 = tpu.memref_squeeze %dma_wait3A_927 : memref<1x512xf32, #tpu.memory_space<hbm>> -> memref<512xf32, #tpu.memory_space<hbm>>
    %dma_wait3A_929 = tpu.memref_slice %arg4[%dma_wait3A_924, %mul3A_2] : memref<26x16384xf32, #tpu.memory_space<hbm>> -> memref<1x512xf32, #tpu.memory_space<hbm>>
    %dma_wait3A_930 = tpu.memref_squeeze %dma_wait3A_929 : memref<1x512xf32, #tpu.memory_space<hbm>> -> memref<512xf32, #tpu.memory_space<hbm>>
    %dma_wait3A_931 = arith.constant 12288 : i32
    %dma_wait3A_932 = tpu.memref_slice %arg6[%dma_wait3A_931] : memref<13312xf32, #tpu.memory_space<vmem>> -> memref<512xf32, #tpu.memory_space<vmem>>
    tpu.wait_dma2 semaphore(%arg10 : memref<!tpu.dma_semaphore, #tpu.memory_space<semaphore_mem>>) src(%dma_wait3A_932 : memref<512xf32, #tpu.memory_space<vmem>>) dst(%dma_wait3A_930 : memref<512xf32, #tpu.memory_space<hbm>>)
    %dma_wait3A_933 = arith.constant 25 : i32
    %dma_wait3A_934 = arith.constant 12800 : i32
    %dma_wait3A_935 = tpu.memref_slice %arg6[%dma_wait3A_934] : memref<13312xf32, #tpu.memory_space<vmem>> -> memref<512xf32, #tpu.memory_space<vmem>>
    %dma_wait3A_936 = tpu.memref_slice %arg4[%dma_wait3A_933, %mul3A_2] : memref<26x16384xf32, #tpu.memory_space<hbm>> -> memref<1x512xf32, #tpu.memory_space<hbm>>
    %dma_wait3A_937 = tpu.memref_squeeze %dma_wait3A_936 : memref<1x512xf32, #tpu.memory_space<hbm>> -> memref<512xf32, #tpu.memory_space<hbm>>
    %dma_wait3A_938 = tpu.memref_slice %arg4[%dma_wait3A_933, %mul3A_2] : memref<26x16384xf32, #tpu.memory_space<hbm>> -> memref<1x512xf32, #tpu.memory_space<hbm>>
    %dma_wait3A_939 = tpu.memref_squeeze %dma_wait3A_938 : memref<1x512xf32, #tpu.memory_space<hbm>> -> memref<512xf32, #tpu.memory_space<hbm>>
    %dma_wait3A_940 = arith.constant 12800 : i32
    %dma_wait3A_941 = tpu.memref_slice %arg6[%dma_wait3A_940] : memref<13312xf32, #tpu.memory_space<vmem>> -> memref<512xf32, #tpu.memory_space<vmem>>
    tpu.wait_dma2 semaphore(%arg10 : memref<!tpu.dma_semaphore, #tpu.memory_space<semaphore_mem>>) src(%dma_wait3A_941 : memref<512xf32, #tpu.memory_space<vmem>>) dst(%dma_wait3A_939 : memref<512xf32, #tpu.memory_space<hbm>>)
    return
  }
}

</mosaic_0001>

<sc_bundles>
// kernel: kernel.3.cloned.1.call-start
scs
__scs_entry_jumppad:
0x0: {  	(pc) =	sbr.rel $0x88, $3  }
0x1: {  	(tag) =	ssettag $0x0;
	lr =	simm.s32 $0x1  }
0x2: {  	[smem:$0x3F9D] =	sst lr;
	_ =	strace $0xD0000000  }
0x3: {  	_ = 	snop  }
0x4: {  	_ = 	snop  }
0x5: {  	_ = 	snop  }
0x6: {  	_ = 	snop  }
0x7: {  	_ = 	snop  }
__scs_overlays_trampoline_lowered:
0x8: {  	[smem:$0x3FAC] =	sst s0  }
0x9: {  	[smem:$0x3FAD] =	sst s1  }
0xa: {  	[smem:$0x3FAE] =	sst s2  }
0xb: {  	[smem:$0x3FAF] =	sst s3  }
0xc: {  	[smem:$0x3FB0] =	sst s4  }
0xd: {  	[smem:$0x3FB1] =	sst s5  }
0xe: {  	[smem:$0x3FB2] =	sst s6  }
0xf: {  	[smem:$0x3FB3] =	sst s7  }
0x10: {  	[smem:$0x3FB4] =	sst s8  }
0x11: {  	[smem:$0x3FB5] =	sst s9;
	s0 =	simm.s32 @!p0 $0x0  }
0x12: {  	s1 =	sld [smem:$0x3F9B];
	s0 =	simm.s32 @p0 $0x1  }
0x13: {  	[smem:$0x3FB6] =	sst s0;
	s0 =	simm.s32 @!p1 $0x0  }
0x14: {  	s2 =	sld [smem:$0x3F9A];
	s0 =	simm.s32 @p1 $0x1  }
0x15: {  	[smem:$0x3FB7] =	sst s0;
	s0 =	simm.s32 @!p2 $0x0  }
0x16: {  	s3 =	sld [smem:$0x3FDB];
	s0 =	simm.s32 @p2 $0x1  }
0x17: {  	s4 =	simm.s32 $0x1BF5;
	[smem:$0x3FB9] =	sst s0  }
0x18: {  	s0 =	sld [smem:$0x3F9C];
	_ =	swait.ge [sflag:s4], $0x0  }
0x19: {  	s7 =	sld [smem:$0x3F9D]  }
0x1a: {  	s8 =	sadd.s32 $0xFFFFE003, lr  }
0x1b: {  	s9 =	sadd.s32 $0xFFFFFEF7, lr;
	s5 =	simm.s32 $0xFFFFFFFF;
	p2 =	slt.u32 s8, $0xFFFFF086  }
0x1c: {  	p1 =	slt.u32 s9, $0xF7A;
	s5 =	simm.s32 @!p2 $0x0  }
0x1d: {  	s5 =	simm.s32 @p1 $0x1;
	p0 =	seq.s32 s7, s2  }
0x1e: {  	s7 =	smul.u32 @!p0 $0xF7A, s2;
	p2 =	seq.s32 @!p0 s5, $0x0  }
0x1f: {  	s9 =	smul.u32 $0xF7A, s1;
	s8 =	simm.s32 @!p0 $0x1BF5;
	p2 =	por !p2, p0  }
0x20: {  	[sflag:s8] =	ssyncset.s32 @!p0 $0xFFFFF086;
	s6 =	sadd.s32 @!p0 s3, s7;
	s7 =	simm.s32 @!p0 $0x108  }
0x21: {  	s3 =	sadd.s32 s3, s9;
	s6 =	sadd.s32 @!p0 $0x88, s6;
	s7 =	simm.s32 @p2 $0x1082  }
0x22: {  	[simem:s7], [sflag:s8] =	dma.local @!p0 [hbm:s6], $0xF7A  }
0x23: {  	s9 =	sor.u32 $0xD0000000, s2;
	s6 =	simm.s32 $0x108;
	_ =	swait.ge @!p0 [sflag:s8], $0x0  }
0x24: {  	s3 =	sadd.s32 $0x88, s3;
	s6 =	simm.s32 @!p1 $0x1082;
	[sflag:s4] =	ssyncset.s32 $0xFFFFF086  }
0x25: {  	[simem:s6], [sflag:s4] =	dma.local [hbm:s3], $0xF7A  }
0x26: {  	[smem:$0x3F9D] =	sst s1;
	(tag) =	ssettag s2;
	_ =	strace s9  }
0x27: {  	s1 =	sld [smem:$0x3FAD]  }
0x28: {  	s2 =	sld [smem:$0x3FAE]  }
0x29: {  	s4 =	sld [smem:$0x3FB0]  }
0x2a: {  	p0 =	seq.s32 s5, $0x0;
	s5 =	sld [smem:$0x3FB1]  }
0x2b: {  	s6 =	sld [smem:$0x3FB2]  }
0x2c: {  	s7 =	sld [smem:$0x3FB3]  }
0x2d: {  	s3 =	simm.s32 $0x108;
	s8 =	sld [smem:$0x3FB4]  }
0x2e: {  	s3 =	simm.s32 @!p0 $0x1082;
	s9 =	sld [smem:$0x3FB5]  }
0x2f: {  	lr =	sadd.s32 s0, s3;
	s0 =	sld [smem:$0x3FAC]  }
0x30: {  	s3 =	sld [smem:$0x3FAF]  }
0x31: {  	[smem:$0x3FB8] =	sst s10  }
0x32: {  	s10 =	sld [smem:$0x3FB6];
	_ =	sdelay $0x3  }
0x33: {  	p0 =	seq.s32 s10, $0x1;
	s10 =	sld [smem:$0x3FB8];
	_ =	sdelay $0x3  }
0x34: {  	[smem:$0x3FB8] =	sst s10  }
0x35: {  	s10 =	sld [smem:$0x3FB7];
	_ =	sdelay $0x3  }
0x36: {  	p1 =	seq.s32 s10, $0x1;
	s10 =	sld [smem:$0x3FB8];
	_ =	sdelay $0x3  }
0x37: {  	[smem:$0x3FB8] =	sst s10  }
0x38: {  	s10 =	sld [smem:$0x3FB9]  }
0x39: {  	_ = 	snop;
	(pc) =	sbr.ind lr, $3  }
0x3a: {  	_ = 	snop  }
0x3b: {  	_ = 	snop  }
0x3c: {  	p2 =	seq.s32 s10, $0x1;
	s10 =	sld [smem:$0x3FB8]  }
0x3d: {  	_ =	shalt  }
0x3e: {  	_ =	shalt  }
0x3f: {  	_ =	shalt  }
0x40: {  	_ =	shalt  }
0x41: {  	_ =	shalt  }
0x42: {  	_ =	shalt  }
0x43: {  	_ =	shalt  }
0x44: {  	_ =	shalt  }
0x45: {  	_ =	shalt  }
0x46: {  	_ =	shalt  }
0x47: {  	_ =	shalt  }
0x48: {  	_ =	shalt  }
0x49: {  	_ =	shalt  }
0x4a: {  	_ =	shalt  }
0x4b: {  	_ =	shalt  }
0x4c: {  	_ =	shalt  }
0x4d: {  	_ =	shalt  }
0x4e: {  	_ =	shalt  }
0x4f: {  	_ =	shalt  }
0x50: {  	_ =	shalt  }
0x51: {  	_ =	shalt  }
0x52: {  	_ =	shalt  }
0x53: {  	_ =	shalt  }
0x54: {  	_ =	shalt  }
0x55: {  	_ =	shalt  }
0x56: {  	_ =	shalt  }
0x57: {  	_ =	shalt  }
0x58: {  	_ =	shalt  }
0x59: {  	_ =	shalt  }
0x5a: {  	_ =	shalt  }
0x5b: {  	_ =	shalt  }
0x5c: {  	_ =	shalt  }
0x5d: {  	_ =	shalt  }
0x5e: {  	_ =	shalt  }
0x5f: {  	_ =	shalt  }
0x60: {  	_ =	shalt  }
0x61: {  	_ =	shalt  }
0x62: {  	_ =	shalt  }
0x63: {  	_ =	shalt  }
0x64: {  	_ =	shalt  }
0x65: {  	_ =	shalt  }
0x66: {  	_ =	shalt  }
0x67: {  	_ =	shalt  }
0x68: {  	_ =	shalt  }
0x69: {  	_ =	shalt  }
0x6a: {  	_ =	shalt  }
0x6b: {  	_ =	shalt  }
0x6c: {  	_ =	shalt  }
0x6d: {  	_ =	shalt  }
0x6e: {  	_ =	shalt  }
0x6f: {  	_ =	shalt  }
0x70: {  	_ =	shalt  }
0x71: {  	_ =	shalt  }
0x72: {  	_ =	shalt  }
0x73: {  	_ =	shalt  }
0x74: {  	_ =	shalt  }
0x75: {  	_ =	shalt  }
0x76: {  	_ =	shalt  }
0x77: {  	_ =	shalt  }
0x78: {  	_ =	shalt  }
0x79: {  	_ =	shalt  }
0x7a: {  	_ =	shalt  }
0x7b: {  	_ =	shalt  }
0x7c: {  	_ =	shalt  }
0x7d: {  	_ =	shalt  }
0x7e: {  	_ =	shalt  }
0x7f: {  	_ =	shalt  }
0x80: {  	_ =	shalt  }
0x81: {  	_ =	shalt  }
0x82: {  	_ =	shalt  }
0x83: {  	_ =	shalt  }
0x84: {  	_ =	shalt  }
0x85: {  	_ =	shalt  }
0x86: {  	_ =	shalt  }
0x87: {  	_ =	shalt  }
.Lfunc_end0:
.L_simem_size_0:
called_computation_lowered:
.L_overlay_start_0:
0x88: {  	s2 =	sld [smem:$0x3FD9]  }
0x89: {  	s3 =	sld [smem:$0x3FFE];
	_ =	sdelay $0x1  }
0x8a: {  	s1 =	srdreg.scid  }
0x8b: {  	s0 =	sand.u32 $0x1, s1  }
0x8c: {  	s17 =	sshll.u32 s0, $0xA;
	s2 =	sadd.s32 s3, s2  }
0x8d: {  	s2 =	sadd.s32 s2, s17  }
0x8e: {  	[smem:$0x3FC4] =	sst s2  }
0x8f: {  	_ = 	snop  }
0x90: {  	s2 =	sld [smem:$0x3FC9]  }
0x91: {  	s18 =	sld [smem:$0x3FD0];
	(tm) =	ssettm $0x1  }
0x92: {  	s4 =	sld [smem:$0x3FFB];
	_ =	sdelay $0x3  }
0x93: {  	_ =	strace s4  }
0x94: {  	s4 =	sld [smem:$0x3FFC];
	_ =	sdelay $0x3  }
0x95: {  	_ =	strace s4  }
0x96: {  	s4 =	sld [smem:$0x3FFD];
	_ =	sdelay $0x3  }
0x97: {  	_ =	strace s4  }
0x98: {  	_ =	strace $0x8FFFFFFF  }
0x99: {  	s19 =	sld [smem:$0x3FDB];
	_ =	sdelay $0x1  }
0x9a: {  	s5 =	simm.s32 $_scs_section_size  }
0x9b: {  	s6 =	simm.s32 $_size__tile_overlayer_lowered;
	s7 =	simm.s32 $_tile_overlayer_lowered  }
0x9c: {  	s22 =	simm.s32 $0x1BFF;
	s21 =	sshll.u32 s7, $0x1;
	s4 =	sadd.s32 s5, s19  }
0x9d: {  	s8 =	simm.s32 $0x0;
	s20 =	sshll.u32 s6, $0x1;
	s6 =	sadd.s32 s21, s4  }
0x9e: {  	[timem:s8], [sflag:s22] =	dma.local [hbm:s6], s20  }
0x9f: {  	_ =	swait.ge [sflag:s22], s20  }
0xa0: {  	s5 =	ssub.s32 $0x0, s20;
	[sflag:s22] =	ssyncset.done $0x0  }
0xa1: {  	[sflag:s22] =	ssyncadd.s32 s5;
	_ =	sdelay $0x1  }
0xa2: {  	s23 =	simm.s32 $0x1B8B  }
0xa3: {  	_ =	swait.ge [sflag:s23], $0x1  }
0xa4: {  	[sflag:s23] =	ssyncset.done $0x0  }
0xa5: {  	s25 =	simm.s32 $0x1B8E;
	s24 =	sld [smem:$0x3FFE];
	[sflag:s23] =	ssyncadd.s32 $0xFFFFFFFF  }
0xa6: {  	s26 =	simm.s32 $execute0_lowered;
	[smem:$0x3FD2] =	sst s25  }
0xa7: {  	s6 =	sshll.u32 s26, $0x1;
	_ =	strace $0x80000046;
	[dreg:$0x1] =	wrdreg $0xFFFFFFFF  }
0xa8: {  	s28 =	simm.s32 $_size_execute0_lowered;
	s4 =	sadd.s32 s4, s6;
	[dreg:$0x0] =	wrdreg $0x0  }
0xa9: {  	s6 =	sshll.u32 s28, $0x1;
	[dreg:$0x2] =	wrdreg s4  }
0xaa: {  	[dreg:$0x3] =	wrdreg s6  }
0xab: {  	[dreg:$0x4] =	wrdreg $0xC0  }
0xac: {  	_ =	task [dreg:s8], $0x5FFFF  }
0xad: {  	[dreg:$0x1] =	wrdreg $0xFFFFFFFF  }
0xae: {  	[dreg:$0x0] =	wrdreg $0x60  }
0xaf: {  	[dreg:$0x2] =	wrdreg s2  }
0xb0: {  	[dreg:$0x3] =	wrdreg s24  }
0xb1: {  	[dreg:$0x4] =	wrdreg s18  }
0xb2: {  	[dreg:$0x5] =	wrdreg $0x9  }
0xb3: {  	_ =	task.clear_ibuf [dreg:s8], $0x6FFFF;
	_ =	strace $0x90000046  }
0xb4: {  	s29 =	simm.s32 $0x9;
	_ =	strace $0x80000048  }
0xb5: {  	_ =	swait.ge [sflag:s29], $0x1  }
0xb6: {  	[sflag:s29] =	ssyncadd.s32 $0xFFFFFFFF  }
0xb7: {  	_ =	strace $0x90000048  }
0xb8: {  	_ =	sfence  }
0xb9: {  	s30 =	sld [smem:$0x0];
	_ =	sdelay $0x2  }
0xba: {  	s31 =	sshll.u32 s1, $0xD;
	s1 =	sshrl.u32 s1, $0x2  }
0xbb: {  	s3 =	sand.u32 $0x4000, s31;
	s1 =	sadd.s32 s1, s30  }
0xbc: {  	s0 =	sor.u32 s3, s0;
	s1 =	sshll.u32 s1, $0x11  }
0xbd: {  	s0 =	sor.u32 s1, s0  }
0xbe: {  	s0 =	sadd.s32 $0x8F2B, s0  }
0xbf: {  	[sflag:s0] =	ssyncadd.remote.s32 $0x1  }
0xc0: {  	_ =	sfence.sel $0xFFFF  }
0xc1: {  	[dreg:$0x0] =	wrdreg $0xFFFFFFFF;
	(pc) =	sbr.abs _section_cstart, $3  }
0xc2: {  	[dreg:$0x1] =	wrdreg $0xFFFFFFFF  }
0xc3: {  	_ =	task.clear_ibuf [dreg:s8], $0x2FFFF;
	_ =	strace $0x9FFFFFFF  }
0xc4: {  	(tm) =	ssettm $0x7FFFFFFF  }
0xc5: {  	_ =	shalt  }
tec
execute0_lowered:
.L_overlay_start_1:
0x0: {  	(tag) =	ssettag $0x1  }
0x1: {  	s2 =	rddreg [dreg:$0x0];
	s1 =	srdreg.scid  }
0x2: {  	s0 =	rddreg [dreg:$0x2];
	s4 =	stileid.u32;
	s1 =	sand.u32 $0x1, s1  }
0x3: {  	s4 =	sshll.u32 s4, $0xA;
	s3 =	ssub.s32 $0x2, s1;
	s1 =	sshll.u32 s1, $0x9  }
0x4: {  	s5 =	simm.s32 $0x0;
	s18 =	sshrl.u32 s3, $0x1;
	s4 =	sor.u32 s1, s4  }
0x5: {  	[smem:$0x7FF] =	sst s5;
	s1 =	ssub.s32 s3, s18;
	s19 =	sadd.s32 s2, s4  }
0x6: {  	s3 =	sor.u32 $0x10, s4;
	s31 =	sadd.s32 s0, s4;
	[dreg:$0x4] =	wrdreg s19  }
0x7: {  	s5 =	sor.u32 $0x20, s4;
	s20 =	sadd.s32 s2, s3;
	[dreg:$0x1e] =	wrdreg s31  }
0x8: {  	s6 =	sor.u32 $0x30, s4;
	s7 =	sadd.s32 s2, s5;
	[dreg:$0x5] =	wrdreg s20  }
0x9: {  	s9 =	sor.u32 $0x60, s4;
	s21 =	sadd.s32 s2, s6;
	[dreg:$0x6] =	wrdreg s7  }
0xa: {  	s12 =	sor.u32 $0x4010, s4;
	s22 =	sadd.s32 s2, s9;
	[dreg:$0x7] =	wrdreg s21  }
0xb: {  	s15 =	sor.u32 $0x4040, s4;
	s23 =	sadd.s32 s2, s12;
	[dreg:$0xa] =	wrdreg s22  }
0xc: {  	s18 =	sor.u32 $0x4070, s4;
	s24 =	sadd.s32 s2, s15;
	[dreg:$0xd] =	wrdreg s23  }
0xd: {  	s30 =	sor.u32 $0x8070, s4;
	s25 =	sadd.s32 s2, s18;
	[dreg:$0x10] =	wrdreg s24  }
0xe: {  	s29 =	sadd.s32 s2, s30;
	[dreg:$0x13] =	wrdreg s25  }
0xf: {  	s5 =	sadd.s32 s0, s5;
	[dreg:$0x1b] =	wrdreg s29  }
0x10: {  	s6 =	sadd.s32 s0, s6;
	[smem:$0x7E5] =	sst s5  }
0x11: {  	s9 =	sadd.s32 s0, s9;
	[smem:$0x7E6] =	sst s6  }
0x12: {  	s12 =	sadd.s32 s0, s12;
	[smem:$0x7E9] =	sst s9  }
0x13: {  	s15 =	sadd.s32 s0, s15;
	s18 =	sadd.s32 s0, s18;
	[smem:$0x7EC] =	sst s12  }
0x14: {  	s31 =	smax.u32 s1, $0x1;
	s7 =	sor.u32 $0x40, s4;
	[smem:$0x7EF] =	sst s15  }
0x15: {  	s21 =	sor.u32 $0x8020, s4;
	[smem:$0x7F2] =	sst s18;
	s8 =	sadd.s32 s2, s7  }
0x16: {  	s24 =	sor.u32 $0x8050, s4;
	s26 =	sadd.s32 s2, s21;
	[dreg:$0x8] =	wrdreg s8  }
0x17: {  	s12 =	simm.s32 $0x6800;
	s28 =	sadd.s32 s2, s24;
	[dreg:$0x16] =	wrdreg s26  }
0x18: {  	s6 =	simm.s32 $0x6DB8;
	s7 =	sadd.s32 s0, s7;
	[dreg:$0x19] =	wrdreg s28  }
0x19: {  	s9 =	simm.s32 $0x6E60;
	s21 =	sadd.s32 s0, s21;
	[smem:$0x7E7] =	sst s7  }
0x1a: {  	s24 =	sadd.s32 s0, s24;
	s8 =	sor.u32 $0x50, s4;
	[smem:$0x7F5] =	sst s21  }
0x1b: {  	s28 =	sor.u32 $0xC000, s4;
	[smem:$0x7F8] =	sst s24;
	s10 =	sadd.s32 s2, s8  }
0x1c: {  	s15 =	simm.s32 $0x6FB0;
	s29 =	sadd.s32 s2, s28;
	[dreg:$0x9] =	wrdreg s10  }
0x1d: {  	s8 =	sadd.s32 s0, s8;
	s10 =	sor.u32 $0x70, s4;
	[dreg:$0x1c] =	wrdreg s29  }
0x1e: {  	s18 =	simm.s32 $0x7058;
	[smem:$0x7E8] =	sst s8;
	s11 =	sadd.s32 s2, s10  }
0x1f: {  	s10 =	sadd.s32 s0, s10;
	[dreg:$0xb] =	wrdreg s11;
	s11 =	sor.u32 $0x4000, s4  }
0x20: {  	s7 =	simm.s32 $0x6DF0;
	[smem:$0x7EA] =	sst s10;
	s13 =	sadd.s32 s2, s11  }
0x21: {  	s11 =	sadd.s32 s0, s11;
	[dreg:$0xc] =	wrdreg s13;
	s13 =	sor.u32 $0x4020, s4  }
0x22: {  	s21 =	simm.s32 $0x7100;
	[smem:$0x7EB] =	sst s11;
	s14 =	sadd.s32 s2, s13  }
0x23: {  	s13 =	sadd.s32 s0, s13;
	[dreg:$0xe] =	wrdreg s14;
	s14 =	sor.u32 $0x4030, s4  }
0x24: {  	s29 =	sor.u32 $0xC010, s4;
	[smem:$0x7ED] =	sst s13;
	s16 =	sadd.s32 s2, s14  }
0x25: {  	s14 =	sadd.s32 s0, s14;
	[dreg:$0xf] =	wrdreg s16;
	s16 =	sor.u32 $0x4050, s4  }
0x26: {  	s8 =	simm.s32 $0x6E28;
	[smem:$0x7EE] =	sst s14;
	s17 =	sadd.s32 s2, s16  }
0x27: {  	s16 =	sadd.s32 s0, s16;
	[dreg:$0x11] =	wrdreg s17;
	s17 =	sor.u32 $0x4060, s4  }
0x28: {  	s10 =	simm.s32 $0x6E98;
	[smem:$0x7F0] =	sst s16;
	s19 =	sadd.s32 s2, s17  }
0x29: {  	s17 =	sadd.s32 s0, s17;
	[dreg:$0x12] =	wrdreg s19;
	s19 =	sor.u32 $0x8000, s4  }
0x2a: {  	s11 =	simm.s32 $0x6ED0;
	[smem:$0x7F1] =	sst s17;
	s20 =	sadd.s32 s2, s19  }
0x2b: {  	s19 =	sadd.s32 s0, s19;
	[dreg:$0x14] =	wrdreg s20;
	s20 =	sor.u32 $0x8010, s4  }
0x2c: {  	s13 =	simm.s32 $0x6F40;
	[smem:$0x7F3] =	sst s19;
	s22 =	sadd.s32 s2, s20  }
0x2d: {  	s20 =	sadd.s32 s0, s20;
	[dreg:$0x15] =	wrdreg s22;
	s22 =	sor.u32 $0x8030, s4  }
0x2e: {  	s14 =	simm.s32 $0x6F78;
	[smem:$0x7F4] =	sst s20;
	s23 =	sadd.s32 s2, s22  }
0x2f: {  	s22 =	sadd.s32 s0, s22;
	[dreg:$0x17] =	wrdreg s23;
	s23 =	sor.u32 $0x8040, s4  }
0x30: {  	s16 =	simm.s32 $0x6FE8;
	[smem:$0x7F6] =	sst s22;
	s25 =	sadd.s32 s2, s23  }
0x31: {  	s17 =	simm.s32 $0x7020;
	s23 =	sadd.s32 s0, s23;
	[dreg:$0x18] =	wrdreg s25  }
0x32: {  	s25 =	sor.u32 $0x8060, s4;
	s4 =	sadd.s32 s0, s3;
	[smem:$0x7F7] =	sst s23  }
0x33: {  	s19 =	simm.s32 $0x7090;
	s26 =	sadd.s32 s2, s25;
	[dreg:$0x1f] =	wrdreg s4  }
0x34: {  	s20 =	simm.s32 $0x70C8;
	s2 =	sadd.s32 s2, s29;
	[dreg:$0x1a] =	wrdreg s26  }
0x35: {  	s22 =	simm.s32 $0x7138;
	s25 =	sadd.s32 s0, s25;
	[dreg:$0x1d] =	wrdreg s2  }
0x36: {  	s3 =	simm.s32 $0x80;
	[smem:$0x7F9] =	sst s25;
	s26 =	sadd.s32 s0, s30  }
0x37: {  	s23 =	simm.s32 $0x7170;
	s30 =	sadd.s32 s0, s28;
	[smem:$0x7FA] =	sst s26  }
0x38: {  	s4 =	simm.s32 $0x400;
	s0 =	sadd.s32 s0, s29;
	[smem:$0x7FB] =	sst s30  }
0x39: {  	s2 =	simm.s32 $0x0;
	s29 =	simm.s32 $0x71E0;
	[smem:$0x7FC] =	sst s0  }
0x3a: {  	v0 =	vlaneseq.u32;
	v1 =	vimm.s32 $0x0;
	s26 =	simm.s32 $0x71A8;
	_ =	strace $0x80000047;
	[smem:$0x7FD] =	sst s31  }
.LBB2_1:
0x3b: {  	[smem:$0x7E4] =	sst s2  }
0x3c: {  	s2 =	simm.s32 $0x0;
	s0 =	rddreg [dreg:$0x4]  }
0x3d: {  	[tilespmem:s2], [sflag:$0x1] =	stream.strided.gather [hbm4b:s0+s3], $0x200, s4, s3, $0x38;
	[tilespmem:$0x7380] =	vst v63  }
0x3e: {  	s5 =	rddreg [dreg:$0x5];
	s1 =	simm.s32 $0x200  }
0x3f: {  	[tilespmem:s1], [sflag:$0x1] =	stream.strided.gather [hbm4b:s5+s3], $0x200, s4, s3, $0x38;
	[tilespmem:$0x7380] =	vst v63  }
0x40: {  	s24 =	rddreg [dreg:$0x6]  }
0x41: {  	[tilespmem:s4], [sflag:$0x1] =	stream.strided.gather [hbm4b:s24+s3], $0x200, s4, s3, $0x38;
	[tilespmem:$0x7380] =	vst v63  }
0x42: {  	s25 =	rddreg [dreg:$0x7];
	s28 =	simm.s32 $0x600  }
0x43: {  	[tilespmem:s28], [sflag:$0x1] =	stream.strided.gather [hbm4b:s25+s3], $0x200, s4, s3, $0x38;
	[tilespmem:$0x7380] =	vst v63  }
0x44: {  	s30 =	rddreg [dreg:$0x8];
	s31 =	simm.s32 $0x800  }
0x45: {  	[tilespmem:s31], [sflag:$0x1] =	stream.strided.gather [hbm4b:s30+s3], $0x200, s4, s3, $0x38;
	[tilespmem:$0x7380] =	vst v63  }
0x46: {  	s5 =	rddreg [dreg:$0x9];
	s24 =	simm.s32 $0xA00  }
0x47: {  	[tilespmem:s24], [sflag:$0x1] =	stream.strided.gather [hbm4b:s5+s3], $0x200, s4, s3, $0x38;
	[tilespmem:$0x7380] =	vst v63  }
0x48: {  	s25 =	rddreg [dreg:$0xa];
	s28 =	simm.s32 $0xC00  }
0x49: {  	[tilespmem:s28], [sflag:$0x1] =	stream.strided.gather [hbm4b:s25+s3], $0x200, s4, s3, $0x38;
	[tilespmem:$0x7380] =	vst v63  }
0x4a: {  	s30 =	rddreg [dreg:$0xb];
	s31 =	simm.s32 $0xE00  }
0x4b: {  	[tilespmem:s31], [sflag:$0x1] =	stream.strided.gather [hbm4b:s30+s3], $0x200, s4, s3, $0x38;
	[tilespmem:$0x7380] =	vst v63  }
0x4c: {  	s5 =	rddreg [dreg:$0xc];
	s24 =	simm.s32 $0x1000  }
0x4d: {  	[tilespmem:s24], [sflag:$0x1] =	stream.strided.gather [hbm4b:s5+s3], $0x200, s4, s3, $0x38;
	[tilespmem:$0x7380] =	vst v63  }
0x4e: {  	s25 =	rddreg [dreg:$0xd];
	s28 =	simm.s32 $0x1200  }
0x4f: {  	[tilespmem:s28], [sflag:$0x1] =	stream.strided.gather [hbm4b:s25+s3], $0x200, s4, s3, $0x38;
	[tilespmem:$0x7380] =	vst v63  }
0x50: {  	s30 =	rddreg [dreg:$0xe];
	s31 =	simm.s32 $0x1400  }
0x51: {  	[tilespmem:s31], [sflag:$0x1] =	stream.strided.gather [hbm4b:s30+s3], $0x200, s4, s3, $0x38;
	[tilespmem:$0x7380] =	vst v63  }
0x52: {  	s5 =	rddreg [dreg:$0xf];
	s24 =	simm.s32 $0x1600  }
0x53: {  	[tilespmem:s24], [sflag:$0x1] =	stream.strided.gather [hbm4b:s5+s3], $0x200, s4, s3, $0x38;
	[tilespmem:$0x7380] =	vst v63  }
0x54: {  	s25 =	rddreg [dreg:$0x10];
	s28 =	simm.s32 $0x1800  }
0x55: {  	[tilespmem:s28], [sflag:$0x1] =	stream.strided.gather [hbm4b:s25+s3], $0x200, s4, s3, $0x38;
	[tilespmem:$0x7380] =	vst v63  }
0x56: {  	s30 =	rddreg [dreg:$0x11];
	s31 =	simm.s32 $0x1A00  }
0x57: {  	[tilespmem:s31], [sflag:$0x1] =	stream.strided.gather [hbm4b:s30+s3], $0x200, s4, s3, $0x38;
	[tilespmem:$0x7380] =	vst v63  }
0x58: {  	s5 =	rddreg [dreg:$0x12];
	s24 =	simm.s32 $0x1C00  }
0x59: {  	[tilespmem:s24], [sflag:$0x1] =	stream.strided.gather [hbm4b:s5+s3], $0x200, s4, s3, $0x38;
	[tilespmem:$0x7380] =	vst v63  }
0x5a: {  	s25 =	rddreg [dreg:$0x13];
	s28 =	simm.s32 $0x1E00  }
0x5b: {  	[tilespmem:s28], [sflag:$0x1] =	stream.strided.gather [hbm4b:s25+s3], $0x200, s4, s3, $0x38;
	[tilespmem:$0x7380] =	vst v63  }
0x5c: {  	s30 =	rddreg [dreg:$0x14];
	s31 =	simm.s32 $0x2000  }
0x5d: {  	[tilespmem:s31], [sflag:$0x1] =	stream.strided.gather [hbm4b:s30+s3], $0x200, s4, s3, $0x38;
	[tilespmem:$0x7380] =	vst v63  }
0x5e: {  	s5 =	rddreg [dreg:$0x15];
	s24 =	simm.s32 $0x2200  }
0x5f: {  	[tilespmem:s24], [sflag:$0x1] =	stream.strided.gather [hbm4b:s5+s3], $0x200, s4, s3, $0x38;
	[tilespmem:$0x7380] =	vst v63  }
0x60: {  	s25 =	rddreg [dreg:$0x16];
	s28 =	simm.s32 $0x2400  }
0x61: {  	[tilespmem:s28], [sflag:$0x1] =	stream.strided.gather [hbm4b:s25+s3], $0x200, s4, s3, $0x38;
	[tilespmem:$0x7380] =	vst v63  }
0x62: {  	s30 =	rddreg [dreg:$0x17];
	s31 =	simm.s32 $0x2600  }
0x63: {  	[tilespmem:s31], [sflag:$0x1] =	stream.strided.gather [hbm4b:s30+s3], $0x200, s4, s3, $0x38;
	[tilespmem:$0x7380] =	vst v63  }
0x64: {  	s5 =	rddreg [dreg:$0x18];
	s24 =	simm.s32 $0x2800  }
0x65: {  	[tilespmem:s24], [sflag:$0x1] =	stream.strided.gather [hbm4b:s5+s3], $0x200, s4, s3, $0x38;
	[tilespmem:$0x7380] =	vst v63  }
0x66: {  	s25 =	rddreg [dreg:$0x19];
	s28 =	simm.s32 $0x2A00  }
0x67: {  	[tilespmem:s28], [sflag:$0x1] =	stream.strided.gather [hbm4b:s25+s3], $0x200, s4, s3, $0x38;
	[tilespmem:$0x7380] =	vst v63  }
0x68: {  	s30 =	rddreg [dreg:$0x1a];
	s31 =	simm.s32 $0x2C00;
	s24 =	simm.s32 $0x0  }
0x69: {  	v2 =	vor.u32 s24, v0;
	[tilespmem:s31], [sflag:$0x1] =	stream.strided.gather [hbm4b:s30+s3], $0x200, s4, s3, $0x38;
	[tilespmem:$0x7380] =	vst v63  }
0x6a: {  	s1 =	rddreg [dreg:$0x1b];
	s5 =	simm.s32 $0x2E00;
	s25 =	simm.s32 $0x10;
	v3 =	vmulhi.u32 $0x51EB851F, v2  }
0x6b: {  	[tilespmem:s5], [sflag:$0x1] =	stream.strided.gather [hbm4b:s1+s3], $0x200, s4, s3, $0x38;
	[tilespmem:$0x7380] =	vst v63  }
0x6c: {  	s28 =	rddreg [dreg:$0x1c];
	v6 =	vor.u32 s25, v0;
	v5 =	vshrl.u32 v3, $0x4;
	s5 =	simm.s32 $0x3000  }
0x6d: {  	v4 =	vmulhi.u32 $0x51EB851F, v6;
	v3 =	vmul.u32 $0xFFFFFFCE, v5;
	[tilespmem:s5], [sflag:$0x1] =	stream.strided.gather [hbm4b:s28+s3], $0x200, s4, s3, $0x38;
	[tilespmem:$0x7380] =	vst v63  }
0x6e: {  	v7 =	vmov s24;
	v8 =	vsub.s32 $0x0, v2;
	s30 =	rddreg [dreg:$0x1d];
	s31 =	simm.s32 $0x3200  }
0x6f: {  	vm0 =	veq.s32 v7, v0;
	v4 =	vshrl.u32 v4, $0x4;
	vm1 =	vne.s32 v3, v8;
	[tilespmem:s31], [sflag:$0x1] =	stream.strided.gather [hbm4b:s30+s3], $0x200, s4, s3, $0x38;
	[tilespmem:$0x7380] =	vst v63  }
0x70: {  	s24 =	simm.s32 $0x3;
	s25 =	simm.s32 $0x20;
	v9 =	vadd.s32 $0x52E, v4;
	s5 =	rddreg [dreg:$0x1];
	vm0 =	vmand vm0, vm1  }
0x71: {  	v7 =	vsel vm0, $0xFFFFFFFF, v1;
	[tilespmem:s12], [sflag:$0x3] =	stream.linear.gather [hbm4b:s5+s2], $0x548, $0x38;
	[tilespmem:$0x7380] =	vst v63  }
0x72: {  	v3 =	vor.u32 s25, v0;
	v13 =	vadd.s32 v7, v5;
	_ =	swait.ge [sflag:s24], $0x548  }
0x73: {  	s28 =	simm.s32 $0x30;
	v5 =	vmulhi.u32 $0x51EB851F, v3;
	v8 =	vadd.s32 $0x52E, v13;
	[sflag:s24] =	ssyncset.done $0x0  }
0x74: {  	v7 =	vor.u32 s28, v0;
	[sflag:s24] =	ssyncadd.s32 $0xFFFFFAB8  }
0x75: {  	v10 =	vmulhi.u32 $0x51EB851F, v7;
	v5 =	vshrl.u32 v5, $0x4;
	v9 =	vld.idx.msk [tilespmem:v9+s12+$0x0], $0xffff  }
0x76: {  	v11 =	vadd.s32 $0x514, v4;
	v12 =	vmul.u32 $0xFFFFFFCE, v5  }
0x77: {  	v15 =	vsub.s32 $0x0, v3;
	v14 =	vshrl.u32 v10, $0x4;
	v10 =	vmov s25  }
0x78: {  	v16 =	vadd.s32 $0x52E, v14;
	vm0 =	veq.s32 v10, v0;
	vm1 =	vne.s32 v12, v15;
	v12 =	vld.idx.msk [tilespmem:v8+s12+$0x0], $0xffff  }
0x79: {  	v15 =	vadd.s32 $0x514, v14;
	v14 =	vmul.u32 $0x6, v14;
	vm0 =	vmand vm0, vm1  }
0x7a: {  	v8 =	vsel vm0, $0xFFFFFFFF, v1;
	(erf) = vrcp.f32 v9  }
0x7b: {  	s0 =	simm.s32 $0x6810;
	s30 =	simm.s32 $0x40;
	v17 =	vadd.s32 $0x514, v13;
	v7 =	vadd.s32 v7, v14;
	v10 =	vadd.s32 v8, v5  }
0x7c: {  	s31 =	simm.s32 $0x50;
	v14 =	vld [tilespmem:s0+$0xFFFFFFF0];
	v19 =	vadd.s32 $0x52E, v10;
	v9 =	vmul.u32 $0x6, v4;
	v4 =	vor.u32 s30, v0  }
0x7d: {  	v8 =	vld.idx.msk [tilespmem:v11+s12+$0x0], $0xffff;
	v5 =	vor.u32 s31, v0;
	v11 =	vmulhi.u32 $0x51EB851F, v4;
	(erf) = vrcp.f32 v12  }
0x7e: {  	v21 =	vld.idx.msk [tilespmem:v16+s12+$0x0], $0xffff;
	v16 =	vmulhi.u32 $0x51EB851F, v5  }
0x7f: {  	v6 =	vadd.s32 v6, v9;
	v9 =	vld.idx.msk [tilespmem:v15+s12+$0x0], $0xffff;
	v15 =	vshrl.u32 v11, $0x4  }
0x80: {  	v12 =	vld.idx.msk [tilespmem:v17+s12+$0x0], $0xffff;
	v11 =	vshrl.u32 v16, $0x4;
	v20 =	vmul.u32 $0xFFFFFFCE, v15  }
0x81: {  	v22 =	vsub.s32 $0x0, v4;
	v16 =	vmov s30;
	v17 =	vld.idx.msk [tilespmem:v19+s12+$0x0], $0xffff;
	v18 =	vadd.s32 $0x52E, v11  }
0x82: {  	vm0 =	veq.s32 v16, v0;
	v16 =	vld [tilespmem:s0+$0x0];
	vm1 =	vne.s32 v20, v22;
	v20 =	vmul.u32 $0x6, v13  }
0x83: {  	s1 =	simm.s32 $0x4;
	s4 =	simm.s32 $0x6D80;
	s2 =	simm.s32 $0x70;
	v19 =	vadd.s32 $0x514, v11;
	vm0 =	vmand vm0, vm1;
	v13 =	vpop (erf);
	(erf) = vrcp.f32 v21  }
.LBB2_2:
0x84: {  	s3 =	sadd.s32 $0xFFFFFFF0, s2;
	v21 =	vsel vm0, $0xFFFFFFFF, v1;
	v22 =	vadd.s32 $0x514, v10;
	v20 =	vadd.s32 v2, v20;
	v2 =	vmovc v3;
	v3 =	vmovc v4  }
0x85: {  	s1 =	sadd.s32 $0x2, s1;
	v4 =	vor.u32 s3, v0;
	v21 =	vadd.s32 v21, v15;
	v12 =	vsub.f32 v14, v12  }
0x86: {  	v23 =	vor.u32 s2, v0;
	p0 =	slt.u32 s1, $0x50;
	v14 =	vmulhi.u32 $0x51EB851F, v4;
	v24 =	vadd.s32 $0x52E, v21;
	v25 =	vld.idx.msk [tilespmem:v18+s12+$0x0], $0xffff;
	v15 =	vpop (erf)  }
0x87: {  	(erf) = vrcp.f32 v17;
	v17 =	vmul.f32 v12, v15;
	v16 =	vsub.f32 v16, v8;
	v8 =	vmovc v9  }
0x88: {  	v18 =	vmulhi.u32 $0x51EB851F, v23;
	v9 =	vld.idx.msk [tilespmem:v19+s12+$0x0], $0xffff;
	v19 =	vmul.u32 $0x6, v11  }
.Ltmp0:
0x89: {  	s0 =	sadd.s32 $0x20, s0;
	v15 =	vshrl.u32 v14, $0x4;
	v12 =	vld.idx.msk [tilespmem:v22+s12+$0x0], $0xffff;
	[tilespmem:v20+s4+$0x0] =	vst.idx.msk $0xffff, v17;
	v26 =	vmul.f32 v16, v13;
	(pc) =	sbr.rel @p0 .LBB2_2-.Ltmp0, $4  }
0x8a: {  	v11 =	vshrl.u32 v18, $0x4;
	v16 =	vmul.u32 $0xFFFFFFCE, v15;
	v19 =	vadd.s32 v5, v19;
	v14 =	vld [tilespmem:s0+$0xFFFFFFF0];
	v5 =	vmovc v23  }
0x8b: {  	v20 =	vmov s3;
	v22 =	vsub.s32 $0x0, v4;
	v18 =	vadd.s32 $0x52E, v11;
	v17 =	vld.idx.msk [tilespmem:v24+s12+$0x0], $0xffff;
	[tilespmem:v6+s4+$0x0] =	vst.idx.msk $0xffff, v26;
	v6 =	vmovc v7;
	v7 =	vmovc v19  }
0x8c: {  	vm0 =	veq.s32 v20, v0;
	v20 =	vmul.u32 $0x6, v10;
	vm1 =	vne.s32 v16, v22;
	v16 =	vld [tilespmem:s0+$0x0];
	v13 =	vpop (erf)  }
0x8d: {  	s2 =	sadd.s32 $0x20, s2;
	v10 =	vmovc v21;
	v19 =	vadd.s32 $0x514, v11;
	vm0 =	vmand vm0, vm1;
	(erf) = vrcp.f32 v25  }
0x8e: {  	v21 =	vsel vm0, $0xFFFFFFFF, v1  }
0x8f: {  	v15 =	vadd.s32 v21, v15  }
0x90: {  	v21 =	vadd.s32 $0x52E, v15;
	_ =	sdelay $0x3  }
0x91: {  	v18 =	vld.idx.msk [tilespmem:v18+s12+$0x0], $0xffff  }
0x92: {  	v22 =	vadd.s32 $0x514, v10;
	v21 =	vld.idx.msk [tilespmem:v21+s12+$0x0], $0xffff;
	_ =	sdelay $0x1  }
0x93: {  	v53 =	vld.idx.msk [tilespmem:v19+s12+$0x0], $0xffff;
	s0 =	sadd.s32 $0x20, s0;
	(erf) = vrcp.f32 v17  }
0x94: {  	v55 =	vld [tilespmem:s0+$0xFFFFFFF0];
	v23 =	vadd.s32 $0x514, v15  }
0x95: {  	v56 =	vld [tilespmem:s0+$0x0];
	(erf) = vrcp.f32 v18  }
0x96: {  	v2 =	vadd.s32 v2, v20;
	s0 =	sadd.s32 $0x20, s0;
	v54 =	vld.idx.msk [tilespmem:v22+s12+$0x0], $0xffff;
	(erf) = vrcp.f32 v21  }
0x97: {  	v12 =	vsub.f32 v14, v12;
	v59 =	vld [tilespmem:s0+$0xFFFFFFF0]  }
0x98: {  	v10 =	vmul.u32 $0x6, v10;
	v58 =	vpop (erf);
	v60 =	vld [tilespmem:s0+$0x0];
	v8 =	vsub.f32 v16, v8  }
0x99: {  	v11 =	vmul.u32 $0x6, v11;
	v12 =	vmul.f32 v12, v58;
	v57 =	vld.idx.msk [tilespmem:v23+s12+$0x0], $0xffff  }
0x9a: {  	v3 =	vadd.s32 v3, v10;
	v10 =	vmul.u32 $0x6, v15;
	v8 =	vmul.f32 v8, v13  }
0x9b: {  	[tilespmem:v2+s4+$0x0] =	vst.idx.msk $0xffff, v12;
	v9 =	vsub.f32 v56, v9;
	v61 =	vpop (erf);
	v2 =	vsub.f32 v55, v54  }
0x9c: {  	v5 =	vadd.s32 v5, v11;
	v4 =	vadd.s32 v4, v10;
	[tilespmem:v6+s4+$0x0] =	vst.idx.msk $0xffff, v8;
	v62 =	vpop (erf)  }
0x9d: {  	v6 =	vmul.f32 v9, v61;
	v9 =	vsub.f32 v60, v53;
	v2 =	vmul.f32 v2, v62  }
0x9e: {  	v11 =	vsub.f32 v59, v57;
	v10 =	vpop (erf)  }
0x9f: {  	[tilespmem:v3+s4+$0x0] =	vst.idx.msk $0xffff, v2;
	v3 =	vmul.f32 v9, v10;
	v8 =	vpop (erf)  }
0xa0: {  	[tilespmem:v7+s4+$0x0] =	vst.idx.msk $0xffff, v6;
	v2 =	vmul.f32 v11, v8  }
0xa1: {  	[tilespmem:v5+s4+$0x0] =	vst.idx.msk $0xffff, v3  }
0xa2: {  	s5 =	simm.s32 $0x1;
	[tilespmem:v4+s4+$0x0] =	vst.idx.msk $0xffff, v2  }
0xa3: {  	_ =	swait.ge [sflag:s5], $0x200  }
0xa4: {  	[sflag:s5] =	ssyncset.done $0x0  }
0xa5: {  	[sflag:s5] =	ssyncadd.s32 $0xFFFFFE00  }
0xa6: {  	_ =	swait.ge [sflag:s5], $0x200  }
0xa7: {  	[sflag:s5] =	ssyncset.done $0x0  }
0xa8: {  	[sflag:s5] =	ssyncadd.s32 $0xFFFFFE00  }
0xa9: {  	_ =	swait.ge [sflag:s5], $0x200  }
0xaa: {  	[sflag:s5] =	ssyncset.done $0x0  }
0xab: {  	[sflag:s5] =	ssyncadd.s32 $0xFFFFFE00  }
0xac: {  	_ =	swait.ge [sflag:s5], $0x200  }
0xad: {  	[sflag:s5] =	ssyncset.done $0x0  }
0xae: {  	[sflag:s5] =	ssyncadd.s32 $0xFFFFFE00  }
0xaf: {  	_ =	swait.ge [sflag:s5], $0x200  }
0xb0: {  	[sflag:s5] =	ssyncset.done $0x0  }
0xb1: {  	[sflag:s5] =	ssyncadd.s32 $0xFFFFFE00  }
0xb2: {  	_ =	swait.ge [sflag:s5], $0x200  }
0xb3: {  	[sflag:s5] =	ssyncset.done $0x0  }
0xb4: {  	[sflag:s5] =	ssyncadd.s32 $0xFFFFFE00  }
0xb5: {  	_ =	swait.ge [sflag:s5], $0x200  }
0xb6: {  	[sflag:s5] =	ssyncset.done $0x0  }
0xb7: {  	[sflag:s5] =	ssyncadd.s32 $0xFFFFFE00  }
0xb8: {  	_ =	swait.ge [sflag:s5], $0x200  }
0xb9: {  	[sflag:s5] =	ssyncset.done $0x0  }
0xba: {  	[sflag:s5] =	ssyncadd.s32 $0xFFFFFE00  }
0xbb: {  	_ =	swait.ge [sflag:s5], $0x200  }
0xbc: {  	[sflag:s5] =	ssyncset.done $0x0  }
0xbd: {  	[sflag:s5] =	ssyncadd.s32 $0xFFFFFE00  }
0xbe: {  	_ =	swait.ge [sflag:s5], $0x200  }
0xbf: {  	[sflag:s5] =	ssyncset.done $0x0  }
0xc0: {  	[sflag:s5] =	ssyncadd.s32 $0xFFFFFE00  }
0xc1: {  	_ =	swait.ge [sflag:s5], $0x200  }
0xc2: {  	[sflag:s5] =	ssyncset.done $0x0  }
0xc3: {  	[sflag:s5] =	ssyncadd.s32 $0xFFFFFE00  }
0xc4: {  	_ =	swait.ge [sflag:s5], $0x200  }
0xc5: {  	[sflag:s5] =	ssyncset.done $0x0  }
0xc6: {  	[sflag:s5] =	ssyncadd.s32 $0xFFFFFE00  }
0xc7: {  	_ =	swait.ge [sflag:s5], $0x200  }
0xc8: {  	[sflag:s5] =	ssyncset.done $0x0  }
0xc9: {  	[sflag:s5] =	ssyncadd.s32 $0xFFFFFE00  }
0xca: {  	_ =	swait.ge [sflag:s5], $0x200  }
0xcb: {  	[sflag:s5] =	ssyncset.done $0x0  }
0xcc: {  	[sflag:s5] =	ssyncadd.s32 $0xFFFFFE00  }
0xcd: {  	_ =	swait.ge [sflag:s5], $0x200  }
0xce: {  	[sflag:s5] =	ssyncset.done $0x0  }
0xcf: {  	[sflag:s5] =	ssyncadd.s32 $0xFFFFFE00  }
0xd0: {  	_ =	swait.ge [sflag:s5], $0x200  }
0xd1: {  	[sflag:s5] =	ssyncset.done $0x0  }
0xd2: {  	[sflag:s5] =	ssyncadd.s32 $0xFFFFFE00  }
0xd3: {  	_ =	swait.ge [sflag:s5], $0x200  }
0xd4: {  	[sflag:s5] =	ssyncset.done $0x0  }
0xd5: {  	[sflag:s5] =	ssyncadd.s32 $0xFFFFFE00  }
0xd6: {  	_ =	swait.ge [sflag:s5], $0x200  }
0xd7: {  	[sflag:s5] =	ssyncset.done $0x0  }
0xd8: {  	[sflag:s5] =	ssyncadd.s32 $0xFFFFFE00  }
0xd9: {  	_ =	swait.ge [sflag:s5], $0x200  }
0xda: {  	[sflag:s5] =	ssyncset.done $0x0  }
0xdb: {  	[sflag:s5] =	ssyncadd.s32 $0xFFFFFE00  }
0xdc: {  	_ =	swait.ge [sflag:s5], $0x200  }
0xdd: {  	[sflag:s5] =	ssyncset.done $0x0  }
0xde: {  	[sflag:s5] =	ssyncadd.s32 $0xFFFFFE00  }
0xdf: {  	_ =	swait.ge [sflag:s5], $0x200  }
0xe0: {  	[sflag:s5] =	ssyncset.done $0x0  }
0xe1: {  	[sflag:s5] =	ssyncadd.s32 $0xFFFFFE00  }
0xe2: {  	_ =	swait.ge [sflag:s5], $0x200  }
0xe3: {  	[sflag:s5] =	ssyncset.done $0x0  }
0xe4: {  	[sflag:s5] =	ssyncadd.s32 $0xFFFFFE00  }
0xe5: {  	_ =	swait.ge [sflag:s5], $0x200  }
0xe6: {  	[sflag:s5] =	ssyncset.done $0x0  }
0xe7: {  	[sflag:s5] =	ssyncadd.s32 $0xFFFFFE00  }
0xe8: {  	_ =	swait.ge [sflag:s5], $0x200  }
0xe9: {  	[sflag:s5] =	ssyncset.done $0x0  }
0xea: {  	[sflag:s5] =	ssyncadd.s32 $0xFFFFFE00  }
0xeb: {  	_ =	swait.ge [sflag:s5], $0x200  }
0xec: {  	[sflag:s5] =	ssyncset.done $0x0  }
0xed: {  	[sflag:s5] =	ssyncadd.s32 $0xFFFFFE00  }
0xee: {  	_ =	swait.ge [sflag:s5], $0x200  }
0xef: {  	[sflag:s5] =	ssyncset.done $0x0  }
0xf0: {  	s25 =	simm.s32 $0x1A00;
	[sflag:s5] =	ssyncadd.s32 $0xFFFFFE00  }
0xf1: {  	v2 =	vld [tilespmem:s25+$0xFFFFE610];
	_ =	sdelay $0x7  }
0xf2: {  	v2 =	vld.idx.msk [tilespmem:v2+s4+$0x0], $0xffff;
	_ =	sdelay $0x3  }
0xf3: {  	s24 =	simm.s32 $0x4E00  }
0xf4: {  	v3 =	vld [tilespmem:s25+$0xFFFFE600];
	[tilespmem:s24+$0xFFFFE610] =	vst v2  }
0xf5: {  	v2 =	vld [tilespmem:s25+$0xFFFFE810];
	_ =	sdelay $0x6  }
0xf6: {  	v3 =	vld.idx.msk [tilespmem:v3+s4+$0x0], $0xffff  }
0xf7: {  	v2 =	vld.idx.msk [tilespmem:v2+s6+$0x0], $0xffff;
	_ =	sdelay $0x3  }
0xf8: {  	[tilespmem:s24+$0xFFFFE600] =	vst v3  }
0xf9: {  	v3 =	vld [tilespmem:s25+$0xFFFFE800];
	[tilespmem:s24+$0xFFFFE810] =	vst v2  }
0xfa: {  	v2 =	vld [tilespmem:s25+$0xFFFFEA10];
	_ =	sdelay $0x6  }
0xfb: {  	v3 =	vld.idx.msk [tilespmem:v3+s6+$0x0], $0xffff  }
0xfc: {  	v2 =	vld.idx.msk [tilespmem:v2+s7+$0x0], $0xffff;
	_ =	sdelay $0x3  }
0xfd: {  	[tilespmem:s24+$0xFFFFE800] =	vst v3  }
0xfe: {  	v3 =	vld [tilespmem:s25+$0xFFFFEA00];
	[tilespmem:s24+$0xFFFFEA10] =	vst v2  }
0xff: {  	v2 =	vld [tilespmem:s25+$0xFFFFEC10];
	_ =	sdelay $0x6  }
0x100: {  	v3 =	vld.idx.msk [tilespmem:v3+s7+$0x0], $0xffff  }
0x101: {  	v2 =	vld.idx.msk [tilespmem:v2+s8+$0x0], $0xffff;
	_ =	sdelay $0x3  }
0x102: {  	[tilespmem:s24+$0xFFFFEA00] =	vst v3  }
0x103: {  	v3 =	vld [tilespmem:s25+$0xFFFFEC00];
	[tilespmem:s24+$0xFFFFEC10] =	vst v2  }
0x104: {  	v2 =	vld [tilespmem:s25+$0xFFFFEE10];
	_ =	sdelay $0x6  }
0x105: {  	v3 =	vld.idx.msk [tilespmem:v3+s8+$0x0], $0xffff  }
0x106: {  	v2 =	vld.idx.msk [tilespmem:v2+s9+$0x0], $0xffff;
	_ =	sdelay $0x3  }
0x107: {  	[tilespmem:s24+$0xFFFFEC00] =	vst v3  }
0x108: {  	v3 =	vld [tilespmem:s25+$0xFFFFEE00];
	[tilespmem:s24+$0xFFFFEE10] =	vst v2  }
0x109: {  	v2 =	vld [tilespmem:s25+$0xFFFFF010];
	_ =	sdelay $0x6  }
0x10a: {  	v3 =	vld.idx.msk [tilespmem:v3+s9+$0x0], $0xffff  }
0x10b: {  	v2 =	vld.idx.msk [tilespmem:v2+s10+$0x0], $0xffff;
	_ =	sdelay $0x3  }
0x10c: {  	[tilespmem:s24+$0xFFFFEE00] =	vst v3  }
0x10d: {  	v3 =	vld [tilespmem:s25+$0xFFFFF000];
	[tilespmem:s24+$0xFFFFF010] =	vst v2  }
0x10e: {  	s28 =	simm.s32 $0x1A20;
	v2 =	vld [tilespmem:s25+$0xFFFFF210]  }
0x10f: {  	v4 =	vld [tilespmem:s28+$0xFFFFE610];
	_ =	sdelay $0x5  }
0x110: {  	v3 =	vld.idx.msk [tilespmem:v3+s10+$0x0], $0xffff  }
0x111: {  	v2 =	vld.idx.msk [tilespmem:v2+s11+$0x0], $0xffff  }
0x112: {  	v4 =	vld.idx.msk [tilespmem:v4+s4+$0x0], $0xffff;
	_ =	sdelay $0x2  }
0x113: {  	v5 =	vld [tilespmem:s28+$0xFFFFE600];
	[tilespmem:s24+$0xFFFFF000] =	vst v3  }
0x114: {  	s30 =	simm.s32 $0x4E20;
	v3 =	vld [tilespmem:s25+$0xFFFFF200];
	[tilespmem:s24+$0xFFFFF210] =	vst v2  }
0x115: {  	[tilespmem:s30+$0xFFFFE610] =	vst v4;
	v2 =	vld [tilespmem:s25+$0xFFFFF410]  }
0x116: {  	v4 =	vld [tilespmem:s28+$0xFFFFE810];
	_ =	sdelay $0x4  }
0x117: {  	v5 =	vld.idx.msk [tilespmem:v5+s4+$0x0], $0xffff  }
0x118: {  	s2 =	simm.s32 $0x6F08;
	v3 =	vld.idx.msk [tilespmem:v3+s11+$0x0], $0xffff  }
0x119: {  	s3 =	simm.s32 $0x6DB8;
	v2 =	vld.idx.msk [tilespmem:v2+s2+$0x0], $0xffff  }
0x11a: {  	v4 =	vld.idx.msk [tilespmem:v4+s3+$0x0], $0xffff;
	_ =	sdelay $0x1  }
0x11b: {  	[tilespmem:s30+$0xFFFFE600] =	vst v5  }
0x11c: {  	v5 =	vld [tilespmem:s28+$0xFFFFE800];
	[tilespmem:s24+$0xFFFFF200] =	vst v3  }
0x11d: {  	v3 =	vld [tilespmem:s25+$0xFFFFF400];
	[tilespmem:s24+$0xFFFFF410] =	vst v2  }
0x11e: {  	[tilespmem:s30+$0xFFFFE810] =	vst v4;
	v2 =	vld [tilespmem:s25+$0xFFFFF610]  }
0x11f: {  	v4 =	vld [tilespmem:s28+$0xFFFFEA10];
	_ =	sdelay $0x4  }
0x120: {  	v5 =	vld.idx.msk [tilespmem:v5+s3+$0x0], $0xffff  }
0x121: {  	v3 =	vld.idx.msk [tilespmem:v3+s2+$0x0], $0xffff  }
0x122: {  	s5 =	simm.s32 $0x6DF0;
	v2 =	vld.idx.msk [tilespmem:v2+s13+$0x0], $0xffff  }
0x123: {  	v4 =	vld.idx.msk [tilespmem:v4+s5+$0x0], $0xffff;
	_ =	sdelay $0x1  }
0x124: {  	[tilespmem:s30+$0xFFFFE800] =	vst v5  }
0x125: {  	v5 =	vld [tilespmem:s28+$0xFFFFEA00];
	[tilespmem:s24+$0xFFFFF400] =	vst v3  }
0x126: {  	v3 =	vld [tilespmem:s25+$0xFFFFF600];
	[tilespmem:s24+$0xFFFFF610] =	vst v2  }
0x127: {  	[tilespmem:s30+$0xFFFFEA10] =	vst v4;
	v2 =	vld [tilespmem:s25+$0xFFFFF810]  }
0x128: {  	v4 =	vld [tilespmem:s28+$0xFFFFEC10];
	_ =	sdelay $0x4  }
0x129: {  	v5 =	vld.idx.msk [tilespmem:v5+s5+$0x0], $0xffff  }
0x12a: {  	v3 =	vld.idx.msk [tilespmem:v3+s13+$0x0], $0xffff  }
0x12b: {  	s10 =	simm.s32 $0x6E28;
	v2 =	vld.idx.msk [tilespmem:v2+s14+$0x0], $0xffff  }
0x12c: {  	v4 =	vld.idx.msk [tilespmem:v4+s10+$0x0], $0xffff;
	_ =	sdelay $0x1  }
0x12d: {  	[tilespmem:s30+$0xFFFFEA00] =	vst v5  }
0x12e: {  	v5 =	vld [tilespmem:s28+$0xFFFFEC00];
	[tilespmem:s24+$0xFFFFF600] =	vst v3  }
0x12f: {  	v3 =	vld [tilespmem:s25+$0xFFFFF800];
	[tilespmem:s24+$0xFFFFF810] =	vst v2  }
0x130: {  	[tilespmem:s30+$0xFFFFEC10] =	vst v4;
	v2 =	vld [tilespmem:s25+$0xFFFFFA10]  }
0x131: {  	v4 =	vld [tilespmem:s28+$0xFFFFEE10];
	_ =	sdelay $0x4  }
0x132: {  	v5 =	vld.idx.msk [tilespmem:v5+s10+$0x0], $0xffff  }
0x133: {  	v3 =	vld.idx.msk [tilespmem:v3+s14+$0x0], $0xffff  }
0x134: {  	s11 =	simm.s32 $0x6E60;
	v2 =	vld.idx.msk [tilespmem:v2+s15+$0x0], $0xffff  }
0x135: {  	v4 =	vld.idx.msk [tilespmem:v4+s11+$0x0], $0xffff;
	_ =	sdelay $0x1  }
0x136: {  	[tilespmem:s30+$0xFFFFEC00] =	vst v5  }
0x137: {  	v5 =	vld [tilespmem:s28+$0xFFFFEE00];
	[tilespmem:s24+$0xFFFFF800] =	vst v3  }
0x138: {  	v3 =	vld [tilespmem:s25+$0xFFFFFA00];
	[tilespmem:s24+$0xFFFFFA10] =	vst v2  }
0x139: {  	[tilespmem:s30+$0xFFFFEE10] =	vst v4;
	v2 =	vld [tilespmem:s25+$0xFFFFFC10]  }
0x13a: {  	s31 =	simm.s32 $0x1A40;
	v4 =	vld [tilespmem:s28+$0xFFFFF010]  }
0x13b: {  	v6 =	vld [tilespmem:s31+$0xFFFFE610]  }
0x13c: {  	v7 =	vld [tilespmem:s31+$0xFFFFE600];
	_ =	sdelay $0x2  }
0x13d: {  	v5 =	vld.idx.msk [tilespmem:v5+s11+$0x0], $0xffff  }
0x13e: {  	v3 =	vld.idx.msk [tilespmem:v3+s15+$0x0], $0xffff  }
0x13f: {  	s12 =	simm.s32 $0x6E98;
	v2 =	vld.idx.msk [tilespmem:v2+s16+$0x0], $0xffff  }
0x140: {  	v4 =	vld.idx.msk [tilespmem:v4+s12+$0x0], $0xffff  }
0x141: {  	v6 =	vld.idx.msk [tilespmem:v6+s4+$0x0], $0xffff  }
0x142: {  	v7 =	vld.idx.msk [tilespmem:v7+s4+$0x0], $0xffff;
	[tilespmem:s30+$0xFFFFEE00] =	vst v5  }
0x143: {  	v5 =	vld [tilespmem:s28+$0xFFFFF000];
	[tilespmem:s24+$0xFFFFFA00] =	vst v3  }
0x144: {  	v3 =	vld [tilespmem:s25+$0xFFFFFC00];
	[tilespmem:s24+$0xFFFFFC10] =	vst v2  }
0x145: {  	s0 =	simm.s32 $0x4E40;
	[tilespmem:s30+$0xFFFFF010] =	vst v4;
	v2 =	vld [tilespmem:s25+$0xFFFFFE10]  }
0x146: {  	[tilespmem:s0+$0xFFFFE610] =	vst v6;
	v4 =	vld [tilespmem:s28+$0xFFFFF210]  }
0x147: {  	[tilespmem:s0+$0xFFFFE600] =	vst v7;
	v6 =	vld [tilespmem:s31+$0xFFFFE810]  }
0x148: {  	v7 =	vld [tilespmem:s31+$0xFFFFE800];
	_ =	sdelay $0x2  }
0x149: {  	v5 =	vld.idx.msk [tilespmem:v5+s12+$0x0], $0xffff  }
0x14a: {  	v3 =	vld.idx.msk [tilespmem:v3+s16+$0x0], $0xffff  }
0x14b: {  	s1 =	simm.s32 $0x6ED0;
	v2 =	vld.idx.msk [tilespmem:v2+s17+$0x0], $0xffff  }
0x14c: {  	v4 =	vld.idx.msk [tilespmem:v4+s1+$0x0], $0xffff  }
0x14d: {  	v6 =	vld.idx.msk [tilespmem:v6+s3+$0x0], $0xffff  }
0x14e: {  	v7 =	vld.idx.msk [tilespmem:v7+s3+$0x0], $0xffff;
	[tilespmem:s30+$0xFFFFF000] =	vst v5  }
0x14f: {  	v5 =	vld [tilespmem:s28+$0xFFFFF200];
	[tilespmem:s24+$0xFFFFFC00] =	vst v3  }
0x150: {  	v3 =	vld [tilespmem:s25+$0xFFFFFE00];
	[tilespmem:s24+$0xFFFFFE10] =	vst v2  }
0x151: {  	[tilespmem:s30+$0xFFFFF210] =	vst v4;
	v2 =	vld [tilespmem:s25+$0x10]  }
0x152: {  	[tilespmem:s0+$0xFFFFE810] =	vst v6;
	v4 =	vld [tilespmem:s28+$0xFFFFF410]  }
0x153: {  	[tilespmem:s0+$0xFFFFE800] =	vst v7;
	v6 =	vld [tilespmem:s31+$0xFFFFEA10]  }
0x154: {  	v7 =	vld [tilespmem:s31+$0xFFFFEA00];
	_ =	sdelay $0x2  }
0x155: {  	v5 =	vld.idx.msk [tilespmem:v5+s1+$0x0], $0xffff  }
0x156: {  	v3 =	vld.idx.msk [tilespmem:v3+s17+$0x0], $0xffff  }
0x157: {  	v2 =	vld.idx.msk [tilespmem:v2+s18+$0x0], $0xffff  }
0x158: {  	v4 =	vld.idx.msk [tilespmem:v4+s2+$0x0], $0xffff  }
0x159: {  	v6 =	vld.idx.msk [tilespmem:v6+s5+$0x0], $0xffff  }
0x15a: {  	v7 =	vld.idx.msk [tilespmem:v7+s5+$0x0], $0xffff;
	[tilespmem:s30+$0xFFFFF200] =	vst v5  }
0x15b: {  	v5 =	vld [tilespmem:s28+$0xFFFFF400];
	[tilespmem:s24+$0xFFFFFE00] =	vst v3  }
0x15c: {  	v3 =	vld [tilespmem:s25+$0x0];
	[tilespmem:s24+$0x10] =	vst v2  }
0x15d: {  	[tilespmem:s30+$0xFFFFF410] =	vst v4;
	v2 =	vld [tilespmem:s25+$0x210]  }
0x15e: {  	[tilespmem:s0+$0xFFFFEA10] =	vst v6;
	v4 =	vld [tilespmem:s28+$0xFFFFF610]  }
0x15f: {  	[tilespmem:s0+$0xFFFFEA00] =	vst v7;
	v6 =	vld [tilespmem:s31+$0xFFFFEC10]  }
0x160: {  	v7 =	vld [tilespmem:s31+$0xFFFFEC00];
	_ =	sdelay $0x2  }
0x161: {  	v5 =	vld.idx.msk [tilespmem:v5+s2+$0x0], $0xffff  }
0x162: {  	v3 =	vld.idx.msk [tilespmem:v3+s18+$0x0], $0xffff  }
0x163: {  	v2 =	vld.idx.msk [tilespmem:v2+s19+$0x0], $0xffff  }
0x164: {  	v4 =	vld.idx.msk [tilespmem:v4+s13+$0x0], $0xffff  }
0x165: {  	v6 =	vld.idx.msk [tilespmem:v6+s10+$0x0], $0xffff  }
0x166: {  	v7 =	vld.idx.msk [tilespmem:v7+s10+$0x0], $0xffff;
	[tilespmem:s30+$0xFFFFF400] =	vst v5  }
0x167: {  	v5 =	vld [tilespmem:s28+$0xFFFFF600];
	[tilespmem:s24+$0x0] =	vst v3  }
0x168: {  	v3 =	vld [tilespmem:s25+$0x200];
	[tilespmem:s24+$0x210] =	vst v2  }
0x169: {  	[tilespmem:s30+$0xFFFFF610] =	vst v4;
	v2 =	vld [tilespmem:s25+$0x410]  }
0x16a: {  	[tilespmem:s0+$0xFFFFEC10] =	vst v6;
	v4 =	vld [tilespmem:s28+$0xFFFFF810]  }
0x16b: {  	[tilespmem:s0+$0xFFFFEC00] =	vst v7;
	v6 =	vld [tilespmem:s31+$0xFFFFEE10]  }
0x16c: {  	v7 =	vld [tilespmem:s31+$0xFFFFEE00];
	_ =	sdelay $0x2  }
0x16d: {  	v5 =	vld.idx.msk [tilespmem:v5+s13+$0x0], $0xffff  }
0x16e: {  	v3 =	vld.idx.msk [tilespmem:v3+s19+$0x0], $0xffff  }
0x16f: {  	v2 =	vld.idx.msk [tilespmem:v2+s20+$0x0], $0xffff  }
0x170: {  	v4 =	vld.idx.msk [tilespmem:v4+s14+$0x0], $0xffff  }
0x171: {  	v6 =	vld.idx.msk [tilespmem:v6+s11+$0x0], $0xffff  }
0x172: {  	v7 =	vld.idx.msk [tilespmem:v7+s11+$0x0], $0xffff;
	[tilespmem:s30+$0xFFFFF600] =	vst v5  }
0x173: {  	v5 =	vld [tilespmem:s28+$0xFFFFF800];
	[tilespmem:s24+$0x200] =	vst v3  }
0x174: {  	v3 =	vld [tilespmem:s25+$0x400];
	[tilespmem:s24+$0x410] =	vst v2  }
0x175: {  	[tilespmem:s30+$0xFFFFF810] =	vst v4;
	v2 =	vld [tilespmem:s25+$0x610]  }
0x176: {  	[tilespmem:s0+$0xFFFFEE10] =	vst v6;
	v4 =	vld [tilespmem:s28+$0xFFFFFA10]  }
0x177: {  	[tilespmem:s0+$0xFFFFEE00] =	vst v7;
	v6 =	vld [tilespmem:s31+$0xFFFFF010]  }
0x178: {  	v7 =	vld [tilespmem:s31+$0xFFFFF000];
	_ =	sdelay $0x2  }
0x179: {  	v5 =	vld.idx.msk [tilespmem:v5+s14+$0x0], $0xffff  }
0x17a: {  	v3 =	vld.idx.msk [tilespmem:v3+s20+$0x0], $0xffff  }
0x17b: {  	v2 =	vld.idx.msk [tilespmem:v2+s21+$0x0], $0xffff  }
0x17c: {  	v4 =	vld.idx.msk [tilespmem:v4+s15+$0x0], $0xffff  }
0x17d: {  	v6 =	vld.idx.msk [tilespmem:v6+s12+$0x0], $0xffff  }
0x17e: {  	v7 =	vld.idx.msk [tilespmem:v7+s12+$0x0], $0xffff;
	[tilespmem:s30+$0xFFFFF800] =	vst v5  }
0x17f: {  	v5 =	vld [tilespmem:s28+$0xFFFFFA00];
	[tilespmem:s24+$0x400] =	vst v3  }
0x180: {  	v3 =	vld [tilespmem:s25+$0x600];
	[tilespmem:s24+$0x610] =	vst v2  }
0x181: {  	[tilespmem:s30+$0xFFFFFA10] =	vst v4;
	v2 =	vld [tilespmem:s25+$0x810]  }
0x182: {  	[tilespmem:s0+$0xFFFFF010] =	vst v6;
	v4 =	vld [tilespmem:s28+$0xFFFFFC10]  }
0x183: {  	[tilespmem:s0+$0xFFFFF000] =	vst v7;
	v6 =	vld [tilespmem:s31+$0xFFFFF210]  }
0x184: {  	v7 =	vld [tilespmem:s31+$0xFFFFF200];
	_ =	sdelay $0x2  }
0x185: {  	v5 =	vld.idx.msk [tilespmem:v5+s15+$0x0], $0xffff  }
0x186: {  	v3 =	vld.idx.msk [tilespmem:v3+s21+$0x0], $0xffff  }
0x187: {  	v2 =	vld.idx.msk [tilespmem:v2+s22+$0x0], $0xffff  }
0x188: {  	v4 =	vld.idx.msk [tilespmem:v4+s16+$0x0], $0xffff  }
0x189: {  	v6 =	vld.idx.msk [tilespmem:v6+s1+$0x0], $0xffff  }
0x18a: {  	v7 =	vld.idx.msk [tilespmem:v7+s1+$0x0], $0xffff;
	[tilespmem:s30+$0xFFFFFA00] =	vst v5  }
0x18b: {  	v5 =	vld [tilespmem:s28+$0xFFFFFC00];
	[tilespmem:s24+$0x600] =	vst v3  }
0x18c: {  	v3 =	vld [tilespmem:s25+$0x800];
	[tilespmem:s24+$0x810] =	vst v2  }
0x18d: {  	[tilespmem:s30+$0xFFFFFC10] =	vst v4;
	v2 =	vld [tilespmem:s25+$0xA10]  }
0x18e: {  	v4 =	vld [tilespmem:s28+$0xFFFFFE10]  }
0x18f: {  	s1 =	simm.s32 $0x1A60  }
0x190: {  	v8 =	vld [tilespmem:s1+$0xFFFFE610];
	[tilespmem:s0+$0xFFFFF210] =	vst v6  }
0x191: {  	[tilespmem:s0+$0xFFFFF200] =	vst v7;
	v6 =	vld [tilespmem:s31+$0xFFFFF410]  }
0x192: {  	v7 =	vld [tilespmem:s31+$0xFFFFF400]  }
0x193: {  	v5 =	vld.idx.msk [tilespmem:v5+s16+$0x0], $0xffff  }
0x194: {  	v3 =	vld.idx.msk [tilespmem:v3+s22+$0x0], $0xffff  }
0x195: {  	v2 =	vld.idx.msk [tilespmem:v2+s23+$0x0], $0xffff  }
0x196: {  	v4 =	vld.idx.msk [tilespmem:v4+s17+$0x0], $0xffff  }
0x197: {  	v9 =	vld [tilespmem:s1+$0xFFFFE600]  }
0x198: {  	v8 =	vld.idx.msk [tilespmem:v8+s4+$0x0], $0xffff;
	[tilespmem:s30+$0xFFFFFC00] =	vst v5  }
0x199: {  	v5 =	vld [tilespmem:s28+$0xFFFFFE00];
	[tilespmem:s24+$0x800] =	vst v3  }
0x19a: {  	v3 =	vld [tilespmem:s25+$0xA00];
	[tilespmem:s24+$0xA10] =	vst v2  }
0x19b: {  	[tilespmem:s30+$0xFFFFFE10] =	vst v4;
	v2 =	vld [tilespmem:s25+$0xC10]  }
0x19c: {  	v4 =	vld [tilespmem:s28+$0x10]  }
0x19d: {  	v6 =	vld.idx.msk [tilespmem:v6+s2+$0x0], $0xffff  }
0x19e: {  	v7 =	vld.idx.msk [tilespmem:v7+s2+$0x0], $0xffff;
	s2 =	simm.s32 $0x4E60  }
0x19f: {  	v9 =	vld.idx.msk [tilespmem:v9+s4+$0x0], $0xffff;
	[tilespmem:s2+$0xFFFFE610] =	vst v8  }
0x1a0: {  	v8 =	vld [tilespmem:s1+$0xFFFFE810]  }
0x1a1: {  	v5 =	vld.idx.msk [tilespmem:v5+s17+$0x0], $0xffff  }
0x1a2: {  	v3 =	vld.idx.msk [tilespmem:v3+s23+$0x0], $0xffff  }
0x1a3: {  	v2 =	vld.idx.msk [tilespmem:v2+s26+$0x0], $0xffff  }
0x1a4: {  	[tilespmem:s2+$0xFFFFE600] =	vst v9;
	v4 =	vld.idx.msk [tilespmem:v4+s18+$0x0], $0xffff  }
0x1a5: {  	v9 =	vld [tilespmem:s1+$0xFFFFE800];
	[tilespmem:s0+$0xFFFFF410] =	vst v6  }
0x1a6: {  	v6 =	vld [tilespmem:s31+$0xFFFFF610];
	[tilespmem:s30+$0xFFFFFE00] =	vst v5  }
0x1a7: {  	v5 =	vld [tilespmem:s28+$0x0];
	[tilespmem:s24+$0xA00] =	vst v3  }
0x1a8: {  	v3 =	vld [tilespmem:s25+$0xC00];
	[tilespmem:s24+$0xC10] =	vst v2  }
0x1a9: {  	[tilespmem:s30+$0x10] =	vst v4;
	v2 =	vld [tilespmem:s25+$0xE10]  }
0x1aa: {  	[tilespmem:s0+$0xFFFFF400] =	vst v7;
	v4 =	vld [tilespmem:s28+$0x210]  }
0x1ab: {  	v7 =	vld [tilespmem:s31+$0xFFFFF600]  }
0x1ac: {  	v8 =	vld.idx.msk [tilespmem:v8+s3+$0x0], $0xffff  }
0x1ad: {  	v9 =	vld.idx.msk [tilespmem:v9+s3+$0x0], $0xffff  }
0x1ae: {  	v6 =	vld.idx.msk [tilespmem:v6+s13+$0x0], $0xffff  }
0x1af: {  	v5 =	vld.idx.msk [tilespmem:v5+s18+$0x0], $0xffff  }
0x1b0: {  	v3 =	vld.idx.msk [tilespmem:v3+s26+$0x0], $0xffff  }
0x1b1: {  	v2 =	vld.idx.msk [tilespmem:v2+s29+$0x0], $0xffff  }
0x1b2: {  	v4 =	vld.idx.msk [tilespmem:v4+s19+$0x0], $0xffff  }
0x1b3: {  	v7 =	vld.idx.msk [tilespmem:v7+s13+$0x0], $0xffff;
	[tilespmem:s2+$0xFFFFE810] =	vst v8  }
0x1b4: {  	v8 =	vld [tilespmem:s1+$0xFFFFEA10];
	[tilespmem:s30+$0x0] =	vst v5  }
0x1b5: {  	v5 =	vld [tilespmem:s28+$0x200];
	[tilespmem:s24+$0xC00] =	vst v3  }
0x1b6: {  	v3 =	vld [tilespmem:s25+$0xE00];
	[tilespmem:s24+$0xE10] =	vst v2  }
0x1b7: {  	[tilespmem:s30+$0x210] =	vst v4;
	v2 =	vld [tilespmem:s25+$0x1010]  }
0x1b8: {  	[tilespmem:s2+$0xFFFFE800] =	vst v9;
	v4 =	vld [tilespmem:s28+$0x410]  }
0x1b9: {  	v9 =	vld [tilespmem:s1+$0xFFFFEA00];
	[tilespmem:s0+$0xFFFFF610] =	vst v6  }
0x1ba: {  	[tilespmem:s0+$0xFFFFF600] =	vst v7;
	v6 =	vld [tilespmem:s31+$0xFFFFF810]  }
0x1bb: {  	v7 =	vld [tilespmem:s31+$0xFFFFF800]  }
0x1bc: {  	v8 =	vld.idx.msk [tilespmem:v8+s5+$0x0], $0xffff  }
0x1bd: {  	v5 =	vld.idx.msk [tilespmem:v5+s19+$0x0], $0xffff  }
0x1be: {  	s7 =	simm.s32 $0x7218;
	v3 =	vld.idx.msk [tilespmem:v3+s29+$0x0], $0xffff  }
0x1bf: {  	v2 =	vld.idx.msk [tilespmem:v2+s7+$0x0], $0xffff  }
0x1c0: {  	v4 =	vld.idx.msk [tilespmem:v4+s20+$0x0], $0xffff  }
0x1c1: {  	v9 =	vld.idx.msk [tilespmem:v9+s5+$0x0], $0xffff  }
0x1c2: {  	v6 =	vld.idx.msk [tilespmem:v6+s14+$0x0], $0xffff;
	[tilespmem:s30+$0x200] =	vst v5  }
0x1c3: {  	v7 =	vld.idx.msk [tilespmem:v7+s14+$0x0], $0xffff;
	[tilespmem:s24+$0xE00] =	vst v3  }
0x1c4: {  	v3 =	vld [tilespmem:s28+$0x400];
	[tilespmem:s24+$0x1010] =	vst v2  }
0x1c5: {  	[tilespmem:s30+$0x410] =	vst v4;
	v2 =	vld [tilespmem:s25+$0x1210]  }
0x1c6: {  	[tilespmem:s2+$0xFFFFEA10] =	vst v8;
	v4 =	vld [tilespmem:s28+$0x610]  }
0x1c7: {  	[tilespmem:s2+$0xFFFFEA00] =	vst v9;
	v8 =	vld [tilespmem:s1+$0xFFFFEC10]  }
0x1c8: {  	v9 =	vld [tilespmem:s1+$0xFFFFEC00];
	[tilespmem:s0+$0xFFFFF810] =	vst v6  }
0x1c9: {  	v6 =	vld [tilespmem:s31+$0xFFFFFA10]  }
0x1ca: {  	[tilespmem:s0+$0xFFFFF800] =	vst v7  }
0x1cb: {  	v7 =	vld [tilespmem:s31+$0xFFFFFA00]  }
0x1cc: {  	s8 =	simm.s32 $0x7250;
	v3 =	vld.idx.msk [tilespmem:v3+s20+$0x0], $0xffff  }
0x1cd: {  	v2 =	vld.idx.msk [tilespmem:v2+s8+$0x0], $0xffff  }
0x1ce: {  	v4 =	vld.idx.msk [tilespmem:v4+s21+$0x0], $0xffff  }
0x1cf: {  	v8 =	vld.idx.msk [tilespmem:v8+s10+$0x0], $0xffff  }
0x1d0: {  	v9 =	vld.idx.msk [tilespmem:v9+s10+$0x0], $0xffff  }
0x1d1: {  	v6 =	vld.idx.msk [tilespmem:v6+s15+$0x0], $0xffff;
	[tilespmem:s30+$0x400] =	vst v3  }
0x1d2: {  	v3 =	vld [tilespmem:s28+$0x600];
	[tilespmem:s24+$0x1210] =	vst v2  }
0x1d3: {  	[tilespmem:s30+$0x610] =	vst v4;
	v2 =	vld [tilespmem:s25+$0x1410]  }
0x1d4: {  	v4 =	vld [tilespmem:s28+$0x810]  }
0x1d5: {  	v7 =	vld.idx.msk [tilespmem:v7+s15+$0x0], $0xffff;
	[tilespmem:s2+$0xFFFFEC10] =	vst v8  }
0x1d6: {  	v8 =	vld [tilespmem:s1+$0xFFFFEE10]  }
0x1d7: {  	[tilespmem:s2+$0xFFFFEC00] =	vst v9;
	v5 =	vld [tilespmem:s25+$0x1000]  }
0x1d8: {  	v9 =	vld [tilespmem:s1+$0xFFFFEE00];
	[tilespmem:s0+$0xFFFFFA10] =	vst v6  }
0x1d9: {  	v6 =	vld [tilespmem:s31+$0xFFFFFC10]  }
0x1da: {  	s9 =	simm.s32 $0x7288;
	v3 =	vld.idx.msk [tilespmem:v3+s21+$0x0], $0xffff  }
0x1db: {  	v2 =	vld.idx.msk [tilespmem:v2+s9+$0x0], $0xffff  }
0x1dc: {  	v4 =	vld.idx.msk [tilespmem:v4+s22+$0x0], $0xffff  }
0x1dd: {  	[tilespmem:s0+$0xFFFFFA00] =	vst v7  }
0x1de: {  	v7 =	vld [tilespmem:s31+$0xFFFFFC00]  }
0x1df: {  	v5 =	vld.idx.msk [tilespmem:v5+s7+$0x0], $0xffff;
	[tilespmem:s30+$0x600] =	vst v3  }
0x1e0: {  	[tilespmem:s24+$0x1410] =	vst v2;
	v2 =	vld [tilespmem:s28+$0x800]  }
0x1e1: {  	v8 =	vld.idx.msk [tilespmem:v8+s11+$0x0], $0xffff;
	[tilespmem:s30+$0x810] =	vst v4  }
0x1e2: {  	v4 =	vld [tilespmem:s28+$0xA10]  }
0x1e3: {  	v9 =	vld.idx.msk [tilespmem:v9+s11+$0x0], $0xffff  }
0x1e4: {  	v6 =	vld.idx.msk [tilespmem:v6+s16+$0x0], $0xffff;
	[tilespmem:s24+$0x1000] =	vst v5  }
0x1e5: {  	v5 =	vld [tilespmem:s25+$0x1200]  }
0x1e6: {  	v7 =	vld.idx.msk [tilespmem:v7+s16+$0x0], $0xffff;
	[tilespmem:s2+$0xFFFFEE10] =	vst v8  }
0x1e7: {  	v8 =	vld [tilespmem:s1+$0xFFFFF010]  }
0x1e8: {  	[tilespmem:s2+$0xFFFFEE00] =	vst v9;
	v2 =	vld.idx.msk [tilespmem:v2+s22+$0x0], $0xffff  }
0x1e9: {  	v9 =	vld [tilespmem:s1+$0xFFFFF000]  }
0x1ea: {  	[tilespmem:s0+$0xFFFFFC10] =	vst v6;
	v4 =	vld.idx.msk [tilespmem:v4+s23+$0x0], $0xffff  }
0x1eb: {  	[tilespmem:s0+$0xFFFFFC00] =	vst v7;
	v6 =	vld [tilespmem:s31+$0xFFFFFE10]  }
0x1ec: {  	v7 =	vld [tilespmem:s31+$0xFFFFFE00]  }
0x1ed: {  	v5 =	vld.idx.msk [tilespmem:v5+s8+$0x0], $0xffff;
	[tilespmem:s30+$0x800] =	vst v2  }
0x1ee: {  	v2 =	vld [tilespmem:s28+$0xA00]  }
0x1ef: {  	[tilespmem:s30+$0xA10] =	vst v4;
	v3 =	vld [tilespmem:s25+$0x1610]  }
0x1f0: {  	v4 =	vld [tilespmem:s28+$0xC10]  }
0x1f1: {  	v8 =	vld.idx.msk [tilespmem:v8+s12+$0x0], $0xffff  }
0x1f2: {  	v9 =	vld.idx.msk [tilespmem:v9+s12+$0x0], $0xffff;
	[tilespmem:s24+$0x1200] =	vst v5  }
0x1f3: {  	v5 =	vld [tilespmem:s25+$0x1400]  }
0x1f4: {  	v6 =	vld.idx.msk [tilespmem:v6+s17+$0x0], $0xffff  }
0x1f5: {  	v7 =	vld.idx.msk [tilespmem:v7+s17+$0x0], $0xffff  }
0x1f6: {  	s10 =	simm.s32 $0x72C0;
	v2 =	vld.idx.msk [tilespmem:v2+s23+$0x0], $0xffff  }
0x1f7: {  	v3 =	vld.idx.msk [tilespmem:v3+s10+$0x0], $0xffff  }
0x1f8: {  	[tilespmem:s2+$0xFFFFF010] =	vst v8;
	v4 =	vld.idx.msk [tilespmem:v4+s26+$0x0], $0xffff  }
0x1f9: {  	[tilespmem:s2+$0xFFFFF000] =	vst v9;
	v8 =	vld [tilespmem:s1+$0xFFFFF210]  }
0x1fa: {  	v10 =	vld [tilespmem:s1+$0xFFFFF200]  }
0x1fb: {  	v5 =	vld.idx.msk [tilespmem:v5+s9+$0x0], $0xffff;
	[tilespmem:s30+$0xA00] =	vst v2  }
0x1fc: {  	[tilespmem:s24+$0x1610] =	vst v3;
	v2 =	vld [tilespmem:s28+$0xC00]  }
0x1fd: {  	[tilespmem:s30+$0xC10] =	vst v4;
	v3 =	vld [tilespmem:s25+$0x1810]  }
0x1fe: {  	[tilespmem:s0+$0xFFFFFE10] =	vst v6;
	v4 =	vld [tilespmem:s28+$0xE10]  }
0x1ff: {  	[tilespmem:s0+$0xFFFFFE00] =	vst v7;
	v6 =	vld [tilespmem:s31+$0x10]  }
0x200: {  	v11 =	vld [tilespmem:s31+$0x0];
	[tilespmem:s24+$0x1400] =	vst v5  }
0x201: {  	s12 =	simm.s32 $0x6ED0;
	v9 =	vld [tilespmem:s25+$0x1600]  }
0x202: {  	v8 =	vld.idx.msk [tilespmem:v8+s12+$0x0], $0xffff  }
0x203: {  	v7 =	vld.idx.msk [tilespmem:v10+s12+$0x0], $0xffff  }
0x204: {  	s11 =	simm.s32 $0x72F8;
	v2 =	vld.idx.msk [tilespmem:v2+s26+$0x0], $0xffff  }
0x205: {  	v63 =	vld.idx.msk [tilespmem:v3+s11+$0x0], $0xffff  }
0x206: {  	v4 =	vld.idx.msk [tilespmem:v4+s29+$0x0], $0xffff  }
0x207: {  	v5 =	vld.idx.msk [tilespmem:v6+s18+$0x0], $0xffff  }
0x208: {  	v6 =	vld.idx.msk [tilespmem:v11+s18+$0x0], $0xffff  }
0x209: {  	[tilespmem:s30+$0xC00] =	vst v2;
	v2 =	vld.idx.msk [tilespmem:v9+s10+$0x0], $0xffff  }
0x20a: {  	s6 =	simm.s32 $0x6D80;
	s4 =	simm.s32 $0x1A80;
	s3 =	simm.s32 $0x6;
	[tilespmem:s24+$0x1810] =	vst v63;
	v3 =	vld [tilespmem:s28+$0xE00]  }
.LBB2_4:
0x20b: {  	v9 =	vld [tilespmem:s4+$0xFFFFE610];
	s3 =	sadd.s32 $0x2, s3;
	[tilespmem:s2+$0xFFFFF210] =	vst v8;
	s5 =	smov.u32 s0;
	s0 =	smov.u32 s2  }
0x20c: {  	p0 =	slt.u32 s3, $0x1E;
	v8 =	vld [tilespmem:s1+$0xFFFFF410];
	[tilespmem:s5+$0x10] =	vst v5  }
0x20d: {  	v5 =	vld [tilespmem:s31+$0x210];
	[tilespmem:s30+$0xE10] =	vst v4  }
0x20e: {  	v4 =	vld [tilespmem:s28+$0x1010];
	[tilespmem:s24+$0x1600] =	vst v2  }
0x20f: {  	v2 =	vld [tilespmem:s4+$0xFFFFE600];
	[tilespmem:s2+$0xFFFFF200] =	vst v7  }
0x210: {  	v7 =	vld [tilespmem:s1+$0xFFFFF400];
	[tilespmem:s5+$0x0] =	vst v6  }
0x211: {  	v6 =	vld [tilespmem:s31+$0x200]  }
0x212: {  	v3 =	vld.idx.msk [tilespmem:v3+s29+$0x0], $0xffff  }
0x213: {  	s12 =	simm.s32 $0x6F08;
	v9 =	vld.idx.msk [tilespmem:v9+s6+$0x0], $0xffff  }
0x214: {  	v8 =	vld.idx.msk [tilespmem:v8+s12+$0x0], $0xffff  }
0x215: {  	v5 =	vld.idx.msk [tilespmem:v5+s19+$0x0], $0xffff  }
0x216: {  	v4 =	vld.idx.msk [tilespmem:v4+s7+$0x0], $0xffff  }
0x217: {  	v2 =	vld.idx.msk [tilespmem:v2+s6+$0x0], $0xffff  }
0x218: {  	s2 =	sadd.s32 $0x20, s2;
	v7 =	vld.idx.msk [tilespmem:v7+s12+$0x0], $0xffff;
	[tilespmem:s30+$0xE00] =	vst v3  }
0x219: {  	[tilespmem:s2+$0xFFFFE610] =	vst v9;
	v3 =	vld.idx.msk [tilespmem:v6+s19+$0x0], $0xffff  }
0x21a: {  	v6 =	vld [tilespmem:s4+$0xFFFFE810];
	[tilespmem:s0+$0xFFFFF410] =	vst v8  }
0x21b: {  	v8 =	vld [tilespmem:s1+$0xFFFFF610];
	[tilespmem:s5+$0x210] =	vst v5  }
0x21c: {  	v5 =	vld [tilespmem:s31+$0x410];
	[tilespmem:s30+$0x1010] =	vst v4  }
0x21d: {  	[tilespmem:s2+$0xFFFFE600] =	vst v2;
	v2 =	vld [tilespmem:s28+$0x1210]  }
0x21e: {  	v4 =	vld [tilespmem:s4+$0xFFFFE800];
	[tilespmem:s0+$0xFFFFF400] =	vst v7  }
0x21f: {  	v7 =	vld [tilespmem:s1+$0xFFFFF600];
	[tilespmem:s5+$0x200] =	vst v3  }
0x220: {  	v3 =	vld [tilespmem:s31+$0x400]  }
0x221: {  	s12 =	simm.s32 $0x6DB8;
	v9 =	vld [tilespmem:s28+$0x1000]  }
0x222: {  	v6 =	vld.idx.msk [tilespmem:v6+s12+$0x0], $0xffff  }
0x223: {  	v8 =	vld.idx.msk [tilespmem:v8+s13+$0x0], $0xffff  }
0x224: {  	v5 =	vld.idx.msk [tilespmem:v5+s20+$0x0], $0xffff  }
0x225: {  	v2 =	vld.idx.msk [tilespmem:v2+s8+$0x0], $0xffff  }
0x226: {  	v4 =	vld.idx.msk [tilespmem:v4+s12+$0x0], $0xffff  }
0x227: {  	v7 =	vld.idx.msk [tilespmem:v7+s13+$0x0], $0xffff  }
0x228: {  	[tilespmem:s2+$0xFFFFE810] =	vst v6;
	v3 =	vld.idx.msk [tilespmem:v3+s20+$0x0], $0xffff  }
0x229: {  	v6 =	vld [tilespmem:s4+$0xFFFFEA10];
	[tilespmem:s0+$0xFFFFF610] =	vst v8  }
0x22a: {  	v8 =	vld [tilespmem:s1+$0xFFFFF810];
	[tilespmem:s5+$0x410] =	vst v5  }
0x22b: {  	v5 =	vld [tilespmem:s31+$0x610];
	[tilespmem:s30+$0x1210] =	vst v2  }
0x22c: {  	[tilespmem:s2+$0xFFFFE800] =	vst v4;
	v2 =	vld [tilespmem:s28+$0x1410]  }
0x22d: {  	v4 =	vld [tilespmem:s4+$0xFFFFEA00];
	[tilespmem:s0+$0xFFFFF600] =	vst v7  }
0x22e: {  	v7 =	vld [tilespmem:s1+$0xFFFFF800];
	[tilespmem:s5+$0x400] =	vst v3  }
0x22f: {  	v3 =	vld [tilespmem:s31+$0x600]  }
0x230: {  	s12 =	simm.s32 $0x6DF0;
	v9 =	vld.idx.msk [tilespmem:v9+s7+$0x0], $0xffff  }
0x231: {  	v6 =	vld.idx.msk [tilespmem:v6+s12+$0x0], $0xffff  }
0x232: {  	v8 =	vld.idx.msk [tilespmem:v8+s14+$0x0], $0xffff  }
0x233: {  	v5 =	vld.idx.msk [tilespmem:v5+s21+$0x0], $0xffff  }
0x234: {  	v2 =	vld.idx.msk [tilespmem:v2+s9+$0x0], $0xffff  }
0x235: {  	v4 =	vld.idx.msk [tilespmem:v4+s12+$0x0], $0xffff  }
0x236: {  	v7 =	vld.idx.msk [tilespmem:v7+s14+$0x0], $0xffff;
	[tilespmem:s30+$0x1000] =	vst v9  }
0x237: {  	[tilespmem:s2+$0xFFFFEA10] =	vst v6;
	v3 =	vld.idx.msk [tilespmem:v3+s21+$0x0], $0xffff  }
0x238: {  	v6 =	vld [tilespmem:s4+$0xFFFFEC10];
	[tilespmem:s0+$0xFFFFF810] =	vst v8  }
0x239: {  	v8 =	vld [tilespmem:s1+$0xFFFFFA10];
	[tilespmem:s5+$0x610] =	vst v5  }
0x23a: {  	v5 =	vld [tilespmem:s31+$0x810];
	[tilespmem:s30+$0x1410] =	vst v2  }
0x23b: {  	[tilespmem:s2+$0xFFFFEA00] =	vst v4;
	v2 =	vld [tilespmem:s28+$0x1610]  }
0x23c: {  	v4 =	vld [tilespmem:s4+$0xFFFFEC00];
	[tilespmem:s0+$0xFFFFF800] =	vst v7  }
0x23d: {  	v7 =	vld [tilespmem:s1+$0xFFFFFA00];
	[tilespmem:s5+$0x600] =	vst v3  }
0x23e: {  	v3 =	vld [tilespmem:s31+$0x800]  }
0x23f: {  	s12 =	simm.s32 $0x6E28;
	v9 =	vld [tilespmem:s28+$0x1200]  }
0x240: {  	v6 =	vld.idx.msk [tilespmem:v6+s12+$0x0], $0xffff  }
0x241: {  	v8 =	vld.idx.msk [tilespmem:v8+s15+$0x0], $0xffff  }
0x242: {  	v5 =	vld.idx.msk [tilespmem:v5+s22+$0x0], $0xffff  }
0x243: {  	v2 =	vld.idx.msk [tilespmem:v2+s10+$0x0], $0xffff  }
0x244: {  	v4 =	vld.idx.msk [tilespmem:v4+s12+$0x0], $0xffff  }
0x245: {  	v7 =	vld.idx.msk [tilespmem:v7+s15+$0x0], $0xffff  }
0x246: {  	[tilespmem:s2+$0xFFFFEC10] =	vst v6;
	v3 =	vld.idx.msk [tilespmem:v3+s22+$0x0], $0xffff  }
0x247: {  	v6 =	vld [tilespmem:s4+$0xFFFFEE10];
	[tilespmem:s0+$0xFFFFFA10] =	vst v8  }
0x248: {  	v8 =	vld [tilespmem:s1+$0xFFFFFC10];
	[tilespmem:s5+$0x810] =	vst v5  }
0x249: {  	v5 =	vld [tilespmem:s31+$0xA10];
	[tilespmem:s30+$0x1610] =	vst v2  }
0x24a: {  	[tilespmem:s2+$0xFFFFEC00] =	vst v4;
	v2 =	vld [tilespmem:s28+$0x1810]  }
0x24b: {  	v4 =	vld [tilespmem:s4+$0xFFFFEE00];
	[tilespmem:s0+$0xFFFFFA00] =	vst v7  }
0x24c: {  	v7 =	vld [tilespmem:s1+$0xFFFFFC00];
	[tilespmem:s5+$0x800] =	vst v3  }
0x24d: {  	v3 =	vld [tilespmem:s31+$0xA00]  }
0x24e: {  	s12 =	simm.s32 $0x6E60;
	v9 =	vld.idx.msk [tilespmem:v9+s8+$0x0], $0xffff  }
0x24f: {  	v6 =	vld.idx.msk [tilespmem:v6+s12+$0x0], $0xffff  }
0x250: {  	v8 =	vld.idx.msk [tilespmem:v8+s16+$0x0], $0xffff  }
0x251: {  	v5 =	vld.idx.msk [tilespmem:v5+s23+$0x0], $0xffff  }
0x252: {  	v2 =	vld.idx.msk [tilespmem:v2+s11+$0x0], $0xffff  }
0x253: {  	v4 =	vld.idx.msk [tilespmem:v4+s12+$0x0], $0xffff  }
0x254: {  	v7 =	vld.idx.msk [tilespmem:v7+s16+$0x0], $0xffff;
	[tilespmem:s30+$0x1200] =	vst v9  }
0x255: {  	[tilespmem:s2+$0xFFFFEE10] =	vst v6;
	v3 =	vld.idx.msk [tilespmem:v3+s23+$0x0], $0xffff  }
0x256: {  	v6 =	vld [tilespmem:s4+$0xFFFFF010];
	[tilespmem:s0+$0xFFFFFC10] =	vst v8  }
0x257: {  	v8 =	vld [tilespmem:s1+$0xFFFFFE10];
	[tilespmem:s5+$0xA10] =	vst v5  }
0x258: {  	v5 =	vld [tilespmem:s31+$0xC10];
	[tilespmem:s30+$0x1810] =	vst v2  }
0x259: {  	[tilespmem:s2+$0xFFFFEE00] =	vst v4;
	v2 =	vld [tilespmem:s28+$0x1400]  }
0x25a: {  	v4 =	vld [tilespmem:s4+$0xFFFFF000];
	[tilespmem:s0+$0xFFFFFC00] =	vst v7  }
0x25b: {  	v7 =	vld [tilespmem:s1+$0xFFFFFE00];
	[tilespmem:s5+$0xA00] =	vst v3  }
0x25c: {  	s12 =	simm.s32 $0x6E98;
	v3 =	vld [tilespmem:s31+$0xC00]  }
0x25d: {  	v9 =	vld [tilespmem:s25+$0x1800];
	s25 =	smov.u32 s28;
	s28 =	smov.u32 s31;
	s31 =	smov.u32 s1  }
0x25e: {  	s1 =	smov.u32 s4;
	v6 =	vld.idx.msk [tilespmem:v6+s12+$0x0], $0xffff  }
0x25f: {  	v8 =	vld.idx.msk [tilespmem:v8+s17+$0x0], $0xffff  }
0x260: {  	v5 =	vld.idx.msk [tilespmem:v5+s26+$0x0], $0xffff  }
0x261: {  	v2 =	vld.idx.msk [tilespmem:v2+s9+$0x0], $0xffff  }
0x262: {  	v4 =	vld.idx.msk [tilespmem:v4+s12+$0x0], $0xffff  }
0x263: {  	v7 =	vld.idx.msk [tilespmem:v7+s17+$0x0], $0xffff  }
0x264: {  	[tilespmem:s2+$0xFFFFF010] =	vst v6;
	v3 =	vld.idx.msk [tilespmem:v3+s26+$0x0], $0xffff  }
0x265: {  	v6 =	vld [tilespmem:s4+$0xFFFFF210];
	[tilespmem:s0+$0xFFFFFE10] =	vst v8  }
0x266: {  	v10 =	vld [tilespmem:s31+$0x10];
	[tilespmem:s5+$0xC10] =	vst v5  }
0x267: {  	v11 =	vld [tilespmem:s28+$0xE10];
	[tilespmem:s30+$0x1400] =	vst v2  }
0x268: {  	[tilespmem:s2+$0xFFFFF000] =	vst v4;
	v2 =	vld [tilespmem:s25+$0x1600]  }
0x269: {  	v12 =	vld [tilespmem:s4+$0xFFFFF200];
	[tilespmem:s0+$0xFFFFFE00] =	vst v7  }
0x26a: {  	v13 =	vld [tilespmem:s31+$0x0];
	[tilespmem:s5+$0xC00] =	vst v3  }
0x26b: {  	v3 =	vld [tilespmem:s28+$0xE00]  }
0x26c: {  	s12 =	simm.s32 $0x6ED0;
	v9 =	vld.idx.msk [tilespmem:v9+s11+$0x0], $0xffff  }
0x26d: {  	v8 =	vld.idx.msk [tilespmem:v6+s12+$0x0], $0xffff  }
.Ltmp1:
0x26e: {  	v5 =	vld.idx.msk [tilespmem:v10+s18+$0x0], $0xffff;
	(pc) =	sbr.rel @p0 .LBB2_4-.Ltmp1, $4  }
0x26f: {  	v4 =	vld.idx.msk [tilespmem:v11+s29+$0x0], $0xffff  }
0x270: {  	v2 =	vld.idx.msk [tilespmem:v2+s10+$0x0], $0xffff  }
0x271: {  	v7 =	vld.idx.msk [tilespmem:v12+s12+$0x0], $0xffff  }
0x272: {  	s4 =	sadd.s32 $0x20, s4;
	v6 =	vld.idx.msk [tilespmem:v13+s18+$0x0], $0xffff;
	[tilespmem:s24+$0x1800] =	vst v9;
	s24 =	smov.u32 s30;
	s30 =	smov.u32 s5  }
0x273: {  	_ =	sdelay $0x1  }
0x274: {  	[tilespmem:s2+$0xFFFFF210] =	vst v8  }
0x275: {  	v8 =	vld [tilespmem:s1+$0xFFFFF410];
	[tilespmem:s2+$0xFFFFF200] =	vst v7  }
0x276: {  	v7 =	vld [tilespmem:s1+$0xFFFFF400];
	_ =	sdelay $0x5  }
0x277: {  	s3 =	simm.s32 $0x6F08  }
0x278: {  	v8 =	vld.idx.msk [tilespmem:v8+s3+$0x0], $0xffff  }
0x279: {  	v7 =	vld.idx.msk [tilespmem:v7+s3+$0x0], $0xffff;
	_ =	sdelay $0x3  }
0x27a: {  	[tilespmem:s2+$0xFFFFF410] =	vst v8  }
0x27b: {  	v8 =	vld [tilespmem:s1+$0xFFFFF610];
	[tilespmem:s2+$0xFFFFF400] =	vst v7  }
0x27c: {  	v7 =	vld [tilespmem:s1+$0xFFFFF600];
	_ =	sdelay $0x6  }
0x27d: {  	v8 =	vld.idx.msk [tilespmem:v8+s13+$0x0], $0xffff  }
0x27e: {  	v7 =	vld.idx.msk [tilespmem:v7+s13+$0x0], $0xffff;
	_ =	sdelay $0x3  }
0x27f: {  	[tilespmem:s2+$0xFFFFF610] =	vst v8  }
0x280: {  	v8 =	vld [tilespmem:s1+$0xFFFFF810];
	[tilespmem:s2+$0xFFFFF600] =	vst v7  }
0x281: {  	v7 =	vld [tilespmem:s1+$0xFFFFF800];
	_ =	sdelay $0x6  }
0x282: {  	v8 =	vld.idx.msk [tilespmem:v8+s14+$0x0], $0xffff  }
0x283: {  	v7 =	vld.idx.msk [tilespmem:v7+s14+$0x0], $0xffff;
	_ =	sdelay $0x3  }
0x284: {  	[tilespmem:s2+$0xFFFFF810] =	vst v8  }
0x285: {  	v8 =	vld [tilespmem:s1+$0xFFFFFA10];
	[tilespmem:s2+$0xFFFFF800] =	vst v7  }
0x286: {  	v7 =	vld [tilespmem:s1+$0xFFFFFA00];
	_ =	sdelay $0x6  }
0x287: {  	v8 =	vld.idx.msk [tilespmem:v8+s15+$0x0], $0xffff  }
0x288: {  	v7 =	vld.idx.msk [tilespmem:v7+s15+$0x0], $0xffff;
	_ =	sdelay $0x3  }
0x289: {  	[tilespmem:s2+$0xFFFFFA10] =	vst v8  }
0x28a: {  	v8 =	vld [tilespmem:s1+$0xFFFFFC10];
	[tilespmem:s2+$0xFFFFFA00] =	vst v7  }
0x28b: {  	v7 =	vld [tilespmem:s1+$0xFFFFFC00];
	_ =	sdelay $0x6  }
0x28c: {  	v8 =	vld.idx.msk [tilespmem:v8+s16+$0x0], $0xffff  }
0x28d: {  	v7 =	vld.idx.msk [tilespmem:v7+s16+$0x0], $0xffff;
	_ =	sdelay $0x3  }
0x28e: {  	[tilespmem:s2+$0xFFFFFC10] =	vst v8  }
0x28f: {  	v8 =	vld [tilespmem:s1+$0xFFFFFE10];
	[tilespmem:s2+$0xFFFFFC00] =	vst v7  }
0x290: {  	v7 =	vld [tilespmem:s1+$0xFFFFFE00];
	_ =	sdelay $0x6  }
0x291: {  	v8 =	vld.idx.msk [tilespmem:v8+s17+$0x0], $0xffff  }
0x292: {  	v7 =	vld.idx.msk [tilespmem:v7+s17+$0x0], $0xffff;
	_ =	sdelay $0x3  }
0x293: {  	[tilespmem:s2+$0xFFFFFE10] =	vst v8  }
0x294: {  	v8 =	vld [tilespmem:s1+$0x10];
	[tilespmem:s2+$0xFFFFFE00] =	vst v7  }
0x295: {  	v7 =	vld [tilespmem:s1+$0x0];
	_ =	sdelay $0x6  }
0x296: {  	v8 =	vld.idx.msk [tilespmem:v8+s18+$0x0], $0xffff  }
0x297: {  	v7 =	vld.idx.msk [tilespmem:v7+s18+$0x0], $0xffff  }
0x298: {  	[tilespmem:s0+$0x10] =	vst v5  }
0x299: {  	v5 =	vld [tilespmem:s31+$0x210];
	[tilespmem:s0+$0x0] =	vst v6  }
0x29a: {  	v6 =	vld [tilespmem:s31+$0x200]  }
0x29b: {  	[tilespmem:s2+$0x10] =	vst v8  }
0x29c: {  	v8 =	vld [tilespmem:s1+$0x210];
	[tilespmem:s2+$0x0] =	vst v7  }
0x29d: {  	v7 =	vld [tilespmem:s1+$0x200];
	_ =	sdelay $0x3  }
0x29e: {  	v5 =	vld.idx.msk [tilespmem:v5+s19+$0x0], $0xffff  }
0x29f: {  	v6 =	vld.idx.msk [tilespmem:v6+s19+$0x0], $0xffff;
	_ =	sdelay $0x1  }
0x2a0: {  	v8 =	vld.idx.msk [tilespmem:v8+s19+$0x0], $0xffff  }
0x2a1: {  	v7 =	vld.idx.msk [tilespmem:v7+s19+$0x0], $0xffff  }
0x2a2: {  	[tilespmem:s0+$0x210] =	vst v5  }
0x2a3: {  	v5 =	vld [tilespmem:s31+$0x410];
	[tilespmem:s0+$0x200] =	vst v6  }
0x2a4: {  	v6 =	vld [tilespmem:s31+$0x400]  }
0x2a5: {  	[tilespmem:s2+$0x210] =	vst v8  }
0x2a6: {  	v8 =	vld [tilespmem:s1+$0x410];
	[tilespmem:s2+$0x200] =	vst v7  }
0x2a7: {  	v7 =	vld [tilespmem:s1+$0x400];
	_ =	sdelay $0x3  }
0x2a8: {  	v5 =	vld.idx.msk [tilespmem:v5+s20+$0x0], $0xffff  }
0x2a9: {  	v6 =	vld.idx.msk [tilespmem:v6+s20+$0x0], $0xffff;
	_ =	sdelay $0x1  }
0x2aa: {  	v8 =	vld.idx.msk [tilespmem:v8+s20+$0x0], $0xffff  }
0x2ab: {  	v7 =	vld.idx.msk [tilespmem:v7+s20+$0x0], $0xffff  }
0x2ac: {  	[tilespmem:s0+$0x410] =	vst v5  }
0x2ad: {  	v5 =	vld [tilespmem:s31+$0x610];
	[tilespmem:s0+$0x400] =	vst v6  }
0x2ae: {  	v6 =	vld [tilespmem:s31+$0x600]  }
0x2af: {  	[tilespmem:s2+$0x410] =	vst v8  }
0x2b0: {  	v8 =	vld [tilespmem:s1+$0x610];
	[tilespmem:s2+$0x400] =	vst v7  }
0x2b1: {  	v7 =	vld [tilespmem:s1+$0x600];
	_ =	sdelay $0x3  }
0x2b2: {  	v5 =	vld.idx.msk [tilespmem:v5+s21+$0x0], $0xffff  }
0x2b3: {  	v6 =	vld.idx.msk [tilespmem:v6+s21+$0x0], $0xffff;
	_ =	sdelay $0x1  }
0x2b4: {  	v8 =	vld.idx.msk [tilespmem:v8+s21+$0x0], $0xffff  }
0x2b5: {  	v7 =	vld.idx.msk [tilespmem:v7+s21+$0x0], $0xffff  }
0x2b6: {  	[tilespmem:s0+$0x610] =	vst v5  }
0x2b7: {  	v5 =	vld [tilespmem:s31+$0x810];
	[tilespmem:s0+$0x600] =	vst v6  }
0x2b8: {  	v6 =	vld [tilespmem:s31+$0x800]  }
0x2b9: {  	[tilespmem:s2+$0x610] =	vst v8  }
0x2ba: {  	v8 =	vld [tilespmem:s1+$0x810];
	[tilespmem:s2+$0x600] =	vst v7  }
0x2bb: {  	v7 =	vld [tilespmem:s1+$0x800];
	_ =	sdelay $0x3  }
0x2bc: {  	v5 =	vld.idx.msk [tilespmem:v5+s22+$0x0], $0xffff  }
0x2bd: {  	v6 =	vld.idx.msk [tilespmem:v6+s22+$0x0], $0xffff;
	_ =	sdelay $0x1  }
0x2be: {  	v8 =	vld.idx.msk [tilespmem:v8+s22+$0x0], $0xffff  }
0x2bf: {  	v7 =	vld.idx.msk [tilespmem:v7+s22+$0x0], $0xffff  }
0x2c0: {  	[tilespmem:s0+$0x810] =	vst v5  }
0x2c1: {  	v5 =	vld [tilespmem:s31+$0xA10];
	[tilespmem:s0+$0x800] =	vst v6  }
0x2c2: {  	v6 =	vld [tilespmem:s31+$0xA00]  }
0x2c3: {  	[tilespmem:s2+$0x810] =	vst v8  }
0x2c4: {  	v8 =	vld [tilespmem:s1+$0xA10];
	[tilespmem:s2+$0x800] =	vst v7  }
0x2c5: {  	v7 =	vld [tilespmem:s1+$0xA00];
	_ =	sdelay $0x3  }
0x2c6: {  	v5 =	vld.idx.msk [tilespmem:v5+s23+$0x0], $0xffff  }
0x2c7: {  	v6 =	vld.idx.msk [tilespmem:v6+s23+$0x0], $0xffff;
	_ =	sdelay $0x1  }
0x2c8: {  	v8 =	vld.idx.msk [tilespmem:v8+s23+$0x0], $0xffff  }
0x2c9: {  	v7 =	vld.idx.msk [tilespmem:v7+s23+$0x0], $0xffff  }
0x2ca: {  	[tilespmem:s0+$0xA10] =	vst v5  }
0x2cb: {  	v5 =	vld [tilespmem:s31+$0xC10];
	[tilespmem:s0+$0xA00] =	vst v6  }
0x2cc: {  	v6 =	vld [tilespmem:s31+$0xC00]  }
0x2cd: {  	[tilespmem:s2+$0xA10] =	vst v8  }
0x2ce: {  	v8 =	vld [tilespmem:s1+$0xC10];
	[tilespmem:s2+$0xA00] =	vst v7  }
0x2cf: {  	v7 =	vld [tilespmem:s1+$0xC00];
	_ =	sdelay $0x3  }
0x2d0: {  	v5 =	vld.idx.msk [tilespmem:v5+s26+$0x0], $0xffff  }
0x2d1: {  	v6 =	vld.idx.msk [tilespmem:v6+s26+$0x0], $0xffff;
	_ =	sdelay $0x1  }
0x2d2: {  	v8 =	vld.idx.msk [tilespmem:v8+s26+$0x0], $0xffff  }
0x2d3: {  	v7 =	vld.idx.msk [tilespmem:v7+s26+$0x0], $0xffff  }
0x2d4: {  	[tilespmem:s0+$0xC10] =	vst v5  }
0x2d5: {  	v5 =	vld [tilespmem:s31+$0xE10];
	[tilespmem:s0+$0xC00] =	vst v6  }
0x2d6: {  	v6 =	vld [tilespmem:s31+$0xE00]  }
0x2d7: {  	[tilespmem:s2+$0xC10] =	vst v8  }
0x2d8: {  	v8 =	vld [tilespmem:s1+$0xE10];
	[tilespmem:s2+$0xC00] =	vst v7  }
0x2d9: {  	v7 =	vld [tilespmem:s1+$0xE00];
	_ =	sdelay $0x2  }
0x2da: {  	v3 =	vld.idx.msk [tilespmem:v3+s29+$0x0], $0xffff  }
0x2db: {  	v5 =	vld.idx.msk [tilespmem:v5+s29+$0x0], $0xffff  }
0x2dc: {  	v6 =	vld.idx.msk [tilespmem:v6+s29+$0x0], $0xffff;
	_ =	sdelay $0x1  }
0x2dd: {  	v8 =	vld.idx.msk [tilespmem:v8+s29+$0x0], $0xffff  }
0x2de: {  	[tilespmem:s30+$0xE00] =	vst v3;
	v62 =	vld.idx.msk [tilespmem:v7+s29+$0x0], $0xffff  }
0x2df: {  	v3 =	vld [tilespmem:s28+$0x1000];
	[tilespmem:s0+$0xE10] =	vst v5  }
0x2e0: {  	v5 =	vld [tilespmem:s31+$0x1010];
	[tilespmem:s0+$0xE00] =	vst v6  }
0x2e1: {  	[tilespmem:s30+$0xE10] =	vst v4;
	v6 =	vld [tilespmem:s31+$0x1000]  }
0x2e2: {  	v63 =	vld [tilespmem:s28+$0x1010];
	[tilespmem:s2+$0xE10] =	vst v8  }
0x2e3: {  	v8 =	vld [tilespmem:s1+$0x1010];
	[tilespmem:s2+$0xE00] =	vst v62  }
0x2e4: {  	v4 =	vld [tilespmem:s1+$0x1000];
	_ =	sdelay $0x2  }
0x2e5: {  	v3 =	vld.idx.msk [tilespmem:v3+s7+$0x0], $0xffff  }
0x2e6: {  	v5 =	vld.idx.msk [tilespmem:v5+s7+$0x0], $0xffff  }
0x2e7: {  	v6 =	vld.idx.msk [tilespmem:v6+s7+$0x0], $0xffff  }
0x2e8: {  	v7 =	vld.idx.msk [tilespmem:v63+s7+$0x0], $0xffff  }
0x2e9: {  	v8 =	vld.idx.msk [tilespmem:v8+s7+$0x0], $0xffff  }
0x2ea: {  	[tilespmem:s30+$0x1000] =	vst v3;
	v4 =	vld.idx.msk [tilespmem:v4+s7+$0x0], $0xffff  }
0x2eb: {  	v3 =	vld [tilespmem:s28+$0x1200];
	[tilespmem:s0+$0x1010] =	vst v5  }
0x2ec: {  	v5 =	vld [tilespmem:s31+$0x1210];
	[tilespmem:s0+$0x1000] =	vst v6  }
0x2ed: {  	v6 =	vld [tilespmem:s31+$0x1200];
	[tilespmem:s30+$0x1010] =	vst v7  }
0x2ee: {  	v7 =	vld [tilespmem:s28+$0x1210];
	[tilespmem:s2+$0x1010] =	vst v8  }
0x2ef: {  	v8 =	vld [tilespmem:s1+$0x1210];
	[tilespmem:s2+$0x1000] =	vst v4  }
0x2f0: {  	v4 =	vld [tilespmem:s1+$0x1200];
	_ =	sdelay $0x2  }
0x2f1: {  	v3 =	vld.idx.msk [tilespmem:v3+s8+$0x0], $0xffff  }
0x2f2: {  	v5 =	vld.idx.msk [tilespmem:v5+s8+$0x0], $0xffff  }
0x2f3: {  	v6 =	vld.idx.msk [tilespmem:v6+s8+$0x0], $0xffff  }
0x2f4: {  	v7 =	vld.idx.msk [tilespmem:v7+s8+$0x0], $0xffff  }
0x2f5: {  	v8 =	vld.idx.msk [tilespmem:v8+s8+$0x0], $0xffff  }
0x2f6: {  	[tilespmem:s30+$0x1200] =	vst v3;
	v4 =	vld.idx.msk [tilespmem:v4+s8+$0x0], $0xffff  }
0x2f7: {  	v3 =	vld [tilespmem:s28+$0x1400];
	[tilespmem:s0+$0x1210] =	vst v5  }
0x2f8: {  	v5 =	vld [tilespmem:s31+$0x1410];
	[tilespmem:s0+$0x1200] =	vst v6  }
0x2f9: {  	v6 =	vld [tilespmem:s31+$0x1400];
	[tilespmem:s30+$0x1210] =	vst v7  }
0x2fa: {  	v7 =	vld [tilespmem:s28+$0x1410];
	[tilespmem:s2+$0x1210] =	vst v8  }
0x2fb: {  	v8 =	vld [tilespmem:s1+$0x1410];
	[tilespmem:s2+$0x1200] =	vst v4  }
0x2fc: {  	v4 =	vld [tilespmem:s1+$0x1400];
	_ =	sdelay $0x2  }
0x2fd: {  	v3 =	vld.idx.msk [tilespmem:v3+s9+$0x0], $0xffff  }
0x2fe: {  	v5 =	vld.idx.msk [tilespmem:v5+s9+$0x0], $0xffff  }
0x2ff: {  	v6 =	vld.idx.msk [tilespmem:v6+s9+$0x0], $0xffff  }
0x300: {  	v7 =	vld.idx.msk [tilespmem:v7+s9+$0x0], $0xffff  }
0x301: {  	v8 =	vld.idx.msk [tilespmem:v8+s9+$0x0], $0xffff  }
0x302: {  	[tilespmem:s30+$0x1400] =	vst v3;
	v4 =	vld.idx.msk [tilespmem:v4+s9+$0x0], $0xffff  }
0x303: {  	v3 =	vld [tilespmem:s28+$0x1600];
	[tilespmem:s0+$0x1410] =	vst v5  }
0x304: {  	v5 =	vld [tilespmem:s31+$0x1610];
	[tilespmem:s0+$0x1400] =	vst v6  }
0x305: {  	v6 =	vld [tilespmem:s31+$0x1600];
	[tilespmem:s30+$0x1410] =	vst v7  }
0x306: {  	v7 =	vld [tilespmem:s28+$0x1610];
	[tilespmem:s2+$0x1410] =	vst v8  }
0x307: {  	v8 =	vld [tilespmem:s1+$0x1610];
	[tilespmem:s2+$0x1400] =	vst v4  }
0x308: {  	v4 =	vld [tilespmem:s1+$0x1600]  }
0x309: {  	[tilespmem:s24+$0x1600] =	vst v2  }
0x30a: {  	v2 =	vld [tilespmem:s25+$0x1800]  }
0x30b: {  	v3 =	vld.idx.msk [tilespmem:v3+s10+$0x0], $0xffff  }
0x30c: {  	v5 =	vld.idx.msk [tilespmem:v5+s10+$0x0], $0xffff  }
0x30d: {  	v6 =	vld.idx.msk [tilespmem:v6+s10+$0x0], $0xffff  }
0x30e: {  	v7 =	vld.idx.msk [tilespmem:v7+s10+$0x0], $0xffff  }
0x30f: {  	v8 =	vld.idx.msk [tilespmem:v8+s10+$0x0], $0xffff  }
0x310: {  	[tilespmem:s30+$0x1600] =	vst v3;
	v4 =	vld.idx.msk [tilespmem:v4+s10+$0x0], $0xffff  }
0x311: {  	v3 =	vld [tilespmem:s28+$0x1800];
	[tilespmem:s0+$0x1610] =	vst v5  }
0x312: {  	v5 =	vld [tilespmem:s31+$0x1810];
	[tilespmem:s0+$0x1600] =	vst v6  }
0x313: {  	v6 =	vld [tilespmem:s31+$0x1800];
	[tilespmem:s30+$0x1610] =	vst v7  }
0x314: {  	v7 =	vld [tilespmem:s28+$0x1810];
	[tilespmem:s2+$0x1610] =	vst v8  }
0x315: {  	v8 =	vld [tilespmem:s1+$0x1810];
	[tilespmem:s2+$0x1600] =	vst v4  }
0x316: {  	v4 =	vld [tilespmem:s1+$0x1800];
	_ =	sdelay $0x1  }
0x317: {  	v2 =	vld.idx.msk [tilespmem:v2+s11+$0x0], $0xffff  }
0x318: {  	v3 =	vld.idx.msk [tilespmem:v3+s11+$0x0], $0xffff  }
0x319: {  	v5 =	vld.idx.msk [tilespmem:v5+s11+$0x0], $0xffff  }
0x31a: {  	v6 =	vld.idx.msk [tilespmem:v6+s11+$0x0], $0xffff  }
0x31b: {  	v7 =	vld.idx.msk [tilespmem:v7+s11+$0x0], $0xffff  }
0x31c: {  	[tilespmem:s24+$0x1800] =	vst v2;
	v2 =	vld.idx.msk [tilespmem:v8+s11+$0x0], $0xffff  }
0x31d: {  	[tilespmem:s30+$0x1800] =	vst v3;
	v4 =	vld.idx.msk [tilespmem:v4+s11+$0x0], $0xffff  }
0x31e: {  	[tilespmem:s0+$0x1810] =	vst v5  }
0x31f: {  	[tilespmem:s0+$0x1800] =	vst v6  }
0x320: {  	[tilespmem:s30+$0x1810] =	vst v7  }
0x321: {  	[tilespmem:s2+$0x1810] =	vst v2  }
0x322: {  	[tilespmem:s2+$0x1800] =	vst v4  }
0x323: {  	s4 =	simm.s32 $0x400;
	s0 =	rddreg [dreg:$0x1e]  }
0x324: {  	s3 =	simm.s32 $0x80;
	s7 =	simm.s32 $0x3400;
	s8 =	rddreg [dreg:$0x1f]  }
0x325: {  	[hbm4b:s0+s3] =	stream.strided.scatter [tilespmem:s7], [sflag:$0x2], $0x200, s4, s3, $0x38;
	[tilespmem:$0x7380] =	vst v63  }
0x326: {  	s9 =	simm.s32 $0x3600;
	s10 =	sld [smem:$0x7E5]  }
0x327: {  	[hbm4b:s8+s3] =	stream.strided.scatter [tilespmem:s9], [sflag:$0x2], $0x200, s4, s3, $0x38;
	[tilespmem:$0x7380] =	vst v63  }
0x328: {  	s11 =	simm.s32 $0x3800;
	s12 =	sld [smem:$0x7E6]  }
0x329: {  	[hbm4b:s10+s3] =	stream.strided.scatter [tilespmem:s11], [sflag:$0x2], $0x200, s4, s3, $0x38;
	[tilespmem:$0x7380] =	vst v63  }
0x32a: {  	s24 =	simm.s32 $0x3A00;
	s25 =	sld [smem:$0x7E7]  }
0x32b: {  	[hbm4b:s12+s3] =	stream.strided.scatter [tilespmem:s24], [sflag:$0x2], $0x200, s4, s3, $0x38;
	[tilespmem:$0x7380] =	vst v63  }
0x32c: {  	s28 =	simm.s32 $0x3C00;
	s30 =	sld [smem:$0x7E8]  }
0x32d: {  	[hbm4b:s25+s3] =	stream.strided.scatter [tilespmem:s28], [sflag:$0x2], $0x200, s4, s3, $0x38;
	[tilespmem:$0x7380] =	vst v63  }
0x32e: {  	s31 =	simm.s32 $0x3E00;
	s2 =	sld [smem:$0x7E9]  }
0x32f: {  	[hbm4b:s30+s3] =	stream.strided.scatter [tilespmem:s31], [sflag:$0x2], $0x200, s4, s3, $0x38;
	[tilespmem:$0x7380] =	vst v63  }
0x330: {  	s5 =	simm.s32 $0x4000;
	s6 =	sld [smem:$0x7EA]  }
0x331: {  	[hbm4b:s2+s3] =	stream.strided.scatter [tilespmem:s5], [sflag:$0x2], $0x200, s4, s3, $0x38;
	[tilespmem:$0x7380] =	vst v63  }
0x332: {  	s7 =	simm.s32 $0x4200;
	s8 =	sld [smem:$0x7EB]  }
0x333: {  	[hbm4b:s6+s3] =	stream.strided.scatter [tilespmem:s7], [sflag:$0x2], $0x200, s4, s3, $0x38;
	[tilespmem:$0x7380] =	vst v63  }
0x334: {  	s9 =	simm.s32 $0x4400;
	s10 =	sld [smem:$0x7EC]  }
0x335: {  	[hbm4b:s8+s3] =	stream.strided.scatter [tilespmem:s9], [sflag:$0x2], $0x200, s4, s3, $0x38;
	[tilespmem:$0x7380] =	vst v63  }
0x336: {  	s11 =	simm.s32 $0x4600;
	s12 =	sld [smem:$0x7ED]  }
0x337: {  	[hbm4b:s10+s3] =	stream.strided.scatter [tilespmem:s11], [sflag:$0x2], $0x200, s4, s3, $0x38;
	[tilespmem:$0x7380] =	vst v63  }
0x338: {  	s24 =	simm.s32 $0x4800;
	s25 =	sld [smem:$0x7EE]  }
0x339: {  	[hbm4b:s12+s3] =	stream.strided.scatter [tilespmem:s24], [sflag:$0x2], $0x200, s4, s3, $0x38;
	[tilespmem:$0x7380] =	vst v63  }
0x33a: {  	s28 =	simm.s32 $0x4A00;
	s30 =	sld [smem:$0x7EF]  }
0x33b: {  	[hbm4b:s25+s3] =	stream.strided.scatter [tilespmem:s28], [sflag:$0x2], $0x200, s4, s3, $0x38;
	[tilespmem:$0x7380] =	vst v63  }
0x33c: {  	s31 =	simm.s32 $0x4C00;
	s2 =	sld [smem:$0x7F0]  }
0x33d: {  	[hbm4b:s30+s3] =	stream.strided.scatter [tilespmem:s31], [sflag:$0x2], $0x200, s4, s3, $0x38;
	[tilespmem:$0x7380] =	vst v63  }
0x33e: {  	s5 =	simm.s32 $0x4E00;
	s6 =	sld [smem:$0x7F1]  }
0x33f: {  	[hbm4b:s2+s3] =	stream.strided.scatter [tilespmem:s5], [sflag:$0x2], $0x200, s4, s3, $0x38;
	[tilespmem:$0x7380] =	vst v63  }
0x340: {  	s7 =	simm.s32 $0x5000;
	s8 =	sld [smem:$0x7F2]  }
0x341: {  	[hbm4b:s6+s3] =	stream.strided.scatter [tilespmem:s7], [sflag:$0x2], $0x200, s4, s3, $0x38;
	[tilespmem:$0x7380] =	vst v63  }
0x342: {  	s9 =	simm.s32 $0x5200;
	s10 =	sld [smem:$0x7F3]  }
0x343: {  	[hbm4b:s8+s3] =	stream.strided.scatter [tilespmem:s9], [sflag:$0x2], $0x200, s4, s3, $0x38;
	[tilespmem:$0x7380] =	vst v63  }
0x344: {  	s11 =	simm.s32 $0x5400;
	s12 =	sld [smem:$0x7F4]  }
0x345: {  	[hbm4b:s10+s3] =	stream.strided.scatter [tilespmem:s11], [sflag:$0x2], $0x200, s4, s3, $0x38;
	[tilespmem:$0x7380] =	vst v63  }
0x346: {  	s24 =	simm.s32 $0x5600;
	s25 =	sld [smem:$0x7F5]  }
0x347: {  	[hbm4b:s12+s3] =	stream.strided.scatter [tilespmem:s24], [sflag:$0x2], $0x200, s4, s3, $0x38;
	[tilespmem:$0x7380] =	vst v63  }
0x348: {  	s28 =	simm.s32 $0x5800;
	s30 =	sld [smem:$0x7F6]  }
0x349: {  	[hbm4b:s25+s3] =	stream.strided.scatter [tilespmem:s28], [sflag:$0x2], $0x200, s4, s3, $0x38;
	[tilespmem:$0x7380] =	vst v63  }
0x34a: {  	s1 =	sld [smem:$0x7F7];
	s31 =	simm.s32 $0x5A00  }
0x34b: {  	[hbm4b:s30+s3] =	stream.strided.scatter [tilespmem:s31], [sflag:$0x2], $0x200, s4, s3, $0x38;
	[tilespmem:$0x7380] =	vst v63  }
0x34c: {  	s2 =	simm.s32 $0x5C00;
	s5 =	sld [smem:$0x7F8]  }
0x34d: {  	[hbm4b:s1+s3] =	stream.strided.scatter [tilespmem:s2], [sflag:$0x2], $0x200, s4, s3, $0x38;
	[tilespmem:$0x7380] =	vst v63  }
0x34e: {  	s6 =	simm.s32 $0x5E00;
	s7 =	sld [smem:$0x7F9]  }
0x34f: {  	[hbm4b:s5+s3] =	stream.strided.scatter [tilespmem:s6], [sflag:$0x2], $0x200, s4, s3, $0x38;
	[tilespmem:$0x7380] =	vst v63  }
0x350: {  	s8 =	simm.s32 $0x6000;
	s9 =	sld [smem:$0x7FA]  }
0x351: {  	[hbm4b:s7+s3] =	stream.strided.scatter [tilespmem:s8], [sflag:$0x2], $0x200, s4, s3, $0x38;
	[tilespmem:$0x7380] =	vst v63  }
0x352: {  	s10 =	simm.s32 $0x6200;
	s11 =	sld [smem:$0x7FB]  }
0x353: {  	[hbm4b:s9+s3] =	stream.strided.scatter [tilespmem:s10], [sflag:$0x2], $0x200, s4, s3, $0x38;
	[tilespmem:$0x7380] =	vst v63  }
0x354: {  	s12 =	simm.s32 $0x6400;
	s24 =	sld [smem:$0x7FC]  }
0x355: {  	[hbm4b:s11+s3] =	stream.strided.scatter [tilespmem:s12], [sflag:$0x2], $0x200, s4, s3, $0x38;
	[tilespmem:$0x7380] =	vst v63  }
0x356: {  	s25 =	simm.s32 $0x6600;
	s28 =	simm.s32 $0x2  }
0x357: {  	[hbm4b:s24+s3] =	stream.strided.scatter [tilespmem:s25], [sflag:$0x2], $0x200, s4, s3, $0x38;
	[tilespmem:$0x7380] =	vst v63  }
0x358: {  	_ =	swait.ge [sflag:s28], $0x200  }
0x359: {  	[sflag:s28] =	ssyncset.done $0x0  }
0x35a: {  	[sflag:s28] =	ssyncadd.s32 $0xFFFFFE00  }
0x35b: {  	_ =	swait.ge [sflag:s28], $0x200  }
0x35c: {  	[sflag:s28] =	ssyncset.done $0x0  }
0x35d: {  	[sflag:s28] =	ssyncadd.s32 $0xFFFFFE00  }
0x35e: {  	_ =	swait.ge [sflag:s28], $0x200  }
0x35f: {  	[sflag:s28] =	ssyncset.done $0x0  }
0x360: {  	[sflag:s28] =	ssyncadd.s32 $0xFFFFFE00  }
0x361: {  	_ =	swait.ge [sflag:s28], $0x200  }
0x362: {  	[sflag:s28] =	ssyncset.done $0x0  }
0x363: {  	[sflag:s28] =	ssyncadd.s32 $0xFFFFFE00  }
0x364: {  	_ =	swait.ge [sflag:s28], $0x200  }
0x365: {  	[sflag:s28] =	ssyncset.done $0x0  }
0x366: {  	[sflag:s28] =	ssyncadd.s32 $0xFFFFFE00  }
0x367: {  	_ =	swait.ge [sflag:s28], $0x200  }
0x368: {  	[sflag:s28] =	ssyncset.done $0x0  }
0x369: {  	[sflag:s28] =	ssyncadd.s32 $0xFFFFFE00  }
0x36a: {  	_ =	swait.ge [sflag:s28], $0x200  }
0x36b: {  	[sflag:s28] =	ssyncset.done $0x0  }
0x36c: {  	[sflag:s28] =	ssyncadd.s32 $0xFFFFFE00  }
0x36d: {  	_ =	swait.ge [sflag:s28], $0x200  }
0x36e: {  	[sflag:s28] =	ssyncset.done $0x0  }
0x36f: {  	[sflag:s28] =	ssyncadd.s32 $0xFFFFFE00  }
0x370: {  	_ =	swait.ge [sflag:s28], $0x200  }
0x371: {  	[sflag:s28] =	ssyncset.done $0x0  }
0x372: {  	[sflag:s28] =	ssyncadd.s32 $0xFFFFFE00  }
0x373: {  	_ =	swait.ge [sflag:s28], $0x200  }
0x374: {  	[sflag:s28] =	ssyncset.done $0x0  }
0x375: {  	[sflag:s28] =	ssyncadd.s32 $0xFFFFFE00  }
0x376: {  	_ =	swait.ge [sflag:s28], $0x200  }
0x377: {  	[sflag:s28] =	ssyncset.done $0x0  }
0x378: {  	[sflag:s28] =	ssyncadd.s32 $0xFFFFFE00  }
0x379: {  	_ =	swait.ge [sflag:s28], $0x200  }
0x37a: {  	[sflag:s28] =	ssyncset.done $0x0  }
0x37b: {  	[sflag:s28] =	ssyncadd.s32 $0xFFFFFE00  }
0x37c: {  	_ =	swait.ge [sflag:s28], $0x200  }
0x37d: {  	[sflag:s28] =	ssyncset.done $0x0  }
0x37e: {  	[sflag:s28] =	ssyncadd.s32 $0xFFFFFE00  }
0x37f: {  	_ =	swait.ge [sflag:s28], $0x200  }
0x380: {  	[sflag:s28] =	ssyncset.done $0x0  }
0x381: {  	[sflag:s28] =	ssyncadd.s32 $0xFFFFFE00  }
0x382: {  	_ =	swait.ge [sflag:s28], $0x200  }
0x383: {  	[sflag:s28] =	ssyncset.done $0x0  }
0x384: {  	[sflag:s28] =	ssyncadd.s32 $0xFFFFFE00  }
0x385: {  	_ =	swait.ge [sflag:s28], $0x200  }
0x386: {  	[sflag:s28] =	ssyncset.done $0x0  }
0x387: {  	[sflag:s28] =	ssyncadd.s32 $0xFFFFFE00  }
0x388: {  	_ =	swait.ge [sflag:s28], $0x200  }
0x389: {  	[sflag:s28] =	ssyncset.done $0x0  }
0x38a: {  	[sflag:s28] =	ssyncadd.s32 $0xFFFFFE00  }
0x38b: {  	_ =	swait.ge [sflag:s28], $0x200  }
0x38c: {  	[sflag:s28] =	ssyncset.done $0x0  }
0x38d: {  	[sflag:s28] =	ssyncadd.s32 $0xFFFFFE00  }
0x38e: {  	_ =	swait.ge [sflag:s28], $0x200  }
0x38f: {  	[sflag:s28] =	ssyncset.done $0x0  }
0x390: {  	[sflag:s28] =	ssyncadd.s32 $0xFFFFFE00  }
0x391: {  	_ =	swait.ge [sflag:s28], $0x200  }
0x392: {  	[sflag:s28] =	ssyncset.done $0x0  }
0x393: {  	[sflag:s28] =	ssyncadd.s32 $0xFFFFFE00  }
0x394: {  	_ =	swait.ge [sflag:s28], $0x200  }
0x395: {  	[sflag:s28] =	ssyncset.done $0x0  }
0x396: {  	[sflag:s28] =	ssyncadd.s32 $0xFFFFFE00  }
0x397: {  	_ =	swait.ge [sflag:s28], $0x200  }
0x398: {  	[sflag:s28] =	ssyncset.done $0x0  }
0x399: {  	[sflag:s28] =	ssyncadd.s32 $0xFFFFFE00  }
0x39a: {  	_ =	swait.ge [sflag:s28], $0x200  }
0x39b: {  	[sflag:s28] =	ssyncset.done $0x0  }
0x39c: {  	[sflag:s28] =	ssyncadd.s32 $0xFFFFFE00  }
0x39d: {  	_ =	swait.ge [sflag:s28], $0x200  }
0x39e: {  	[sflag:s28] =	ssyncset.done $0x0  }
0x39f: {  	[sflag:s28] =	ssyncadd.s32 $0xFFFFFE00  }
0x3a0: {  	_ =	swait.ge [sflag:s28], $0x200  }
0x3a1: {  	[sflag:s28] =	ssyncset.done $0x0  }
0x3a2: {  	[sflag:s28] =	ssyncadd.s32 $0xFFFFFE00  }
0x3a3: {  	_ =	swait.ge [sflag:s28], $0x200  }
0x3a4: {  	s30 =	sld [smem:$0x7E4]  }
0x3a5: {  	s31 =	sld [smem:$0x7FD];
	_ =	sdelay $0x1  }
0x3a6: {  	s2 =	sadd.s32 $0x1, s30  }
0x3a7: {  	p0 =	sne.s32 s2, s31  }
.Ltmp2:
0x3a8: {  	_ = 	snop;
	(pc) =	sbr.rel @p0 .LBB2_1-.Ltmp2, $4  }
0x3a9: {  	_ = 	snop  }
0x3aa: {  	s6 =	simm.s32 $0x6DB8;
	s7 =	simm.s32 $0x6DF0;
	s8 =	simm.s32 $0x6E28  }
0x3ab: {  	s9 =	simm.s32 $0x6E60;
	s10 =	simm.s32 $0x6E98;
	[sflag:s28] =	ssyncset.done $0x0  }
0x3ac: {  	s11 =	simm.s32 $0x6ED0;
	s12 =	simm.s32 $0x6800;
	[sflag:s28] =	ssyncadd.s32 $0xFFFFFE00  }
0x3ad: {  	_ =	sfence.sel $0x180000  }
0x3ae: {  	[bflag:$0x0] =	sbarrier.arrive $0xFFFF  }
0x3af: {  	_ =	strace $0x90000047  }
0x3b0: {  	s0 =	stileid.u32;
	[bflag:$0x2] =	sbarrier.arrive $0xFFFF  }
0x3b1: {  	p0 =	sne.s32 s0, $0x0;
	s0 =	rddreg [dreg:$0x3]  }
0x3b2: {  	s0 =	sadd.s32 @!p0 $0x100000, s0  }
0x3b3: {  	[sflag:s0] =	ssyncadd.tile.s32 @!p0 $0x1;
	_ =	shalt  }
.Lfunc_end2:
_tile_overlayer_lowered:
.L_overlay_start_2:
0x3b4: {  	(tag) =	ssettag $0x2  }
0x3b5: {  	s0 =	rddreg [dreg:$0x0];
	s2 =	stileid.u32  }
0x3b6: {  	s1 =	rddreg [dreg:$0x1];
	p0 =	sne.s32 s2, $0x0  }
0x3b7: {  	s3 =	rddreg [dreg:$0x2];
	[bflag:$0x3] =	sbarrier.arrive $0xFFFF;
	s2 =	simm.s32 @!p0 $0x1C03  }
0x3b8: {  	[timem:s3], [sflag:s2] =	dma.local @!p0 [hbm:s0], s1  }
0x3b9: {  	s0 =	simm.s32 @!p0 $0x3  }
0x3ba: {  	_ =	swait.ge @!p0 [sflag:s0], s1  }
0x3bb: {  	s1 =	ssub.s32 @!p0 $0x0, s1;
	[sflag:s0] =	ssyncset.done @!p0 $0x0  }
0x3bc: {  	[sflag:s0] =	ssyncadd.s32 @!p0 s1  }
0x3bd: {  	[bflag:$0x3] =	sbarrier.arrive $0xFFFF  }
0x3be: {  	_ =	shalt  }

</sc_bundles>
